<compile_context>
chip_gen: v7x
topology: tpu7x:2x2x1
jax: 0.10.2.dev20260603
libtpu: 0.0.44.dev20260713+nightly
codegen_flags: <defaults>
</compile_context>

<pallas_src>
import jax
import jax.numpy as jnp
from jax import lax
from jax.experimental import pallas as pl
from jax.experimental.pallas import tpu as pltpu
from jax.experimental.pallas import tpu_sc as plsc

N_NODES = 10000
K_ITERS = 3
ALPHA = 0.5
D_FEAT = 256
DH = 128
NC, NS = 2, 16
NPAD = 10240
ROWS_PER_TILE = NPAD // NS
ROW_CHUNK = 32
N_ROW_CHUNKS = ROWS_PER_TILE // ROW_CHUNK
E_EDGES = 160000
EPAD = 163840
EDGES_PER_TILE = EPAD // NS
ECHUNK = 128
N_ECHUNKS = EDGES_PER_TILE // ECHUNK

_F32 = jnp.float32
_I32 = jnp.int32


def _sc_body(xp, srcr, dstr, outp, hpr,
             agg, deg2d, sbuf, dbuf, sadjA, sadjB, dadjA, dadjB,
             gbufA, gbufB, abuf, hbuf, xbuf, zbuf, zb16, ones16, degbuf,
             dinv1d, semA, semB, semI, semST, semZ):
    c = lax.axis_index("c")
    s = lax.axis_index("s")
    half = jnp.float32(0.5)
    coff = c * DH

    zeros_v = jnp.zeros((16,), _F32)
    ones_v = jnp.ones((16,), _F32)

    def fill_body(r, _):
        ones16[r, pl.ds(0, 16)] = ones_v
        return 0
    lax.fori_loop(0, ECHUNK, fill_body, 0)

    def fillz_body(r, _):
        for j in range(DH // 16):
            zbuf[r, pl.ds(j * 16, 16)] = zeros_v
        zb16[r, pl.ds(0, 16)] = zeros_v
        return 0
    lax.fori_loop(0, ROW_CHUNK, fillz_body, 0)

    def zero_both(ch, _):
        nbase = s * ROWS_PER_TILE + ch * ROW_CHUNK
        pltpu.sync_copy(zbuf, agg.at[pl.ds(nbase, ROW_CHUNK), :])
        pltpu.sync_copy(zb16, deg2d.at[pl.ds(nbase, ROW_CHUNK), :])
        return 0
    lax.fori_loop(0, N_ROW_CHUNKS, zero_both, 0)
    plsc.subcore_barrier()

    pltpu.sync_copy(dstr.at[pl.ds(s * EDGES_PER_TILE, ECHUNK)], dbuf)

    def deg_pair(t, _):
        off = s * EDGES_PER_TILE + 2 * t * ECHUNK
        pltpu.async_copy(dstr.at[pl.ds(off + ECHUNK, ECHUNK)], sbuf, semA)
        pltpu.sync_copy(ones16, deg2d.at[dbuf], add=True)

        @pl.when(t < N_ECHUNKS // 2 - 1)
        def _():
            pltpu.async_copy(
                dstr.at[pl.ds(off + 2 * ECHUNK, ECHUNK)], dbuf, semB)

        pltpu.make_async_copy(dstr.at[pl.ds(0, ECHUNK)], sbuf, semA).wait()
        pltpu.sync_copy(ones16, deg2d.at[sbuf], add=True)

        @pl.when(t < N_ECHUNKS // 2 - 1)
        def _():
            pltpu.make_async_copy(
                dstr.at[pl.ds(0, ECHUNK)], dbuf, semB).wait()
        return 0
    lax.fori_loop(0, N_ECHUNKS // 2, deg_pair, 0)
    plsc.subcore_barrier()

    def newton_chunk(ch, _):
        nbase = s * ROWS_PER_TILE + ch * ROW_CHUNK
        pltpu.sync_copy(deg2d.at[pl.ds(nbase, ROW_CHUNK), :], degbuf)

        iota_v = lax.iota(_I32, 16)
        zero_i = jnp.zeros((16,), _I32)
        for t in range(ROW_CHUNK // 16):
            rows = jnp.full((16,), t * 16, _I32) + iota_v
            d = plsc.load_gather(degbuf, [rows, zero_i]) + ones_v
            sq = jnp.full((16,), 512.0, _F32)
            for thresh, seed in ((65536.0, 256.0), (16384.0, 128.0),
                                 (4096.0, 64.0), (1024.0, 32.0),
                                 (256.0, 16.0), (64.0, 8.0),
                                 (16.0, 4.0), (4.0, 2.0)):
                sq = jnp.where(d < jnp.float32(thresh),
                               jnp.full((16,), seed, _F32), sq)
            for _it in range(5):
                sq = (sq + d / sq) * half
            out_rows = jnp.full((16,), ch * ROW_CHUNK + t * 16, _I32) + iota_v
            plsc.store_scatter(dinv1d, [out_rows], ones_v / sq)
        return 0
    lax.fori_loop(0, N_ROW_CHUNKS, newton_chunk, 0)

    HC = ROW_CHUNK // 2

    def h0_chunk(ch, _):
        nbase = s * ROWS_PER_TILE + ch * ROW_CHUNK
        gbase = c * NPAD + nbase

        @pl.when(nbase + ROW_CHUNK <= N_NODES)
        def _():
            pltpu.sync_copy(
                xp.at[pl.ds(nbase, ROW_CHUNK), pl.ds(coff, DH)], xbuf)

        @pl.when(nbase + ROW_CHUNK == N_NODES + HC)
        def _():
            pltpu.sync_copy(xp.at[pl.ds(nbase, HC), pl.ds(coff, DH)],
                            xbuf.at[pl.ds(0, HC), :])

        @pl.when(jnp.logical_and(ch > 0, nbase - ROW_CHUNK < N_NODES))
        def _():
            pltpu.make_async_copy(
                hbuf, hpr.at[pl.ds(gbase, ROW_CHUNK), :], semST).wait()

        @pl.when(nbase < N_NODES)
        def _():
            def h0_body(r, _):
                dv = plsc.load_gather(
                    dinv1d, [jnp.full((16,), ch * ROW_CHUNK + r, _I32)])
                for j in range(DH // 16):
                    hbuf[r, pl.ds(j * 16, 16)] = (
                        xbuf[r, pl.ds(j * 16, 16)] * dv)
                return 0
            lax.fori_loop(0, ROW_CHUNK, h0_body, 0)
            pltpu.async_copy(hbuf, hpr.at[pl.ds(gbase, ROW_CHUNK), :], semST)
        return 0
    lax.fori_loop(0, N_ROW_CHUNKS, h0_chunk, 0)
    last_nb = s * ROWS_PER_TILE + (N_ROW_CHUNKS - 1) * ROW_CHUNK

    @pl.when(last_nb < N_NODES)
    def _():
        pltpu.make_async_copy(
            hbuf, hpr.at[pl.ds(0, ROW_CHUNK), :], semST).wait()
    plsc.subcore_barrier()

    coff_v = jnp.full((16,), c * NPAD, _I32)

    H = ECHUNK // 2

    def load_group(g):
        off = s * EDGES_PER_TILE + g * ECHUNK
        pltpu.sync_copy(srcr.at[pl.ds(off, ECHUNK)], sbuf)
        pltpu.sync_copy(dstr.at[pl.ds(off, ECHUNK)], dbuf)

    def build_half(sadj, dadj, base):
        for i in range(H // 16):
            sadj[pl.ds(i * 16, 16)] = sbuf[pl.ds(base + i * 16, 16)] + coff_v
            dadj[pl.ds(i * 16, 16)] = dbuf[pl.ds(base + i * 16, 16)]

    def edge_loop():
        load_group(0)
        build_half(sadjA, dadjA, 0)
        build_half(sadjB, dadjB, H)
        pltpu.async_copy(hpr.at[sadjA], gbufA, semA)

        def edge_group(g, _):
            pltpu.async_copy(hpr.at[sadjB], gbufB, semB)

            @pl.when(g < N_ECHUNKS - 1)
            def _():
                off = s * EDGES_PER_TILE + (g + 1) * ECHUNK
                pltpu.async_copy(srcr.at[pl.ds(off, ECHUNK)], sbuf, semI)
                pltpu.async_copy(dstr.at[pl.ds(off, ECHUNK)], dbuf, semI)

            pltpu.make_async_copy(hpr.at[sadjA], gbufA, semA).wait()
            pltpu.sync_copy(gbufA, agg.at[dadjA], add=True)

            @pl.when(g < N_ECHUNKS - 1)
            def _():
                pltpu.make_async_copy(
                    srcr.at[pl.ds(0, ECHUNK)], sbuf, semI).wait()
                pltpu.make_async_copy(
                    dstr.at[pl.ds(0, ECHUNK)], dbuf, semI).wait()
                build_half(sadjA, dadjA, 0)
                pltpu.async_copy(hpr.at[sadjA], gbufA, semA)

            pltpu.make_async_copy(hpr.at[sadjB], gbufB, semB).wait()
            pltpu.sync_copy(gbufB, agg.at[dadjB], add=True)

            @pl.when(g < N_ECHUNKS - 1)
            def _():
                build_half(sadjB, dadjB, H)
            return 0
        lax.fori_loop(0, N_ECHUNKS, edge_group, 0)

    def upd_chunk(ch, last):
        nbase = s * ROWS_PER_TILE + ch * ROW_CHUNK
        gbase = c * NPAD + nbase
        @pl.when(jnp.logical_and(ch > 0, nbase - ROW_CHUNK < N_NODES))
        def _():
            pltpu.make_async_copy(
                abuf, hpr.at[pl.ds(gbase, ROW_CHUNK), :], semST).wait()

        cpa = pltpu.make_async_copy(agg.at[pl.ds(nbase, ROW_CHUNK), :],
                                    abuf, semA)
        cph = pltpu.make_async_copy(hpr.at[pl.ds(gbase, ROW_CHUNK), :],
                                    hbuf, semB)
        cpx = pltpu.make_async_copy(
            xp.at[pl.ds(nbase, ROW_CHUNK), pl.ds(coff, DH)], xbuf, semI)
        cpxh = pltpu.make_async_copy(
            xp.at[pl.ds(nbase, HC), pl.ds(coff, DH)],
            xbuf.at[pl.ds(0, HC), :], semI)
        cpa.start()
        cph.start()

        @pl.when(nbase + ROW_CHUNK <= N_NODES)
        def _():
            cpx.start()

        @pl.when(nbase + ROW_CHUNK == N_NODES + HC)
        def _():
            cpxh.start()

        cpa.wait()
        cph.wait()

        @pl.when(nbase + ROW_CHUNK <= N_NODES)
        def _():
            cpx.wait()

        @pl.when(nbase + ROW_CHUNK == N_NODES + HC)
        def _():
            cpxh.wait()

        def upd_body(r, _):
            dv = plsc.load_gather(
                dinv1d, [jnp.full((16,), ch * ROW_CHUNK + r, _I32)])
            if not last:
                av = half * dv * dv
                bv = half * dv
            else:
                av = half * dv
                bv = jnp.full((16,), half, _F32)
            for j in range(DH // 16):
                sj = abuf[r, pl.ds(j * 16, 16)] + hbuf[r, pl.ds(j * 16, 16)]
                o = av * sj + bv * xbuf[r, pl.ds(j * 16, 16)]
                if last:
                    o = jnp.maximum(o, jnp.float32(0.0))
                abuf[r, pl.ds(j * 16, 16)] = o
            return 0
        @pl.when(nbase < N_NODES)
        def _():
            lax.fori_loop(0, ROW_CHUNK, upd_body, 0)
            if not last:
                pltpu.async_copy(
                    abuf, hpr.at[pl.ds(gbase, ROW_CHUNK), :], semST)
            else:
                pltpu.async_copy(
                    abuf, outp.at[pl.ds(nbase, ROW_CHUNK), pl.ds(coff, DH)],
                    semST)
        if not last:
            pltpu.async_copy(zbuf, agg.at[pl.ds(nbase, ROW_CHUNK), :], semZ)
        return 0

    def drain_upd(target):
        nb_last = s * ROWS_PER_TILE + (N_ROW_CHUNKS - 1) * ROW_CHUNK

        @pl.when(nb_last < N_NODES)
        def _():
            pltpu.make_async_copy(
                abuf, target.at[pl.ds(0, ROW_CHUNK), pl.ds(0, DH)],
                semST).wait()

    def hop01(k, _):
        edge_loop()
        plsc.subcore_barrier()
        lax.fori_loop(0, N_ROW_CHUNKS, lambda i, cc: upd_chunk(i, False), 0)
        drain_upd(hpr)

        def drain_z(i, _):
            pltpu.make_async_copy(
                zbuf, agg.at[pl.ds(0, ROW_CHUNK), :], semZ).wait()
            return 0
        lax.fori_loop(0, N_ROW_CHUNKS, drain_z, 0)
        plsc.subcore_barrier()
        return 0
    lax.fori_loop(0, K_ITERS - 1, hop01, 0)

    edge_loop()
    plsc.subcore_barrier()
    lax.fori_loop(0, N_ROW_CHUNKS, lambda i, cc: upd_chunk(i, True), 0)
    drain_upd(outp)


@jax.jit
def _sc_propagate(xp, srcr, dstr):
    mesh = plsc.VectorSubcoreMesh(core_axis_name="c", subcore_axis_name="s",
                                  num_cores=NC, num_subcores=NS)
    f = pl.kernel(
        _sc_body,
        out_type=(jax.ShapeDtypeStruct((NPAD, D_FEAT), _F32),
                  jax.ShapeDtypeStruct((NC * NPAD, DH), _F32)),
        mesh=mesh,
        scratch_types=[
            pltpu.MemorySpace.VMEM_SHARED((NPAD, DH), _F32),
            pltpu.MemorySpace.VMEM_SHARED((NPAD, 16), _F32),
            pltpu.VMEM((ECHUNK,), _I32),
            pltpu.VMEM((ECHUNK,), _I32),
            pltpu.VMEM((ECHUNK // 2,), _I32),
            pltpu.VMEM((ECHUNK // 2,), _I32),
            pltpu.VMEM((ECHUNK // 2,), _I32),
            pltpu.VMEM((ECHUNK // 2,), _I32),
            pltpu.VMEM((ECHUNK // 2, DH), _F32),
            pltpu.VMEM((ECHUNK // 2, DH), _F32),
            pltpu.VMEM((ROW_CHUNK, DH), _F32),
            pltpu.VMEM((ROW_CHUNK, DH), _F32),
            pltpu.VMEM((ROW_CHUNK, DH), _F32),
            pltpu.VMEM((ROW_CHUNK, DH), _F32),
            pltpu.VMEM((ROW_CHUNK, 16), _F32),
            pltpu.VMEM((ECHUNK, 16), _F32),
            pltpu.VMEM((ROW_CHUNK, 16), _F32),
            pltpu.VMEM((ROWS_PER_TILE,), _F32),
            pltpu.SemaphoreType.DMA,
            pltpu.SemaphoreType.DMA,
            pltpu.SemaphoreType.DMA,
            pltpu.SemaphoreType.DMA,
            pltpu.SemaphoreType.DMA,
        ],
        compiler_params=pltpu.CompilerParams(use_tc_tiling_on_sc=False,
                                             needs_layout_passes=False),
        name="appnp_sc_propagate",
    )
    return f(xp, srcr, dstr)


def _mlp_body(p_ref, w1_ref, b1_ref, w2_ref, b2_ref, emb_ref, log_ref):
    pb = p_ref[...]
    emb = lax.dot_general(pb, w1_ref[...], (((1,), (1,)), ((), ())),
                          preferred_element_type=_F32) + b1_ref[...]
    emb_ref[...] = emb
    r = jnp.maximum(emb, jnp.float32(0.0))
    log_ref[...] = lax.dot_general(r, w2_ref[...], (((1,), (1,)), ((), ())),
                                   preferred_element_type=_F32) + b2_ref[...]


def _mlp(p, W1, b1, W2, b2):
    BR = 1000
    grid = (N_NODES // BR,)
    return pl.pallas_call(
        _mlp_body,
        grid=grid,
        in_specs=[
            pl.BlockSpec((BR, D_FEAT), lambda i: (i, 0)),
            pl.BlockSpec((D_FEAT, D_FEAT), lambda i: (0, 0)),
            pl.BlockSpec((1, D_FEAT), lambda i: (0, 0)),
            pl.BlockSpec((40, D_FEAT), lambda i: (0, 0)),
            pl.BlockSpec((1, 40), lambda i: (0, 0)),
        ],
        out_specs=[
            pl.BlockSpec((BR, D_FEAT), lambda i: (i, 0)),
            pl.BlockSpec((BR, 40), lambda i: (i, 0)),
        ],
        out_shape=[
            jax.ShapeDtypeStruct((N_NODES, D_FEAT), _F32),
            jax.ShapeDtypeStruct((N_NODES, 40), _F32),
        ],
    )(p, W1, b1, W2, b2)


def kernel(x, edge_index, W1, b1, W2, b2):
    src = edge_index[0].astype(_I32)
    dst = edge_index[1].astype(_I32)
    npad_e = EPAD - E_EDGES
    pad_idx = (N_NODES + jnp.arange(npad_e, dtype=_I32) % (NPAD - N_NODES))
    srcr = jnp.concatenate([src, pad_idx])
    dstr = jnp.concatenate([dst, pad_idx])
    outp, _ = _sc_propagate(x, srcr, dstr)
    return _mlp(outp, W1, b1.reshape(1, -1), W2, b2.reshape(1, -1))

# --- scband reference (transcript-rebuilt; emitter-appended) ---
"""Pipeline reference for scband-appnp-13039520710958 (READ-ONLY COPY).

The authoritative reference and input builder live on the scoring server;
editing this copy changes nothing except your own understanding.
"""

import jax, jax.numpy as jnp
import numpy as np

N_NODES = 10000
K_ITERS = 3
ALPHA = 0.5

def setup_inputs(seed: int = 0) -> dict:
    key = jax.random.key(seed)
    k1, k2, k3, k4, k5, k6 = jax.random.split(key, 6)
    x = jax.random.normal(k1, (N_NODES, 256), dtype=jnp.float32)
    edge_index = jax.random.randint(k2, (2, 160000), 0, N_NODES, dtype=jnp.int64)
    # linear1: in=256 (num_features), out=256 (embedding_dim)
    W1 = jax.random.normal(k3, (256, 256), dtype=jnp.float32) * (1.0 / np.sqrt(256))
    b1 = jax.random.normal(k4, (256,), dtype=jnp.float32) * 0.01
    # linear2: in=256 (embedding_dim), out=40 (num_classes)
    W2 = jax.random.normal(k5, (40, 256), dtype=jnp.float32) * (1.0 / np.sqrt(256))
    b2 = jax.random.normal(k6, (40,), dtype=jnp.float32) * 0.01
    return {"x": x, "edge_index": edge_index, "W1": W1, "b1": b1, "W2": W2, "b2": b2}

def _appnp_propagate(x, edge_index):
    N = x.shape[0]
    src = edge_index[0]
    dst = edge_index[1]
    # gcn_norm with added self-loops (PyG APPNPConv default)
    loop = jnp.arange(N, dtype=src.dtype)
    src_sl = jnp.concatenate([src, loop])
    dst_sl = jnp.concatenate([dst, loop])
    deg = jnp.zeros((N,), dtype=x.dtype).at[dst_sl].add(1.0)
    deg_inv_sqrt = jnp.where(deg > 0, 1.0 / jnp.sqrt(deg), 0.0)
    norm = deg_inv_sqrt[src_sl] * deg_inv_sqrt[dst_sl]
    h = x
    for _ in range(K_ITERS):
        msg = h[src_sl] * norm[:, None]
        agg = jnp.zeros_like(x).at[dst_sl].add(msg)
        h = (1.0 - ALPHA) * agg + ALPHA * x
    return h

def reference(x, edge_index, W1, b1, W2, b2):
    h = _appnp_propagate(x, edge_index)
    h = jax.nn.relu(h)
    # dropout is identity in eval mode
    embedding = h @ W1.T + b1
    logits = jax.nn.relu(embedding)
    logits = logits @ W2.T + b2
    return (embedding, logits)

if __name__ == "__main__":
    import jax
    _d = setup_inputs()
    print(jax.jit(kernel)(*tuple(_d.values())))

</pallas_src>

<mosaic_0001>
#map = affine_map<(d0, d1) -> (0, 0)>
#map1 = affine_map<(d0, d1) -> (0)>
module attributes {stable_mosaic.version = 14 : i64} {
  func.func @appnp_sc_propagate(%arg0: i32, %arg1: i32, %arg2: memref<10000x256xf32, #tpu.memory_space<hbm>>, %arg3: memref<163840xi32, #tpu.memory_space<hbm>>, %arg4: memref<163840xi32, #tpu.memory_space<hbm>>, %arg5: memref<10240x256xf32, #tpu.memory_space<hbm>>, %arg6: memref<20480x128xf32, #tpu.memory_space<hbm>>, %arg7: memref<10240x128xf32, #tpu.memory_space<vmem_shared>>, %arg8: memref<10240x16xf32, #tpu.memory_space<vmem_shared>>, %arg9: memref<128xi32, #tpu.memory_space<vmem>>, %arg10: memref<128xi32, #tpu.memory_space<vmem>>, %arg11: memref<64xi32, #tpu.memory_space<vmem>>, %arg12: memref<64xi32, #tpu.memory_space<vmem>>, %arg13: memref<64xi32, #tpu.memory_space<vmem>>, %arg14: memref<64xi32, #tpu.memory_space<vmem>>, %arg15: memref<64x128xf32, #tpu.memory_space<vmem>>, %arg16: memref<64x128xf32, #tpu.memory_space<vmem>>, %arg17: memref<32x128xf32, #tpu.memory_space<vmem>>, %arg18: memref<32x128xf32, #tpu.memory_space<vmem>>, %arg19: memref<32x128xf32, #tpu.memory_space<vmem>>, %arg20: memref<32x128xf32, #tpu.memory_space<vmem>>, %arg21: memref<32x16xf32, #tpu.memory_space<vmem>>, %arg22: memref<128x16xf32, #tpu.memory_space<vmem>>, %arg23: memref<32x16xf32, #tpu.memory_space<vmem>>, %arg24: memref<640xf32, #tpu.memory_space<vmem>>, %arg25: memref<!tpu.dma_semaphore, #tpu.memory_space<semaphore_mem>>, %arg26: memref<!tpu.dma_semaphore, #tpu.memory_space<semaphore_mem>>, %arg27: memref<!tpu.dma_semaphore, #tpu.memory_space<semaphore_mem>>, %arg28: memref<!tpu.dma_semaphore, #tpu.memory_space<semaphore_mem>>, %arg29: memref<!tpu.dma_semaphore, #tpu.memory_space<semaphore_mem>>) attributes {dimension_semantics = [#tpu.dimension_semantics<core_parallel>, #tpu.dimension_semantics<subcore_parallel>], iteration_bounds = array<i64: 2, 16>, scalar_prefetch = 0 : i64, scratch_operands = 23 : i64, tpu.core_type = #tpu.core_type<sc_vector_subcore>, window_params = [{transform_indices = #map}, {transform_indices = #map1}, {transform_indices = #map1}, {transform_indices = #map}, {transform_indices = #map}]} {
    %mul3A = arith.constant 128 : i32
    %mul3A_0 = arith.muli %arg0, %mul3A : i32
    %broadcast_in_dim3A = arith.constant 0.000000e+00 : f32
    %broadcast_in_dim3A_1 = vector.broadcast %broadcast_in_dim3A : f32 to vector<16xf32>
    %broadcast_in_dim3A_2 = arith.constant 1.000000e+00 : f32
    %broadcast_in_dim3A_3 = vector.broadcast %broadcast_in_dim3A_2 : f32 to vector<16xf32>
    %scan3A = arith.constant 0 : i32
    %scan3A_4 = arith.constant 0 : i32
    %scan3A_5 = arith.constant 128 : i32
    %scan3A_6 = arith.addi %scan3A_4, %scan3A_5 : i32
    %scan3A_7 = arith.constant 1 : i32
    %scan3A_8 = scf.for %scan3A_167 = %scan3A_4 to %scan3A_6 step %scan3A_7 iter_args(%scan3A_168 = %scan3A) -> (i32)  : i32 {
      %swap3A_169 = arith.index_cast %scan3A_167 : i32 to index
      %swap3A_170 = arith.constant 0 : index
      %swap3A_171 = tpu.vector_load %arg22[%swap3A_169, %swap3A_170] {strides = array<i32>} : memref<128x16xf32, #tpu.memory_space<vmem>>, vector<16xf32>,
      tpu.vector_store %arg22[%swap3A_169, %swap3A_170], %broadcast_in_dim3A_3 {strides = array<i32>} : memref<128x16xf32, #tpu.memory_space<vmem>>, vector<16xf32>,
      %scan3A_172 = arith.constant 0 : i32
      scf.yield %scan3A_172 : i32
    }
    %scan3A_9 = arith.constant 128 : i32
    %scan3A_10 = arith.constant 0 : i32
    %scan3A_11 = arith.constant 0 : i32
    %scan3A_12 = arith.constant 32 : i32
    %scan3A_13 = arith.addi %scan3A_11, %scan3A_12 : i32
    %scan3A_14 = arith.constant 1 : i32
    %scan3A_15 = scf.for %scan3A_167 = %scan3A_11 to %scan3A_13 step %scan3A_14 iter_args(%scan3A_168 = %scan3A_10) -> (i32)  : i32 {
      %swap3A_169 = arith.index_cast %scan3A_167 : i32 to index
      %swap3A_170 = arith.constant 0 : index
      %swap3A_171 = tpu.vector_load %arg20[%swap3A_169, %swap3A_170] {strides = array<i32>} : memref<32x128xf32, #tpu.memory_space<vmem>>, vector<16xf32>,
      tpu.vector_store %arg20[%swap3A_169, %swap3A_170], %broadcast_in_dim3A_1 {strides = array<i32>} : memref<32x128xf32, #tpu.memory_space<vmem>>, vector<16xf32>,
      %swap3A_172 = arith.index_cast %scan3A_167 : i32 to index
      %swap3A_173 = arith.constant 16 : index
      %swap3A_174 = tpu.vector_load %arg20[%swap3A_172, %swap3A_173] {strides = array<i32>} : memref<32x128xf32, #tpu.memory_space<vmem>>, vector<16xf32>,
      tpu.vector_store %arg20[%swap3A_172, %swap3A_173], %broadcast_in_dim3A_1 {strides = array<i32>} : memref<32x128xf32, #tpu.memory_space<vmem>>, vector<16xf32>,
      %swap3A_175 = arith.index_cast %scan3A_167 : i32 to index
      %swap3A_176 = arith.constant 32 : index
      %swap3A_177 = tpu.vector_load %arg20[%swap3A_175, %swap3A_176] {strides = array<i32>} : memref<32x128xf32, #tpu.memory_space<vmem>>, vector<16xf32>,
      tpu.vector_store %arg20[%swap3A_175, %swap3A_176], %broadcast_in_dim3A_1 {strides = array<i32>} : memref<32x128xf32, #tpu.memory_space<vmem>>, vector<16xf32>,
      %swap3A_178 = arith.index_cast %scan3A_167 : i32 to index
      %swap3A_179 = arith.constant 48 : index
      %swap3A_180 = tpu.vector_load %arg20[%swap3A_178, %swap3A_179] {strides = array<i32>} : memref<32x128xf32, #tpu.memory_space<vmem>>, vector<16xf32>,
      tpu.vector_store %arg20[%swap3A_178, %swap3A_179], %broadcast_in_dim3A_1 {strides = array<i32>} : memref<32x128xf32, #tpu.memory_space<vmem>>, vector<16xf32>,
      %swap3A_181 = arith.index_cast %scan3A_167 : i32 to index
      %swap3A_182 = arith.constant 64 : index
      %swap3A_183 = tpu.vector_load %arg20[%swap3A_181, %swap3A_182] {strides = array<i32>} : memref<32x128xf32, #tpu.memory_space<vmem>>, vector<16xf32>,
      tpu.vector_store %arg20[%swap3A_181, %swap3A_182], %broadcast_in_dim3A_1 {strides = array<i32>} : memref<32x128xf32, #tpu.memory_space<vmem>>, vector<16xf32>,
      %swap3A_184 = arith.index_cast %scan3A_167 : i32 to index
      %swap3A_185 = arith.constant 80 : index
      %swap3A_186 = tpu.vector_load %arg20[%swap3A_184, %swap3A_185] {strides = array<i32>} : memref<32x128xf32, #tpu.memory_space<vmem>>, vector<16xf32>,
      tpu.vector_store %arg20[%swap3A_184, %swap3A_185], %broadcast_in_dim3A_1 {strides = array<i32>} : memref<32x128xf32, #tpu.memory_space<vmem>>, vector<16xf32>,
      %swap3A_187 = arith.index_cast %scan3A_167 : i32 to index
      %swap3A_188 = arith.constant 96 : index
      %swap3A_189 = tpu.vector_load %arg20[%swap3A_187, %swap3A_188] {strides = array<i32>} : memref<32x128xf32, #tpu.memory_space<vmem>>, vector<16xf32>,
      tpu.vector_store %arg20[%swap3A_187, %swap3A_188], %broadcast_in_dim3A_1 {strides = array<i32>} : memref<32x128xf32, #tpu.memory_space<vmem>>, vector<16xf32>,
      %swap3A_190 = arith.index_cast %scan3A_167 : i32 to index
      %swap3A_191 = arith.constant 112 : index
      %swap3A_192 = tpu.vector_load %arg20[%swap3A_190, %swap3A_191] {strides = array<i32>} : memref<32x128xf32, #tpu.memory_space<vmem>>, vector<16xf32>,
      tpu.vector_store %arg20[%swap3A_190, %swap3A_191], %broadcast_in_dim3A_1 {strides = array<i32>} : memref<32x128xf32, #tpu.memory_space<vmem>>, vector<16xf32>,
      %swap3A_193 = arith.index_cast %scan3A_167 : i32 to index
      %swap3A_194 = arith.constant 0 : index
      %swap3A_195 = tpu.vector_load %arg21[%swap3A_193, %swap3A_194] {strides = array<i32>} : memref<32x16xf32, #tpu.memory_space<vmem>>, vector<16xf32>,
      tpu.vector_store %arg21[%swap3A_193, %swap3A_194], %broadcast_in_dim3A_1 {strides = array<i32>} : memref<32x16xf32, #tpu.memory_space<vmem>>, vector<16xf32>,
      %scan3A_196 = arith.constant 0 : i32
      scf.yield %scan3A_196 : i32
    }
    %scan3A_16 = arith.constant 32 : i32
    %scan3A_17 = arith.constant 0 : i32
    %scan3A_18 = arith.constant 0 : i32
    %scan3A_19 = arith.constant 20 : i32
    %scan3A_20 = arith.addi %scan3A_18, %scan3A_19 : i32
    %scan3A_21 = arith.constant 1 : i32
    %scan3A_22 = scf.for %scan3A_167 = %scan3A_18 to %scan3A_20 step %scan3A_21 iter_args(%scan3A_168 = %scan3A_17) -> (i32)  : i32 {
      %mul3A_169 = arith.constant 640 : i32
      %mul3A_170 = arith.muli %arg1, %mul3A_169 : i32
      %mul3A_171 = arith.constant 32 : i32
      %mul3A_172 = arith.muli %scan3A_167, %mul3A_171 : i32
      %add3A_173 = arith.addi %mul3A_170, %mul3A_172 : i32
      "tpu.region"() ({
        %run_scoped3A = tpu.sem_alloc : memref<!tpu.dma_semaphore, #tpu.memory_space<semaphore_mem>>
        %dma_start3A_175 = arith.constant 0 : i32
        %dma_start3A_176 = tpu.memref_slice %arg7[%add3A_173, %dma_start3A_175] : memref<10240x128xf32, #tpu.memory_space<vmem_shared>> -> memref<32x128xf32, #tpu.memory_space<vmem_shared>>
        %dma_start3A_177 = arith.constant 0 : i32
        %dma_start3A_178 = tpu.memref_slice %arg7[%add3A_173, %dma_start3A_177] : memref<10240x128xf32, #tpu.memory_space<vmem_shared>> -> memref<32x128xf32, #tpu.memory_space<vmem_shared>>
        tpu.enqueue_dma source(%arg20 : memref<32x128xf32, #tpu.memory_space<vmem>>) target(%dma_start3A_178 : memref<32x128xf32, #tpu.memory_space<vmem_shared>>) target_semaphore(%run_scoped3A : memref<!tpu.dma_semaphore, #tpu.memory_space<semaphore_mem>>)
        %dma_wait3A = arith.constant 0 : i32
        %dma_wait3A_179 = tpu.memref_slice %arg7[%add3A_173, %dma_wait3A] : memref<10240x128xf32, #tpu.memory_space<vmem_shared>> -> memref<32x128xf32, #tpu.memory_space<vmem_shared>>
        %dma_wait3A_180 = arith.constant 0 : i32
        %dma_wait3A_181 = tpu.memref_slice %arg7[%add3A_173, %dma_wait3A_180] : memref<10240x128xf32, #tpu.memory_space<vmem_shared>> -> memref<32x128xf32, #tpu.memory_space<vmem_shared>>
        tpu.wait_dma2 semaphore(%run_scoped3A : memref<!tpu.dma_semaphore, #tpu.memory_space<semaphore_mem>>) src(%arg20 : memref<32x128xf32, #tpu.memory_space<vmem>>) dst(%dma_wait3A_181 : memref<32x128xf32, #tpu.memory_space<vmem_shared>>)
        tpu.yield
      }) : () -> ()
      "tpu.region"() ({
        %run_scoped3A = tpu.sem_alloc : memref<!tpu.dma_semaphore, #tpu.memory_space<semaphore_mem>>
        %dma_start3A_175 = arith.constant 0 : i32
        %dma_start3A_176 = tpu.memref_slice %arg8[%add3A_173, %dma_start3A_175] : memref<10240x16xf32, #tpu.memory_space<vmem_shared>> -> memref<32x16xf32, #tpu.memory_space<vmem_shared>>
        %dma_start3A_177 = arith.constant 0 : i32
        %dma_start3A_178 = tpu.memref_slice %arg8[%add3A_173, %dma_start3A_177] : memref<10240x16xf32, #tpu.memory_space<vmem_shared>> -> memref<32x16xf32, #tpu.memory_space<vmem_shared>>
        tpu.enqueue_dma source(%arg21 : memref<32x16xf32, #tpu.memory_space<vmem>>) target(%dma_start3A_178 : memref<32x16xf32, #tpu.memory_space<vmem_shared>>) target_semaphore(%run_scoped3A : memref<!tpu.dma_semaphore, #tpu.memory_space<semaphore_mem>>)
        %dma_wait3A = arith.constant 0 : i32
        %dma_wait3A_179 = tpu.memref_slice %arg8[%add3A_173, %dma_wait3A] : memref<10240x16xf32, #tpu.memory_space<vmem_shared>> -> memref<32x16xf32, #tpu.memory_space<vmem_shared>>
        %dma_wait3A_180 = arith.constant 0 : i32
        %dma_wait3A_181 = tpu.memref_slice %arg8[%add3A_173, %dma_wait3A_180] : memref<10240x16xf32, #tpu.memory_space<vmem_shared>> -> memref<32x16xf32, #tpu.memory_space<vmem_shared>>
        tpu.wait_dma2 semaphore(%run_scoped3A : memref<!tpu.dma_semaphore, #tpu.memory_space<semaphore_mem>>) src(%arg21 : memref<32x16xf32, #tpu.memory_space<vmem>>) dst(%dma_wait3A_181 : memref<32x16xf32, #tpu.memory_space<vmem_shared>>)
        tpu.yield
      }) : () -> ()
      %scan3A_174 = arith.constant 0 : i32
      scf.yield %scan3A_174 : i32
    }
    %scan3A_23 = arith.constant 20 : i32
    %barrier3A = arith.constant 0 : index
    tpu.barrier barrier_id(%barrier3A)
    %mul3A_24 = arith.constant 10240 : i32
    %mul3A_25 = arith.muli %arg1, %mul3A_24 : i32
    "tpu.region"() ({
      %run_scoped3A = tpu.sem_alloc : memref<!tpu.dma_semaphore, #tpu.memory_space<semaphore_mem>>
      %dma_start3A_167 = tpu.memref_slice %arg4[%mul3A_25] : memref<163840xi32, #tpu.memory_space<hbm>> -> memref<128xi32, #tpu.memory_space<hbm>>
      %dma_start3A_168 = tpu.memref_slice %arg4[%mul3A_25] : memref<163840xi32, #tpu.memory_space<hbm>> -> memref<128xi32, #tpu.memory_space<hbm>>
      tpu.enqueue_dma source(%dma_start3A_168 : memref<128xi32, #tpu.memory_space<hbm>>) target(%arg10 : memref<128xi32, #tpu.memory_space<vmem>>) target_semaphore(%run_scoped3A : memref<!tpu.dma_semaphore, #tpu.memory_space<semaphore_mem>>)
      %dma_wait3A = tpu.memref_slice %arg4[%mul3A_25] : memref<163840xi32, #tpu.memory_space<hbm>> -> memref<128xi32, #tpu.memory_space<hbm>>
      %dma_wait3A_169 = tpu.memref_slice %arg4[%mul3A_25] : memref<163840xi32, #tpu.memory_space<hbm>> -> memref<128xi32, #tpu.memory_space<hbm>>
      tpu.wait_dma2 semaphore(%run_scoped3A : memref<!tpu.dma_semaphore, #tpu.memory_space<semaphore_mem>>) src(%dma_wait3A_169 : memref<128xi32, #tpu.memory_space<hbm>>) dst(%arg10 : memref<128xi32, #tpu.memory_space<vmem>>)
      tpu.yield
    }) : () -> ()
    %scan3A_26 = arith.constant 0 : i32
    %scan3A_27 = arith.constant 0 : i32
    %scan3A_28 = arith.constant 40 : i32
    %scan3A_29 = arith.addi %scan3A_27, %scan3A_28 : i32
    %scan3A_30 = arith.constant 1 : i32
    %scan3A_31 = scf.for %scan3A_167 = %scan3A_27 to %scan3A_29 step %scan3A_30 iter_args(%scan3A_168 = %scan3A_26) -> (i32)  : i32 {
      %mul3A_169 = arith.constant 10240 : i32
      %mul3A_170 = arith.muli %arg1, %mul3A_169 : i32
      %mul3A_171 = arith.constant 2 : i32
      %mul3A_172 = arith.muli %mul3A_171, %scan3A_167 : i32
      %mul3A_173 = arith.constant 128 : i32
      %mul3A_174 = arith.muli %mul3A_172, %mul3A_173 : i32
      %add3A_175 = arith.addi %mul3A_170, %mul3A_174 : i32
      %add3A_176 = arith.constant 128 : i32
      %add3A_177 = arith.addi %add3A_175, %add3A_176 : i32
      %dma_start3A_178 = tpu.memref_slice %arg4[%add3A_177] : memref<163840xi32, #tpu.memory_space<hbm>> -> memref<128xi32, #tpu.memory_space<hbm>>
      %dma_start3A_179 = tpu.memref_slice %arg4[%add3A_177] : memref<163840xi32, #tpu.memory_space<hbm>> -> memref<128xi32, #tpu.memory_space<hbm>>
      tpu.enqueue_dma source(%dma_start3A_179 : memref<128xi32, #tpu.memory_space<hbm>>) target(%arg9 : memref<128xi32, #tpu.memory_space<vmem>>) target_semaphore(%arg25 : memref<!tpu.dma_semaphore, #tpu.memory_space<semaphore_mem>>)
      "tpu.region"() ({
        %run_scoped3A = tpu.sem_alloc : memref<!tpu.dma_semaphore, #tpu.memory_space<semaphore_mem>>
        %dma_start3A_194 = arith.constant 0 : i32
        %dma_start3A_195 = arith.constant 0 : i32
        %dma_start3A_196 = tpu.memref_slice %arg8[%dma_start3A_194, %dma_start3A_195] : memref<10240x16xf32, #tpu.memory_space<vmem_shared>> -> memref<10240x16xf32, #tpu.memory_space<vmem_shared>>
        tpu.enqueue_indirect_dma source(%arg22 : memref<128x16xf32, #tpu.memory_space<vmem>>) target(%dma_start3A_196 : memref<10240x16xf32, #tpu.memory_space<vmem_shared>>) offsets(%arg10 : memref<128xi32, #tpu.memory_space<vmem>>) semaphore(%run_scoped3A : memref<!tpu.dma_semaphore, #tpu.memory_space<semaphore_mem>>) {add = true}
        %dma_wait3A_197 = arith.constant 0 : i32
        %dma_wait3A_198 = arith.constant 0 : i32
        %dma_wait3A_199 = tpu.memref_slice %arg8[%dma_wait3A_197, %dma_wait3A_198] : memref<10240x16xf32, #tpu.memory_space<vmem_shared>> -> memref<10240x16xf32, #tpu.memory_space<vmem_shared>>
        tpu.wait_indirect_dma semaphore(%run_scoped3A : memref<!tpu.dma_semaphore, #tpu.memory_space<semaphore_mem>>) src(%arg22 : memref<128x16xf32, #tpu.memory_space<vmem>>) dst(%dma_wait3A_199 : memref<10240x16xf32, #tpu.memory_space<vmem_shared>>)
        tpu.yield
      }) : () -> ()
      %lt3A_180 = arith.constant 39 : i32
      %lt3A_181 = arith.cmpi slt, %scan3A_167, %lt3A_180 : i32
      %convert_element_type3A_182 = arith.extui %lt3A_181 : i1 to i32
      %cond3A_183 = arith.constant 0 : i32
      %cond3A_184 = arith.cmpi ne, %convert_element_type3A_182, %cond3A_183 : i32
      scf.if %cond3A_184 {
        %add3A_194 = arith.constant 256 : i32
        %add3A_195 = arith.addi %add3A_175, %add3A_194 : i32
        %dma_start3A_196 = tpu.memref_slice %arg4[%add3A_195] : memref<163840xi32, #tpu.memory_space<hbm>> -> memref<128xi32, #tpu.memory_space<hbm>>
        %dma_start3A_197 = tpu.memref_slice %arg4[%add3A_195] : memref<163840xi32, #tpu.memory_space<hbm>> -> memref<128xi32, #tpu.memory_space<hbm>>
        tpu.enqueue_dma source(%dma_start3A_197 : memref<128xi32, #tpu.memory_space<hbm>>) target(%arg10 : memref<128xi32, #tpu.memory_space<vmem>>) target_semaphore(%arg26 : memref<!tpu.dma_semaphore, #tpu.memory_space<semaphore_mem>>)
      } else {
      }
      %dma_wait3A = arith.constant 0 : i32
      %dma_wait3A_185 = tpu.memref_slice %arg4[%dma_wait3A] : memref<163840xi32, #tpu.memory_space<hbm>> -> memref<128xi32, #tpu.memory_space<hbm>>
      %dma_wait3A_186 = arith.constant 0 : i32
      %dma_wait3A_187 = tpu.memref_slice %arg4[%dma_wait3A_186] : memref<163840xi32, #tpu.memory_space<hbm>> -> memref<128xi32, #tpu.memory_space<hbm>>
      tpu.wait_dma2 semaphore(%arg25 : memref<!tpu.dma_semaphore, #tpu.memory_space<semaphore_mem>>) src(%dma_wait3A_187 : memref<128xi32, #tpu.memory_space<hbm>>) dst(%arg9 : memref<128xi32, #tpu.memory_space<vmem>>)
      "tpu.region"() ({
        %run_scoped3A = tpu.sem_alloc : memref<!tpu.dma_semaphore, #tpu.memory_space<semaphore_mem>>
        %dma_start3A_194 = arith.constant 0 : i32
        %dma_start3A_195 = arith.constant 0 : i32
        %dma_start3A_196 = tpu.memref_slice %arg8[%dma_start3A_194, %dma_start3A_195] : memref<10240x16xf32, #tpu.memory_space<vmem_shared>> -> memref<10240x16xf32, #tpu.memory_space<vmem_shared>>
        tpu.enqueue_indirect_dma source(%arg22 : memref<128x16xf32, #tpu.memory_space<vmem>>) target(%dma_start3A_196 : memref<10240x16xf32, #tpu.memory_space<vmem_shared>>) offsets(%arg9 : memref<128xi32, #tpu.memory_space<vmem>>) semaphore(%run_scoped3A : memref<!tpu.dma_semaphore, #tpu.memory_space<semaphore_mem>>) {add = true}
        %dma_wait3A_197 = arith.constant 0 : i32
        %dma_wait3A_198 = arith.constant 0 : i32
        %dma_wait3A_199 = tpu.memref_slice %arg8[%dma_wait3A_197, %dma_wait3A_198] : memref<10240x16xf32, #tpu.memory_space<vmem_shared>> -> memref<10240x16xf32, #tpu.memory_space<vmem_shared>>
        tpu.wait_indirect_dma semaphore(%run_scoped3A : memref<!tpu.dma_semaphore, #tpu.memory_space<semaphore_mem>>) src(%arg22 : memref<128x16xf32, #tpu.memory_space<vmem>>) dst(%dma_wait3A_199 : memref<10240x16xf32, #tpu.memory_space<vmem_shared>>)
        tpu.yield
      }) : () -> ()
      %lt3A_188 = arith.constant 39 : i32
      %lt3A_189 = arith.cmpi slt, %scan3A_167, %lt3A_188 : i32
      %convert_element_type3A_190 = arith.extui %lt3A_189 : i1 to i32
      %cond3A_191 = arith.constant 0 : i32
      %cond3A_192 = arith.cmpi ne, %convert_element_type3A_190, %cond3A_191 : i32
      scf.if %cond3A_192 {
        %dma_wait3A_194 = arith.constant 0 : i32
        %dma_wait3A_195 = tpu.memref_slice %arg4[%dma_wait3A_194] : memref<163840xi32, #tpu.memory_space<hbm>> -> memref<128xi32, #tpu.memory_space<hbm>>
        %dma_wait3A_196 = arith.constant 0 : i32
        %dma_wait3A_197 = tpu.memref_slice %arg4[%dma_wait3A_196] : memref<163840xi32, #tpu.memory_space<hbm>> -> memref<128xi32, #tpu.memory_space<hbm>>
        tpu.wait_dma2 semaphore(%arg26 : memref<!tpu.dma_semaphore, #tpu.memory_space<semaphore_mem>>) src(%dma_wait3A_197 : memref<128xi32, #tpu.memory_space<hbm>>) dst(%arg10 : memref<128xi32, #tpu.memory_space<vmem>>)
      } else {
      }
      %scan3A_193 = arith.constant 0 : i32
      scf.yield %scan3A_193 : i32
    }
    %scan3A_32 = arith.constant 40 : i32
    %barrier3A_33 = arith.constant 0 : index
    tpu.barrier barrier_id(%barrier3A_33)
    %scan3A_34 = arith.constant 5.000000e-01 : f32
    %scan3A_35 = arith.constant 0 : i32
    %scan3A_36 = arith.constant 0 : i32
    %scan3A_37 = arith.constant 20 : i32
    %scan3A_38 = arith.addi %scan3A_36, %scan3A_37 : i32
    %scan3A_39 = arith.constant 1 : i32
    %scan3A_40 = scf.for %scan3A_167 = %scan3A_36 to %scan3A_38 step %scan3A_39 iter_args(%scan3A_168 = %scan3A_35) -> (i32)  : i32 {
      %mul3A_169 = arith.constant 640 : i32
      %mul3A_170 = arith.muli %arg1, %mul3A_169 : i32
      %mul3A_171 = arith.constant 32 : i32
      %mul3A_172 = arith.muli %scan3A_167, %mul3A_171 : i32
      %add3A_173 = arith.addi %mul3A_170, %mul3A_172 : i32
      "tpu.region"() ({
        %run_scoped3A = tpu.sem_alloc : memref<!tpu.dma_semaphore, #tpu.memory_space<semaphore_mem>>
        %dma_start3A_338 = arith.constant 0 : i32
        %dma_start3A_339 = tpu.memref_slice %arg8[%add3A_173, %dma_start3A_338] : memref<10240x16xf32, #tpu.memory_space<vmem_shared>> -> memref<32x16xf32, #tpu.memory_space<vmem_shared>>
        %dma_start3A_340 = arith.constant 0 : i32
        %dma_start3A_341 = tpu.memref_slice %arg8[%add3A_173, %dma_start3A_340] : memref<10240x16xf32, #tpu.memory_space<vmem_shared>> -> memref<32x16xf32, #tpu.memory_space<vmem_shared>>
        tpu.enqueue_dma source(%dma_start3A_341 : memref<32x16xf32, #tpu.memory_space<vmem_shared>>) target(%arg23 : memref<32x16xf32, #tpu.memory_space<vmem>>) target_semaphore(%run_scoped3A : memref<!tpu.dma_semaphore, #tpu.memory_space<semaphore_mem>>)
        %dma_wait3A = arith.constant 0 : i32
        %dma_wait3A_342 = tpu.memref_slice %arg8[%add3A_173, %dma_wait3A] : memref<10240x16xf32, #tpu.memory_space<vmem_shared>> -> memref<32x16xf32, #tpu.memory_space<vmem_shared>>
        %dma_wait3A_343 = arith.constant 0 : i32
        %dma_wait3A_344 = tpu.memref_slice %arg8[%add3A_173, %dma_wait3A_343] : memref<10240x16xf32, #tpu.memory_space<vmem_shared>> -> memref<32x16xf32, #tpu.memory_space<vmem_shared>>
        tpu.wait_dma2 semaphore(%run_scoped3A : memref<!tpu.dma_semaphore, #tpu.memory_space<semaphore_mem>>) src(%dma_wait3A_344 : memref<32x16xf32, #tpu.memory_space<vmem_shared>>) dst(%arg23 : memref<32x16xf32, #tpu.memory_space<vmem>>)
        tpu.yield
      }) : () -> ()
      %iota3A = tpu.iota {dimensions = array<i32: 0>} : vector<16xi32>
      %broadcast_in_dim3A_174 = arith.constant 0 : i32
      %broadcast_in_dim3A_175 = vector.broadcast %broadcast_in_dim3A_174 : i32 to vector<16xi32>
      %broadcast_in_dim3A_176 = arith.constant 0 : i32
      %broadcast_in_dim3A_177 = vector.broadcast %broadcast_in_dim3A_176 : i32 to vector<16xi32>
      %add3A_178 = arith.addi %broadcast_in_dim3A_177, %iota3A : vector<16xi32>
      %gather3A = tpu.vector_load_idx %arg23[%add3A_178, %broadcast_in_dim3A_175] : memref<32x16xf32, #tpu.memory_space<vmem>>[vector<16xi32>, vector<16xi32>], vector<16xf32>,
      %add3A_179 = arith.addf %gather3A, %broadcast_in_dim3A_3 : vector<16xf32>
      %broadcast_in_dim3A_180 = arith.constant 5.120000e+02 : f32
      %broadcast_in_dim3A_181 = vector.broadcast %broadcast_in_dim3A_180 : f32 to vector<16xf32>
      %lt3A_182 = arith.constant 6.553600e+04 : f32
      %lt3A_183 = vector.broadcast %lt3A_182 : f32 to vector<16xf32>
      %lt3A_184 = arith.cmpf olt, %add3A_179, %lt3A_183 : vector<16xf32>
      %broadcast_in_dim3A_185 = arith.constant 2.560000e+02 : f32
      %broadcast_in_dim3A_186 = vector.broadcast %broadcast_in_dim3A_185 : f32 to vector<16xf32>
      %select_n3A = arith.select %lt3A_184, %broadcast_in_dim3A_186, %broadcast_in_dim3A_181 : vector<16xi1>, vector<16xf32>
      %lt3A_187 = arith.constant 1.638400e+04 : f32
      %lt3A_188 = vector.broadcast %lt3A_187 : f32 to vector<16xf32>
      %lt3A_189 = arith.cmpf olt, %add3A_179, %lt3A_188 : vector<16xf32>
      %broadcast_in_dim3A_190 = arith.constant 1.280000e+02 : f32
      %broadcast_in_dim3A_191 = vector.broadcast %broadcast_in_dim3A_190 : f32 to vector<16xf32>
      %select_n3A_192 = arith.select %lt3A_189, %broadcast_in_dim3A_191, %select_n3A : vector<16xi1>, vector<16xf32>
      %lt3A_193 = arith.constant 4.096000e+03 : f32
      %lt3A_194 = vector.broadcast %lt3A_193 : f32 to vector<16xf32>
      %lt3A_195 = arith.cmpf olt, %add3A_179, %lt3A_194 : vector<16xf32>
      %broadcast_in_dim3A_196 = arith.constant 6.400000e+01 : f32
      %broadcast_in_dim3A_197 = vector.broadcast %broadcast_in_dim3A_196 : f32 to vector<16xf32>
      %select_n3A_198 = arith.select %lt3A_195, %broadcast_in_dim3A_197, %select_n3A_192 : vector<16xi1>, vector<16xf32>
      %lt3A_199 = arith.constant 1.024000e+03 : f32
      %lt3A_200 = vector.broadcast %lt3A_199 : f32 to vector<16xf32>
      %lt3A_201 = arith.cmpf olt, %add3A_179, %lt3A_200 : vector<16xf32>
      %broadcast_in_dim3A_202 = arith.constant 3.200000e+01 : f32
      %broadcast_in_dim3A_203 = vector.broadcast %broadcast_in_dim3A_202 : f32 to vector<16xf32>
      %select_n3A_204 = arith.select %lt3A_201, %broadcast_in_dim3A_203, %select_n3A_198 : vector<16xi1>, vector<16xf32>
      %lt3A_205 = arith.constant 2.560000e+02 : f32
      %lt3A_206 = vector.broadcast %lt3A_205 : f32 to vector<16xf32>
      %lt3A_207 = arith.cmpf olt, %add3A_179, %lt3A_206 : vector<16xf32>
      %broadcast_in_dim3A_208 = arith.constant 1.600000e+01 : f32
      %broadcast_in_dim3A_209 = vector.broadcast %broadcast_in_dim3A_208 : f32 to vector<16xf32>
      %select_n3A_210 = arith.select %lt3A_207, %broadcast_in_dim3A_209, %select_n3A_204 : vector<16xi1>, vector<16xf32>
      %lt3A_211 = arith.constant 6.400000e+01 : f32
      %lt3A_212 = vector.broadcast %lt3A_211 : f32 to vector<16xf32>
      %lt3A_213 = arith.cmpf olt, %add3A_179, %lt3A_212 : vector<16xf32>
      %broadcast_in_dim3A_214 = arith.constant 8.000000e+00 : f32
      %broadcast_in_dim3A_215 = vector.broadcast %broadcast_in_dim3A_214 : f32 to vector<16xf32>
      %select_n3A_216 = arith.select %lt3A_213, %broadcast_in_dim3A_215, %select_n3A_210 : vector<16xi1>, vector<16xf32>
      %lt3A_217 = arith.constant 1.600000e+01 : f32
      %lt3A_218 = vector.broadcast %lt3A_217 : f32 to vector<16xf32>
      %lt3A_219 = arith.cmpf olt, %add3A_179, %lt3A_218 : vector<16xf32>
      %broadcast_in_dim3A_220 = arith.constant 4.000000e+00 : f32
      %broadcast_in_dim3A_221 = vector.broadcast %broadcast_in_dim3A_220 : f32 to vector<16xf32>
      %select_n3A_222 = arith.select %lt3A_219, %broadcast_in_dim3A_221, %select_n3A_216 : vector<16xi1>, vector<16xf32>
      %lt3A_223 = arith.constant 4.000000e+00 : f32
      %lt3A_224 = vector.broadcast %lt3A_223 : f32 to vector<16xf32>
      %lt3A_225 = arith.cmpf olt, %add3A_179, %lt3A_224 : vector<16xf32>
      %broadcast_in_dim3A_226 = arith.constant 2.000000e+00 : f32
      %broadcast_in_dim3A_227 = vector.broadcast %broadcast_in_dim3A_226 : f32 to vector<16xf32>
      %select_n3A_228 = arith.select %lt3A_225, %broadcast_in_dim3A_227, %select_n3A_222 : vector<16xi1>, vector<16xf32>
      %div3A = arith.divf %add3A_179, %select_n3A_228 : vector<16xf32>
      %add3A_229 = arith.addf %select_n3A_228, %div3A : vector<16xf32>
      %mul3A_230 = vector.broadcast %scan3A_34 : f32 to vector<16xf32>
      %mul3A_231 = arith.mulf %add3A_229, %mul3A_230 : vector<16xf32>
      %div3A_232 = arith.divf %add3A_179, %mul3A_231 : vector<16xf32>
      %add3A_233 = arith.addf %mul3A_231, %div3A_232 : vector<16xf32>
      %mul3A_234 = vector.broadcast %scan3A_34 : f32 to vector<16xf32>
      %mul3A_235 = arith.mulf %add3A_233, %mul3A_234 : vector<16xf32>
      %div3A_236 = arith.divf %add3A_179, %mul3A_235 : vector<16xf32>
      %add3A_237 = arith.addf %mul3A_235, %div3A_236 : vector<16xf32>
      %mul3A_238 = vector.broadcast %scan3A_34 : f32 to vector<16xf32>
      %mul3A_239 = arith.mulf %add3A_237, %mul3A_238 : vector<16xf32>
      %div3A_240 = arith.divf %add3A_179, %mul3A_239 : vector<16xf32>
      %add3A_241 = arith.addf %mul3A_239, %div3A_240 : vector<16xf32>
      %mul3A_242 = vector.broadcast %scan3A_34 : f32 to vector<16xf32>
      %mul3A_243 = arith.mulf %add3A_241, %mul3A_242 : vector<16xf32>
      %div3A_244 = arith.divf %add3A_179, %mul3A_243 : vector<16xf32>
      %add3A_245 = arith.addf %mul3A_243, %div3A_244 : vector<16xf32>
      %mul3A_246 = vector.broadcast %scan3A_34 : f32 to vector<16xf32>
      %mul3A_247 = arith.mulf %add3A_245, %mul3A_246 : vector<16xf32>
      %mul3A_248 = arith.constant 32 : i32
      %mul3A_249 = arith.muli %scan3A_167, %mul3A_248 : i32
      %add3A_250 = arith.constant 0 : i32
      %add3A_251 = arith.addi %mul3A_249, %add3A_250 : i32
      %broadcast_in_dim3A_252 = vector.broadcast %add3A_251 : i32 to vector<16xi32>
      %add3A_253 = arith.addi %broadcast_in_dim3A_252, %iota3A : vector<16xi32>
      %div3A_254 = arith.divf %broadcast_in_dim3A_3, %mul3A_247 : vector<16xf32>
      tpu.vector_store_idx %arg24[%add3A_253], %div3A_254 : memref<640xf32, #tpu.memory_space<vmem>>[vector<16xi32>], vector<16xf32>,
      %broadcast_in_dim3A_255 = arith.constant 16 : i32
      %broadcast_in_dim3A_256 = vector.broadcast %broadcast_in_dim3A_255 : i32 to vector<16xi32>
      %add3A_257 = arith.addi %broadcast_in_dim3A_256, %iota3A : vector<16xi32>
      %gather3A_258 = tpu.vector_load_idx %arg23[%add3A_257, %broadcast_in_dim3A_175] : memref<32x16xf32, #tpu.memory_space<vmem>>[vector<16xi32>, vector<16xi32>], vector<16xf32>,
      %add3A_259 = arith.addf %gather3A_258, %broadcast_in_dim3A_3 : vector<16xf32>
      %broadcast_in_dim3A_260 = arith.constant 5.120000e+02 : f32
      %broadcast_in_dim3A_261 = vector.broadcast %broadcast_in_dim3A_260 : f32 to vector<16xf32>
      %lt3A_262 = arith.constant 6.553600e+04 : f32
      %lt3A_263 = vector.broadcast %lt3A_262 : f32 to vector<16xf32>
      %lt3A_264 = arith.cmpf olt, %add3A_259, %lt3A_263 : vector<16xf32>
      %broadcast_in_dim3A_265 = arith.constant 2.560000e+02 : f32
      %broadcast_in_dim3A_266 = vector.broadcast %broadcast_in_dim3A_265 : f32 to vector<16xf32>
      %select_n3A_267 = arith.select %lt3A_264, %broadcast_in_dim3A_266, %broadcast_in_dim3A_261 : vector<16xi1>, vector<16xf32>
      %lt3A_268 = arith.constant 1.638400e+04 : f32
      %lt3A_269 = vector.broadcast %lt3A_268 : f32 to vector<16xf32>
      %lt3A_270 = arith.cmpf olt, %add3A_259, %lt3A_269 : vector<16xf32>
      %broadcast_in_dim3A_271 = arith.constant 1.280000e+02 : f32
      %broadcast_in_dim3A_272 = vector.broadcast %broadcast_in_dim3A_271 : f32 to vector<16xf32>
      %select_n3A_273 = arith.select %lt3A_270, %broadcast_in_dim3A_272, %select_n3A_267 : vector<16xi1>, vector<16xf32>
      %lt3A_274 = arith.constant 4.096000e+03 : f32
      %lt3A_275 = vector.broadcast %lt3A_274 : f32 to vector<16xf32>
      %lt3A_276 = arith.cmpf olt, %add3A_259, %lt3A_275 : vector<16xf32>
      %broadcast_in_dim3A_277 = arith.constant 6.400000e+01 : f32
      %broadcast_in_dim3A_278 = vector.broadcast %broadcast_in_dim3A_277 : f32 to vector<16xf32>
      %select_n3A_279 = arith.select %lt3A_276, %broadcast_in_dim3A_278, %select_n3A_273 : vector<16xi1>, vector<16xf32>
      %lt3A_280 = arith.constant 1.024000e+03 : f32
      %lt3A_281 = vector.broadcast %lt3A_280 : f32 to vector<16xf32>
      %lt3A_282 = arith.cmpf olt, %add3A_259, %lt3A_281 : vector<16xf32>
      %broadcast_in_dim3A_283 = arith.constant 3.200000e+01 : f32
      %broadcast_in_dim3A_284 = vector.broadcast %broadcast_in_dim3A_283 : f32 to vector<16xf32>
      %select_n3A_285 = arith.select %lt3A_282, %broadcast_in_dim3A_284, %select_n3A_279 : vector<16xi1>, vector<16xf32>
      %lt3A_286 = arith.constant 2.560000e+02 : f32
      %lt3A_287 = vector.broadcast %lt3A_286 : f32 to vector<16xf32>
      %lt3A_288 = arith.cmpf olt, %add3A_259, %lt3A_287 : vector<16xf32>
      %broadcast_in_dim3A_289 = arith.constant 1.600000e+01 : f32
      %broadcast_in_dim3A_290 = vector.broadcast %broadcast_in_dim3A_289 : f32 to vector<16xf32>
      %select_n3A_291 = arith.select %lt3A_288, %broadcast_in_dim3A_290, %select_n3A_285 : vector<16xi1>, vector<16xf32>
      %lt3A_292 = arith.constant 6.400000e+01 : f32
      %lt3A_293 = vector.broadcast %lt3A_292 : f32 to vector<16xf32>
      %lt3A_294 = arith.cmpf olt, %add3A_259, %lt3A_293 : vector<16xf32>
      %broadcast_in_dim3A_295 = arith.constant 8.000000e+00 : f32
      %broadcast_in_dim3A_296 = vector.broadcast %broadcast_in_dim3A_295 : f32 to vector<16xf32>
      %select_n3A_297 = arith.select %lt3A_294, %broadcast_in_dim3A_296, %select_n3A_291 : vector<16xi1>, vector<16xf32>
      %lt3A_298 = arith.constant 1.600000e+01 : f32
      %lt3A_299 = vector.broadcast %lt3A_298 : f32 to vector<16xf32>
      %lt3A_300 = arith.cmpf olt, %add3A_259, %lt3A_299 : vector<16xf32>
      %broadcast_in_dim3A_301 = arith.constant 4.000000e+00 : f32
      %broadcast_in_dim3A_302 = vector.broadcast %broadcast_in_dim3A_301 : f32 to vector<16xf32>
      %select_n3A_303 = arith.select %lt3A_300, %broadcast_in_dim3A_302, %select_n3A_297 : vector<16xi1>, vector<16xf32>
      %lt3A_304 = arith.constant 4.000000e+00 : f32
      %lt3A_305 = vector.broadcast %lt3A_304 : f32 to vector<16xf32>
      %lt3A_306 = arith.cmpf olt, %add3A_259, %lt3A_305 : vector<16xf32>
      %broadcast_in_dim3A_307 = arith.constant 2.000000e+00 : f32
      %broadcast_in_dim3A_308 = vector.broadcast %broadcast_in_dim3A_307 : f32 to vector<16xf32>
      %select_n3A_309 = arith.select %lt3A_306, %broadcast_in_dim3A_308, %select_n3A_303 : vector<16xi1>, vector<16xf32>
      %div3A_310 = arith.divf %add3A_259, %select_n3A_309 : vector<16xf32>
      %add3A_311 = arith.addf %select_n3A_309, %div3A_310 : vector<16xf32>
      %mul3A_312 = vector.broadcast %scan3A_34 : f32 to vector<16xf32>
      %mul3A_313 = arith.mulf %add3A_311, %mul3A_312 : vector<16xf32>
      %div3A_314 = arith.divf %add3A_259, %mul3A_313 : vector<16xf32>
      %add3A_315 = arith.addf %mul3A_313, %div3A_314 : vector<16xf32>
      %mul3A_316 = vector.broadcast %scan3A_34 : f32 to vector<16xf32>
      %mul3A_317 = arith.mulf %add3A_315, %mul3A_316 : vector<16xf32>
      %div3A_318 = arith.divf %add3A_259, %mul3A_317 : vector<16xf32>
      %add3A_319 = arith.addf %mul3A_317, %div3A_318 : vector<16xf32>
      %mul3A_320 = vector.broadcast %scan3A_34 : f32 to vector<16xf32>
      %mul3A_321 = arith.mulf %add3A_319, %mul3A_320 : vector<16xf32>
      %div3A_322 = arith.divf %add3A_259, %mul3A_321 : vector<16xf32>
      %add3A_323 = arith.addf %mul3A_321, %div3A_322 : vector<16xf32>
      %mul3A_324 = vector.broadcast %scan3A_34 : f32 to vector<16xf32>
      %mul3A_325 = arith.mulf %add3A_323, %mul3A_324 : vector<16xf32>
      %div3A_326 = arith.divf %add3A_259, %mul3A_325 : vector<16xf32>
      %add3A_327 = arith.addf %mul3A_325, %div3A_326 : vector<16xf32>
      %mul3A_328 = vector.broadcast %scan3A_34 : f32 to vector<16xf32>
      %mul3A_329 = arith.mulf %add3A_327, %mul3A_328 : vector<16xf32>
      %mul3A_330 = arith.constant 32 : i32
      %mul3A_331 = arith.muli %scan3A_167, %mul3A_330 : i32
      %add3A_332 = arith.constant 16 : i32
      %add3A_333 = arith.addi %mul3A_331, %add3A_332 : i32
      %broadcast_in_dim3A_334 = vector.broadcast %add3A_333 : i32 to vector<16xi32>
      %add3A_335 = arith.addi %broadcast_in_dim3A_334, %iota3A : vector<16xi32>
      %div3A_336 = arith.divf %broadcast_in_dim3A_3, %mul3A_329 : vector<16xf32>
      tpu.vector_store_idx %arg24[%add3A_335], %div3A_336 : memref<640xf32, #tpu.memory_space<vmem>>[vector<16xi32>], vector<16xf32>,
      %scan3A_337 = arith.constant 0 : i32
      scf.yield %scan3A_337 : i32
    }
    %scan3A_41 = arith.constant 20 : i32
    %scan3A_42 = arith.constant 0 : i32
    %scan3A_43 = arith.constant 0 : i32
    %scan3A_44 = arith.constant 20 : i32
    %scan3A_45 = arith.addi %scan3A_43, %scan3A_44 : i32
    %scan3A_46 = arith.constant 1 : i32
    %scan3A_47 = scf.for %scan3A_167 = %scan3A_43 to %scan3A_45 step %scan3A_46 iter_args(%scan3A_168 = %scan3A_42) -> (i32)  : i32 {
      %mul3A_169 = arith.constant 640 : i32
      %mul3A_170 = arith.muli %arg1, %mul3A_169 : i32
      %mul3A_171 = arith.constant 32 : i32
      %mul3A_172 = arith.muli %scan3A_167, %mul3A_171 : i32
      %add3A_173 = arith.addi %mul3A_170, %mul3A_172 : i32
      %mul3A_174 = arith.constant 10240 : i32
      %mul3A_175 = arith.muli %arg0, %mul3A_174 : i32
      %add3A_176 = arith.addi %mul3A_175, %add3A_173 : i32
      %add3A_177 = arith.constant 32 : i32
      %add3A_178 = arith.addi %add3A_173, %add3A_177 : i32
      %le3A = arith.constant 10000 : i32
      %le3A_179 = arith.cmpi sle, %add3A_178, %le3A : i32
      %convert_element_type3A_180 = arith.extui %le3A_179 : i1 to i32
      %cond3A_181 = arith.constant 0 : i32
      %cond3A_182 = arith.cmpi ne, %convert_element_type3A_180, %cond3A_181 : i32
      scf.if %cond3A_182 {
        "tpu.region"() ({
          %run_scoped3A = tpu.sem_alloc : memref<!tpu.dma_semaphore, #tpu.memory_space<semaphore_mem>>
          %dma_start3A_202 = tpu.memref_slice %arg2[%add3A_173, %mul3A_0] : memref<10000x256xf32, #tpu.memory_space<hbm>> -> memref<32x128xf32, #tpu.memory_space<hbm>>
          %dma_start3A_203 = tpu.memref_slice %arg2[%add3A_173, %mul3A_0] : memref<10000x256xf32, #tpu.memory_space<hbm>> -> memref<32x128xf32, #tpu.memory_space<hbm>>
          tpu.enqueue_dma source(%dma_start3A_203 : memref<32x128xf32, #tpu.memory_space<hbm>>) target(%arg19 : memref<32x128xf32, #tpu.memory_space<vmem>>) target_semaphore(%run_scoped3A : memref<!tpu.dma_semaphore, #tpu.memory_space<semaphore_mem>>)
          %dma_wait3A = tpu.memref_slice %arg2[%add3A_173, %mul3A_0] : memref<10000x256xf32, #tpu.memory_space<hbm>> -> memref<32x128xf32, #tpu.memory_space<hbm>>
          %dma_wait3A_204 = tpu.memref_slice %arg2[%add3A_173, %mul3A_0] : memref<10000x256xf32, #tpu.memory_space<hbm>> -> memref<32x128xf32, #tpu.memory_space<hbm>>
          tpu.wait_dma2 semaphore(%run_scoped3A : memref<!tpu.dma_semaphore, #tpu.memory_space<semaphore_mem>>) src(%dma_wait3A_204 : memref<32x128xf32, #tpu.memory_space<hbm>>) dst(%arg19 : memref<32x128xf32, #tpu.memory_space<vmem>>)
          tpu.yield
        }) : () -> ()
      } else {
      }
      %add3A_183 = arith.constant 32 : i32
      %add3A_184 = arith.addi %add3A_173, %add3A_183 : i32
      %eq3A = arith.constant 10016 : i32
      %eq3A_185 = arith.cmpi eq, %add3A_184, %eq3A : i32
      %convert_element_type3A_186 = arith.extui %eq3A_185 : i1 to i32
      %cond3A_187 = arith.constant 0 : i32
      %cond3A_188 = arith.cmpi ne, %convert_element_type3A_186, %cond3A_187 : i32
      scf.if %cond3A_188 {
        "tpu.region"() ({
          %run_scoped3A = tpu.sem_alloc : memref<!tpu.dma_semaphore, #tpu.memory_space<semaphore_mem>>
          %dma_start3A_202 = arith.constant 0 : i32
          %dma_start3A_203 = arith.constant 0 : i32
          %dma_start3A_204 = tpu.memref_slice %arg19[%dma_start3A_202, %dma_start3A_203] : memref<32x128xf32, #tpu.memory_space<vmem>> -> memref<16x128xf32, #tpu.memory_space<vmem>>
          %dma_start3A_205 = tpu.memref_slice %arg2[%add3A_173, %mul3A_0] : memref<10000x256xf32, #tpu.memory_space<hbm>> -> memref<16x128xf32, #tpu.memory_space<hbm>>
          %dma_start3A_206 = arith.constant 0 : i32
          %dma_start3A_207 = arith.constant 0 : i32
          %dma_start3A_208 = tpu.memref_slice %arg19[%dma_start3A_206, %dma_start3A_207] : memref<32x128xf32, #tpu.memory_space<vmem>> -> memref<16x128xf32, #tpu.memory_space<vmem>>
          %dma_start3A_209 = tpu.memref_slice %arg2[%add3A_173, %mul3A_0] : memref<10000x256xf32, #tpu.memory_space<hbm>> -> memref<16x128xf32, #tpu.memory_space<hbm>>
          tpu.enqueue_dma source(%dma_start3A_209 : memref<16x128xf32, #tpu.memory_space<hbm>>) target(%dma_start3A_208 : memref<16x128xf32, #tpu.memory_space<vmem>>) target_semaphore(%run_scoped3A : memref<!tpu.dma_semaphore, #tpu.memory_space<semaphore_mem>>)
          %dma_wait3A = arith.constant 0 : i32
          %dma_wait3A_210 = arith.constant 0 : i32
          %dma_wait3A_211 = tpu.memref_slice %arg19[%dma_wait3A, %dma_wait3A_210] : memref<32x128xf32, #tpu.memory_space<vmem>> -> memref<16x128xf32, #tpu.memory_space<vmem>>
          %dma_wait3A_212 = tpu.memref_slice %arg2[%add3A_173, %mul3A_0] : memref<10000x256xf32, #tpu.memory_space<hbm>> -> memref<16x128xf32, #tpu.memory_space<hbm>>
          %dma_wait3A_213 = arith.constant 0 : i32
          %dma_wait3A_214 = arith.constant 0 : i32
          %dma_wait3A_215 = tpu.memref_slice %arg19[%dma_wait3A_213, %dma_wait3A_214] : memref<32x128xf32, #tpu.memory_space<vmem>> -> memref<16x128xf32, #tpu.memory_space<vmem>>
          %dma_wait3A_216 = tpu.memref_slice %arg2[%add3A_173, %mul3A_0] : memref<10000x256xf32, #tpu.memory_space<hbm>> -> memref<16x128xf32, #tpu.memory_space<hbm>>
          tpu.wait_dma2 semaphore(%run_scoped3A : memref<!tpu.dma_semaphore, #tpu.memory_space<semaphore_mem>>) src(%dma_wait3A_216 : memref<16x128xf32, #tpu.memory_space<hbm>>) dst(%dma_wait3A_215 : memref<16x128xf32, #tpu.memory_space<vmem>>)
          tpu.yield
        }) : () -> ()
      } else {
      }
      %gt3A = arith.constant 0 : i32
      %gt3A_189 = arith.cmpi sgt, %scan3A_167, %gt3A : i32
      %sub3A = arith.constant 32 : i32
      %sub3A_190 = arith.subi %add3A_173, %sub3A : i32
      %lt3A_191 = arith.constant 10000 : i32
      %lt3A_192 = arith.cmpi slt, %sub3A_190, %lt3A_191 : i32
      %and3A = arith.andi %gt3A_189, %lt3A_192 : i1
      %convert_element_type3A_193 = arith.extui %and3A : i1 to i32
      %cond3A_194 = arith.constant 0 : i32
      %cond3A_195 = arith.cmpi ne, %convert_element_type3A_193, %cond3A_194 : i32
      scf.if %cond3A_195 {
        %dma_wait3A = arith.constant 0 : i32
        %dma_wait3A_202 = tpu.memref_slice %arg6[%add3A_176, %dma_wait3A] : memref<20480x128xf32, #tpu.memory_space<hbm>> -> memref<32x128xf32, #tpu.memory_space<hbm>>
        %dma_wait3A_203 = arith.constant 0 : i32
        %dma_wait3A_204 = tpu.memref_slice %arg6[%add3A_176, %dma_wait3A_203] : memref<20480x128xf32, #tpu.memory_space<hbm>> -> memref<32x128xf32, #tpu.memory_space<hbm>>
        tpu.wait_dma2 semaphore(%arg28 : memref<!tpu.dma_semaphore, #tpu.memory_space<semaphore_mem>>) src(%arg18 : memref<32x128xf32, #tpu.memory_space<vmem>>) dst(%dma_wait3A_204 : memref<32x128xf32, #tpu.memory_space<hbm>>)
      } else {
      }
      %lt3A_196 = arith.constant 10000 : i32
      %lt3A_197 = arith.cmpi slt, %add3A_173, %lt3A_196 : i32
      %convert_element_type3A_198 = arith.extui %lt3A_197 : i1 to i32
      %cond3A_199 = arith.constant 0 : i32
      %cond3A_200 = arith.cmpi ne, %convert_element_type3A_198, %cond3A_199 : i32
      scf.if %cond3A_200 {
        %scan3A_202 = arith.constant 0 : i32
        %scan3A_203 = arith.constant 0 : i32
        %scan3A_204 = arith.constant 32 : i32
        %scan3A_205 = arith.addi %scan3A_203, %scan3A_204 : i32
        %scan3A_206 = arith.constant 1 : i32
        %scan3A_207 = scf.for %scan3A_213 = %scan3A_203 to %scan3A_205 step %scan3A_206 iter_args(%scan3A_214 = %scan3A_202) -> (i32)  : i32 {
          %mul3A_215 = arith.constant 32 : i32
          %mul3A_216 = arith.muli %scan3A_167, %mul3A_215 : i32
          %add3A_217 = arith.addi %mul3A_216, %scan3A_213 : i32
          %broadcast_in_dim3A_218 = vector.broadcast %add3A_217 : i32 to vector<16xi32>
          %gather3A = tpu.vector_load_idx %arg24[%broadcast_in_dim3A_218] : memref<640xf32, #tpu.memory_space<vmem>>[vector<16xi32>], vector<16xf32>,
          %get3A_219 = arith.index_cast %scan3A_213 : i32 to index
          %get3A_220 = arith.constant 0 : index
          %get3A_221 = tpu.vector_load %arg19[%get3A_219, %get3A_220] {strides = array<i32>} : memref<32x128xf32, #tpu.memory_space<vmem>>, vector<16xf32>,
          %mul3A_222 = arith.mulf %get3A_221, %gather3A : vector<16xf32>
          %swap3A_223 = arith.index_cast %scan3A_213 : i32 to index
          %swap3A_224 = arith.constant 0 : index
          %swap3A_225 = tpu.vector_load %arg18[%swap3A_223, %swap3A_224] {strides = array<i32>} : memref<32x128xf32, #tpu.memory_space<vmem>>, vector<16xf32>,
          tpu.vector_store %arg18[%swap3A_223, %swap3A_224], %mul3A_222 {strides = array<i32>} : memref<32x128xf32, #tpu.memory_space<vmem>>, vector<16xf32>,
          %get3A_226 = arith.index_cast %scan3A_213 : i32 to index
          %get3A_227 = arith.constant 16 : index
          %get3A_228 = tpu.vector_load %arg19[%get3A_226, %get3A_227] {strides = array<i32>} : memref<32x128xf32, #tpu.memory_space<vmem>>, vector<16xf32>,
          %mul3A_229 = arith.mulf %get3A_228, %gather3A : vector<16xf32>
          %swap3A_230 = arith.index_cast %scan3A_213 : i32 to index
          %swap3A_231 = arith.constant 16 : index
          %swap3A_232 = tpu.vector_load %arg18[%swap3A_230, %swap3A_231] {strides = array<i32>} : memref<32x128xf32, #tpu.memory_space<vmem>>, vector<16xf32>,
          tpu.vector_store %arg18[%swap3A_230, %swap3A_231], %mul3A_229 {strides = array<i32>} : memref<32x128xf32, #tpu.memory_space<vmem>>, vector<16xf32>,
          %get3A_233 = arith.index_cast %scan3A_213 : i32 to index
          %get3A_234 = arith.constant 32 : index
          %get3A_235 = tpu.vector_load %arg19[%get3A_233, %get3A_234] {strides = array<i32>} : memref<32x128xf32, #tpu.memory_space<vmem>>, vector<16xf32>,
          %mul3A_236 = arith.mulf %get3A_235, %gather3A : vector<16xf32>
          %swap3A_237 = arith.index_cast %scan3A_213 : i32 to index
          %swap3A_238 = arith.constant 32 : index
          %swap3A_239 = tpu.vector_load %arg18[%swap3A_237, %swap3A_238] {strides = array<i32>} : memref<32x128xf32, #tpu.memory_space<vmem>>, vector<16xf32>,
          tpu.vector_store %arg18[%swap3A_237, %swap3A_238], %mul3A_236 {strides = array<i32>} : memref<32x128xf32, #tpu.memory_space<vmem>>, vector<16xf32>,
          %get3A_240 = arith.index_cast %scan3A_213 : i32 to index
          %get3A_241 = arith.constant 48 : index
          %get3A_242 = tpu.vector_load %arg19[%get3A_240, %get3A_241] {strides = array<i32>} : memref<32x128xf32, #tpu.memory_space<vmem>>, vector<16xf32>,
          %mul3A_243 = arith.mulf %get3A_242, %gather3A : vector<16xf32>
          %swap3A_244 = arith.index_cast %scan3A_213 : i32 to index
          %swap3A_245 = arith.constant 48 : index
          %swap3A_246 = tpu.vector_load %arg18[%swap3A_244, %swap3A_245] {strides = array<i32>} : memref<32x128xf32, #tpu.memory_space<vmem>>, vector<16xf32>,
          tpu.vector_store %arg18[%swap3A_244, %swap3A_245], %mul3A_243 {strides = array<i32>} : memref<32x128xf32, #tpu.memory_space<vmem>>, vector<16xf32>,
          %get3A_247 = arith.index_cast %scan3A_213 : i32 to index
          %get3A_248 = arith.constant 64 : index
          %get3A_249 = tpu.vector_load %arg19[%get3A_247, %get3A_248] {strides = array<i32>} : memref<32x128xf32, #tpu.memory_space<vmem>>, vector<16xf32>,
          %mul3A_250 = arith.mulf %get3A_249, %gather3A : vector<16xf32>
          %swap3A_251 = arith.index_cast %scan3A_213 : i32 to index
          %swap3A_252 = arith.constant 64 : index
          %swap3A_253 = tpu.vector_load %arg18[%swap3A_251, %swap3A_252] {strides = array<i32>} : memref<32x128xf32, #tpu.memory_space<vmem>>, vector<16xf32>,
          tpu.vector_store %arg18[%swap3A_251, %swap3A_252], %mul3A_250 {strides = array<i32>} : memref<32x128xf32, #tpu.memory_space<vmem>>, vector<16xf32>,
          %get3A_254 = arith.index_cast %scan3A_213 : i32 to index
          %get3A_255 = arith.constant 80 : index
          %get3A_256 = tpu.vector_load %arg19[%get3A_254, %get3A_255] {strides = array<i32>} : memref<32x128xf32, #tpu.memory_space<vmem>>, vector<16xf32>,
          %mul3A_257 = arith.mulf %get3A_256, %gather3A : vector<16xf32>
          %swap3A_258 = arith.index_cast %scan3A_213 : i32 to index
          %swap3A_259 = arith.constant 80 : index
          %swap3A_260 = tpu.vector_load %arg18[%swap3A_258, %swap3A_259] {strides = array<i32>} : memref<32x128xf32, #tpu.memory_space<vmem>>, vector<16xf32>,
          tpu.vector_store %arg18[%swap3A_258, %swap3A_259], %mul3A_257 {strides = array<i32>} : memref<32x128xf32, #tpu.memory_space<vmem>>, vector<16xf32>,
          %get3A_261 = arith.index_cast %scan3A_213 : i32 to index
          %get3A_262 = arith.constant 96 : index
          %get3A_263 = tpu.vector_load %arg19[%get3A_261, %get3A_262] {strides = array<i32>} : memref<32x128xf32, #tpu.memory_space<vmem>>, vector<16xf32>,
          %mul3A_264 = arith.mulf %get3A_263, %gather3A : vector<16xf32>
          %swap3A_265 = arith.index_cast %scan3A_213 : i32 to index
          %swap3A_266 = arith.constant 96 : index
          %swap3A_267 = tpu.vector_load %arg18[%swap3A_265, %swap3A_266] {strides = array<i32>} : memref<32x128xf32, #tpu.memory_space<vmem>>, vector<16xf32>,
          tpu.vector_store %arg18[%swap3A_265, %swap3A_266], %mul3A_264 {strides = array<i32>} : memref<32x128xf32, #tpu.memory_space<vmem>>, vector<16xf32>,
          %get3A_268 = arith.index_cast %scan3A_213 : i32 to index
          %get3A_269 = arith.constant 112 : index
          %get3A_270 = tpu.vector_load %arg19[%get3A_268, %get3A_269] {strides = array<i32>} : memref<32x128xf32, #tpu.memory_space<vmem>>, vector<16xf32>,
          %mul3A_271 = arith.mulf %get3A_270, %gather3A : vector<16xf32>
          %swap3A_272 = arith.index_cast %scan3A_213 : i32 to index
          %swap3A_273 = arith.constant 112 : index
          %swap3A_274 = tpu.vector_load %arg18[%swap3A_272, %swap3A_273] {strides = array<i32>} : memref<32x128xf32, #tpu.memory_space<vmem>>, vector<16xf32>,
          tpu.vector_store %arg18[%swap3A_272, %swap3A_273], %mul3A_271 {strides = array<i32>} : memref<32x128xf32, #tpu.memory_space<vmem>>, vector<16xf32>,
          %scan3A_275 = arith.constant 0 : i32
          scf.yield %scan3A_275 : i32
        }
        %scan3A_208 = arith.constant 32 : i32
        %dma_start3A_209 = arith.constant 0 : i32
        %dma_start3A_210 = tpu.memref_slice %arg6[%add3A_176, %dma_start3A_209] : memref<20480x128xf32, #tpu.memory_space<hbm>> -> memref<32x128xf32, #tpu.memory_space<hbm>>
        %dma_start3A_211 = arith.constant 0 : i32
        %dma_start3A_212 = tpu.memref_slice %arg6[%add3A_176, %dma_start3A_211] : memref<20480x128xf32, #tpu.memory_space<hbm>> -> memref<32x128xf32, #tpu.memory_space<hbm>>
        tpu.enqueue_dma source(%arg18 : memref<32x128xf32, #tpu.memory_space<vmem>>) target(%dma_start3A_212 : memref<32x128xf32, #tpu.memory_space<hbm>>) target_semaphore(%arg28 : memref<!tpu.dma_semaphore, #tpu.memory_space<semaphore_mem>>)
      } else {
      }
      %scan3A_201 = arith.constant 0 : i32
      scf.yield %scan3A_201 : i32
    }
    %scan3A_48 = arith.constant 20 : i32
    %mul3A_49 = arith.constant 640 : i32
    %mul3A_50 = arith.muli %arg1, %mul3A_49 : i32
    %add3A = arith.constant 608 : i32
    %add3A_51 = arith.addi %mul3A_50, %add3A : i32
    %lt3A = arith.constant 10000 : i32
    %lt3A_52 = arith.cmpi slt, %add3A_51, %lt3A : i32
    %convert_element_type3A = arith.extui %lt3A_52 : i1 to i32
    %cond3A = arith.constant 0 : i32
    %cond3A_53 = arith.cmpi ne, %convert_element_type3A, %cond3A : i32
    scf.if %cond3A_53 {
      %dma_wait3A = arith.constant 0 : i32
      %dma_wait3A_167 = arith.constant 0 : i32
      %dma_wait3A_168 = tpu.memref_slice %arg6[%dma_wait3A, %dma_wait3A_167] : memref<20480x128xf32, #tpu.memory_space<hbm>> -> memref<32x128xf32, #tpu.memory_space<hbm>>
      %dma_wait3A_169 = arith.constant 0 : i32
      %dma_wait3A_170 = arith.constant 0 : i32
      %dma_wait3A_171 = tpu.memref_slice %arg6[%dma_wait3A_169, %dma_wait3A_170] : memref<20480x128xf32, #tpu.memory_space<hbm>> -> memref<32x128xf32, #tpu.memory_space<hbm>>
      tpu.wait_dma2 semaphore(%arg28 : memref<!tpu.dma_semaphore, #tpu.memory_space<semaphore_mem>>) src(%arg18 : memref<32x128xf32, #tpu.memory_space<vmem>>) dst(%dma_wait3A_171 : memref<32x128xf32, #tpu.memory_space<hbm>>)
    } else {
    }
    %barrier3A_54 = arith.constant 0 : index
    tpu.barrier barrier_id(%barrier3A_54)
    %mul3A_55 = arith.constant 10240 : i32
    %mul3A_56 = arith.muli %arg0, %mul3A_55 : i32
    %broadcast_in_dim3A_57 = vector.broadcast %mul3A_56 : i32 to vector<16xi32>
    %scan3A_58 = arith.constant 5.000000e-01 : f32
    %scan3A_59 = arith.constant 0 : i32
    %scan3A_60 = arith.constant 0 : i32
    %scan3A_61 = arith.constant 2 : i32
    %scan3A_62 = arith.addi %scan3A_60, %scan3A_61 : i32
    %scan3A_63 = arith.constant 1 : i32
    %scan3A_64 = scf.for %scan3A_167 = %scan3A_60 to %scan3A_62 step %scan3A_63 iter_args(%scan3A_168 = %scan3A_59) -> (i32)  : i32 {
      %mul3A_169 = arith.constant 10240 : i32
      %mul3A_170 = arith.muli %arg1, %mul3A_169 : i32
      %add3A_171 = arith.constant 0 : i32
      %add3A_172 = arith.addi %mul3A_170, %add3A_171 : i32
      "tpu.region"() ({
        %run_scoped3A = tpu.sem_alloc : memref<!tpu.dma_semaphore, #tpu.memory_space<semaphore_mem>>
        %dma_start3A_281 = tpu.memref_slice %arg3[%add3A_172] : memref<163840xi32, #tpu.memory_space<hbm>> -> memref<128xi32, #tpu.memory_space<hbm>>
        %dma_start3A_282 = tpu.memref_slice %arg3[%add3A_172] : memref<163840xi32, #tpu.memory_space<hbm>> -> memref<128xi32, #tpu.memory_space<hbm>>
        tpu.enqueue_dma source(%dma_start3A_282 : memref<128xi32, #tpu.memory_space<hbm>>) target(%arg9 : memref<128xi32, #tpu.memory_space<vmem>>) target_semaphore(%run_scoped3A : memref<!tpu.dma_semaphore, #tpu.memory_space<semaphore_mem>>)
        %dma_wait3A = tpu.memref_slice %arg3[%add3A_172] : memref<163840xi32, #tpu.memory_space<hbm>> -> memref<128xi32, #tpu.memory_space<hbm>>
        %dma_wait3A_283 = tpu.memref_slice %arg3[%add3A_172] : memref<163840xi32, #tpu.memory_space<hbm>> -> memref<128xi32, #tpu.memory_space<hbm>>
        tpu.wait_dma2 semaphore(%run_scoped3A : memref<!tpu.dma_semaphore, #tpu.memory_space<semaphore_mem>>) src(%dma_wait3A_283 : memref<128xi32, #tpu.memory_space<hbm>>) dst(%arg9 : memref<128xi32, #tpu.memory_space<vmem>>)
        tpu.yield
      }) : () -> ()
      "tpu.region"() ({
        %run_scoped3A = tpu.sem_alloc : memref<!tpu.dma_semaphore, #tpu.memory_space<semaphore_mem>>
        %dma_start3A_281 = tpu.memref_slice %arg4[%add3A_172] : memref<163840xi32, #tpu.memory_space<hbm>> -> memref<128xi32, #tpu.memory_space<hbm>>
        %dma_start3A_282 = tpu.memref_slice %arg4[%add3A_172] : memref<163840xi32, #tpu.memory_space<hbm>> -> memref<128xi32, #tpu.memory_space<hbm>>
        tpu.enqueue_dma source(%dma_start3A_282 : memref<128xi32, #tpu.memory_space<hbm>>) target(%arg10 : memref<128xi32, #tpu.memory_space<vmem>>) target_semaphore(%run_scoped3A : memref<!tpu.dma_semaphore, #tpu.memory_space<semaphore_mem>>)
        %dma_wait3A = tpu.memref_slice %arg4[%add3A_172] : memref<163840xi32, #tpu.memory_space<hbm>> -> memref<128xi32, #tpu.memory_space<hbm>>
        %dma_wait3A_283 = tpu.memref_slice %arg4[%add3A_172] : memref<163840xi32, #tpu.memory_space<hbm>> -> memref<128xi32, #tpu.memory_space<hbm>>
        tpu.wait_dma2 semaphore(%run_scoped3A : memref<!tpu.dma_semaphore, #tpu.memory_space<semaphore_mem>>) src(%dma_wait3A_283 : memref<128xi32, #tpu.memory_space<hbm>>) dst(%arg10 : memref<128xi32, #tpu.memory_space<vmem>>)
        tpu.yield
      }) : () -> ()
      %get3A_173 = arith.constant 0 : index
      %get3A_174 = tpu.vector_load %arg9[%get3A_173] {strides = array<i32>} : memref<128xi32, #tpu.memory_space<vmem>>, vector<16xi32>,
      %add3A_175 = arith.addi %get3A_174, %broadcast_in_dim3A_57 : vector<16xi32>
      %swap3A_176 = arith.constant 0 : index
      %swap3A_177 = tpu.vector_load %arg11[%swap3A_176] {strides = array<i32>} : memref<64xi32, #tpu.memory_space<vmem>>, vector<16xi32>,
      tpu.vector_store %arg11[%swap3A_176], %add3A_175 {strides = array<i32>} : memref<64xi32, #tpu.memory_space<vmem>>, vector<16xi32>,
      %get3A_178 = arith.constant 0 : index
      %get3A_179 = tpu.vector_load %arg10[%get3A_178] {strides = array<i32>} : memref<128xi32, #tpu.memory_space<vmem>>, vector<16xi32>,
      %swap3A_180 = arith.constant 0 : index
      %swap3A_181 = tpu.vector_load %arg13[%swap3A_180] {strides = array<i32>} : memref<64xi32, #tpu.memory_space<vmem>>, vector<16xi32>,
      tpu.vector_store %arg13[%swap3A_180], %get3A_179 {strides = array<i32>} : memref<64xi32, #tpu.memory_space<vmem>>, vector<16xi32>,
      %get3A_182 = arith.constant 16 : index
      %get3A_183 = tpu.vector_load %arg9[%get3A_182] {strides = array<i32>} : memref<128xi32, #tpu.memory_space<vmem>>, vector<16xi32>,
      %add3A_184 = arith.addi %get3A_183, %broadcast_in_dim3A_57 : vector<16xi32>
      %swap3A_185 = arith.constant 16 : index
      %swap3A_186 = tpu.vector_load %arg11[%swap3A_185] {strides = array<i32>} : memref<64xi32, #tpu.memory_space<vmem>>, vector<16xi32>,
      tpu.vector_store %arg11[%swap3A_185], %add3A_184 {strides = array<i32>} : memref<64xi32, #tpu.memory_space<vmem>>, vector<16xi32>,
      %get3A_187 = arith.constant 16 : index
      %get3A_188 = tpu.vector_load %arg10[%get3A_187] {strides = array<i32>} : memref<128xi32, #tpu.memory_space<vmem>>, vector<16xi32>,
      %swap3A_189 = arith.constant 16 : index
      %swap3A_190 = tpu.vector_load %arg13[%swap3A_189] {strides = array<i32>} : memref<64xi32, #tpu.memory_space<vmem>>, vector<16xi32>,
      tpu.vector_store %arg13[%swap3A_189], %get3A_188 {strides = array<i32>} : memref<64xi32, #tpu.memory_space<vmem>>, vector<16xi32>,
      %get3A_191 = arith.constant 32 : index
      %get3A_192 = tpu.vector_load %arg9[%get3A_191] {strides = array<i32>} : memref<128xi32, #tpu.memory_space<vmem>>, vector<16xi32>,
      %add3A_193 = arith.addi %get3A_192, %broadcast_in_dim3A_57 : vector<16xi32>
      %swap3A_194 = arith.constant 32 : index
      %swap3A_195 = tpu.vector_load %arg11[%swap3A_194] {strides = array<i32>} : memref<64xi32, #tpu.memory_space<vmem>>, vector<16xi32>,
      tpu.vector_store %arg11[%swap3A_194], %add3A_193 {strides = array<i32>} : memref<64xi32, #tpu.memory_space<vmem>>, vector<16xi32>,
      %get3A_196 = arith.constant 32 : index
      %get3A_197 = tpu.vector_load %arg10[%get3A_196] {strides = array<i32>} : memref<128xi32, #tpu.memory_space<vmem>>, vector<16xi32>,
      %swap3A_198 = arith.constant 32 : index
      %swap3A_199 = tpu.vector_load %arg13[%swap3A_198] {strides = array<i32>} : memref<64xi32, #tpu.memory_space<vmem>>, vector<16xi32>,
      tpu.vector_store %arg13[%swap3A_198], %get3A_197 {strides = array<i32>} : memref<64xi32, #tpu.memory_space<vmem>>, vector<16xi32>,
      %get3A_200 = arith.constant 48 : index
      %get3A_201 = tpu.vector_load %arg9[%get3A_200] {strides = array<i32>} : memref<128xi32, #tpu.memory_space<vmem>>, vector<16xi32>,
      %add3A_202 = arith.addi %get3A_201, %broadcast_in_dim3A_57 : vector<16xi32>
      %swap3A_203 = arith.constant 48 : index
      %swap3A_204 = tpu.vector_load %arg11[%swap3A_203] {strides = array<i32>} : memref<64xi32, #tpu.memory_space<vmem>>, vector<16xi32>,
      tpu.vector_store %arg11[%swap3A_203], %add3A_202 {strides = array<i32>} : memref<64xi32, #tpu.memory_space<vmem>>, vector<16xi32>,
      %get3A_205 = arith.constant 48 : index
      %get3A_206 = tpu.vector_load %arg10[%get3A_205] {strides = array<i32>} : memref<128xi32, #tpu.memory_space<vmem>>, vector<16xi32>,
      %swap3A_207 = arith.constant 48 : index
      %swap3A_208 = tpu.vector_load %arg13[%swap3A_207] {strides = array<i32>} : memref<64xi32, #tpu.memory_space<vmem>>, vector<16xi32>,
      tpu.vector_store %arg13[%swap3A_207], %get3A_206 {strides = array<i32>} : memref<64xi32, #tpu.memory_space<vmem>>, vector<16xi32>,
      %get3A_209 = arith.constant 64 : index
      %get3A_210 = tpu.vector_load %arg9[%get3A_209] {strides = array<i32>} : memref<128xi32, #tpu.memory_space<vmem>>, vector<16xi32>,
      %add3A_211 = arith.addi %get3A_210, %broadcast_in_dim3A_57 : vector<16xi32>
      %swap3A_212 = arith.constant 0 : index
      %swap3A_213 = tpu.vector_load %arg12[%swap3A_212] {strides = array<i32>} : memref<64xi32, #tpu.memory_space<vmem>>, vector<16xi32>,
      tpu.vector_store %arg12[%swap3A_212], %add3A_211 {strides = array<i32>} : memref<64xi32, #tpu.memory_space<vmem>>, vector<16xi32>,
      %get3A_214 = arith.constant 64 : index
      %get3A_215 = tpu.vector_load %arg10[%get3A_214] {strides = array<i32>} : memref<128xi32, #tpu.memory_space<vmem>>, vector<16xi32>,
      %swap3A_216 = arith.constant 0 : index
      %swap3A_217 = tpu.vector_load %arg14[%swap3A_216] {strides = array<i32>} : memref<64xi32, #tpu.memory_space<vmem>>, vector<16xi32>,
      tpu.vector_store %arg14[%swap3A_216], %get3A_215 {strides = array<i32>} : memref<64xi32, #tpu.memory_space<vmem>>, vector<16xi32>,
      %get3A_218 = arith.constant 80 : index
      %get3A_219 = tpu.vector_load %arg9[%get3A_218] {strides = array<i32>} : memref<128xi32, #tpu.memory_space<vmem>>, vector<16xi32>,
      %add3A_220 = arith.addi %get3A_219, %broadcast_in_dim3A_57 : vector<16xi32>
      %swap3A_221 = arith.constant 16 : index
      %swap3A_222 = tpu.vector_load %arg12[%swap3A_221] {strides = array<i32>} : memref<64xi32, #tpu.memory_space<vmem>>, vector<16xi32>,
      tpu.vector_store %arg12[%swap3A_221], %add3A_220 {strides = array<i32>} : memref<64xi32, #tpu.memory_space<vmem>>, vector<16xi32>,
      %get3A_223 = arith.constant 80 : index
      %get3A_224 = tpu.vector_load %arg10[%get3A_223] {strides = array<i32>} : memref<128xi32, #tpu.memory_space<vmem>>, vector<16xi32>,
      %swap3A_225 = arith.constant 16 : index
      %swap3A_226 = tpu.vector_load %arg14[%swap3A_225] {strides = array<i32>} : memref<64xi32, #tpu.memory_space<vmem>>, vector<16xi32>,
      tpu.vector_store %arg14[%swap3A_225], %get3A_224 {strides = array<i32>} : memref<64xi32, #tpu.memory_space<vmem>>, vector<16xi32>,
      %get3A_227 = arith.constant 96 : index
      %get3A_228 = tpu.vector_load %arg9[%get3A_227] {strides = array<i32>} : memref<128xi32, #tpu.memory_space<vmem>>, vector<16xi32>,
      %add3A_229 = arith.addi %get3A_228, %broadcast_in_dim3A_57 : vector<16xi32>
      %swap3A_230 = arith.constant 32 : index
      %swap3A_231 = tpu.vector_load %arg12[%swap3A_230] {strides = array<i32>} : memref<64xi32, #tpu.memory_space<vmem>>, vector<16xi32>,
      tpu.vector_store %arg12[%swap3A_230], %add3A_229 {strides = array<i32>} : memref<64xi32, #tpu.memory_space<vmem>>, vector<16xi32>,
      %get3A_232 = arith.constant 96 : index
      %get3A_233 = tpu.vector_load %arg10[%get3A_232] {strides = array<i32>} : memref<128xi32, #tpu.memory_space<vmem>>, vector<16xi32>,
      %swap3A_234 = arith.constant 32 : index
      %swap3A_235 = tpu.vector_load %arg14[%swap3A_234] {strides = array<i32>} : memref<64xi32, #tpu.memory_space<vmem>>, vector<16xi32>,
      tpu.vector_store %arg14[%swap3A_234], %get3A_233 {strides = array<i32>} : memref<64xi32, #tpu.memory_space<vmem>>, vector<16xi32>,
      %get3A_236 = arith.constant 112 : index
      %get3A_237 = tpu.vector_load %arg9[%get3A_236] {strides = array<i32>} : memref<128xi32, #tpu.memory_space<vmem>>, vector<16xi32>,
      %add3A_238 = arith.addi %get3A_237, %broadcast_in_dim3A_57 : vector<16xi32>
      %swap3A_239 = arith.constant 48 : index
      %swap3A_240 = tpu.vector_load %arg12[%swap3A_239] {strides = array<i32>} : memref<64xi32, #tpu.memory_space<vmem>>, vector<16xi32>,
      tpu.vector_store %arg12[%swap3A_239], %add3A_238 {strides = array<i32>} : memref<64xi32, #tpu.memory_space<vmem>>, vector<16xi32>,
      %get3A_241 = arith.constant 112 : index
      %get3A_242 = tpu.vector_load %arg10[%get3A_241] {strides = array<i32>} : memref<128xi32, #tpu.memory_space<vmem>>, vector<16xi32>,
      %swap3A_243 = arith.constant 48 : index
      %swap3A_244 = tpu.vector_load %arg14[%swap3A_243] {strides = array<i32>} : memref<64xi32, #tpu.memory_space<vmem>>, vector<16xi32>,
      tpu.vector_store %arg14[%swap3A_243], %get3A_242 {strides = array<i32>} : memref<64xi32, #tpu.memory_space<vmem>>, vector<16xi32>,
      %dma_start3A_245 = arith.constant 0 : i32
      %dma_start3A_246 = arith.constant 0 : i32
      %dma_start3A_247 = tpu.memref_slice %arg6[%dma_start3A_245, %dma_start3A_246] : memref<20480x128xf32, #tpu.memory_space<hbm>> -> memref<20480x128xf32, #tpu.memory_space<hbm>>
      tpu.enqueue_indirect_dma source(%dma_start3A_247 : memref<20480x128xf32, #tpu.memory_space<hbm>>) target(%arg15 : memref<64x128xf32, #tpu.memory_space<vmem>>) offsets(%arg11 : memref<64xi32, #tpu.memory_space<vmem>>) semaphore(%arg25 : memref<!tpu.dma_semaphore, #tpu.memory_space<semaphore_mem>>)
      %scan3A_248 = arith.constant 0 : i32
      %scan3A_249 = arith.constant 0 : i32
      %scan3A_250 = arith.constant 80 : i32
      %scan3A_251 = arith.addi %scan3A_249, %scan3A_250 : i32
      %scan3A_252 = arith.constant 1 : i32
      %scan3A_253 = scf.for %scan3A_281 = %scan3A_249 to %scan3A_251 step %scan3A_252 iter_args(%scan3A_282 = %scan3A_248) -> (i32)  : i32 {
        %dma_start3A_283 = arith.constant 0 : i32
        %dma_start3A_284 = arith.constant 0 : i32
        %dma_start3A_285 = tpu.memref_slice %arg6[%dma_start3A_283, %dma_start3A_284] : memref<20480x128xf32, #tpu.memory_space<hbm>> -> memref<20480x128xf32, #tpu.memory_space<hbm>>
        tpu.enqueue_indirect_dma source(%dma_start3A_285 : memref<20480x128xf32, #tpu.memory_space<hbm>>) target(%arg16 : memref<64x128xf32, #tpu.memory_space<vmem>>) offsets(%arg12 : memref<64xi32, #tpu.memory_space<vmem>>) semaphore(%arg26 : memref<!tpu.dma_semaphore, #tpu.memory_space<semaphore_mem>>)
        %lt3A_286 = arith.constant 79 : i32
        %lt3A_287 = arith.cmpi slt, %scan3A_281, %lt3A_286 : i32
        %convert_element_type3A_288 = arith.extui %lt3A_287 : i1 to i32
        %cond3A_289 = arith.constant 0 : i32
        %cond3A_290 = arith.cmpi ne, %convert_element_type3A_288, %cond3A_289 : i32
        scf.if %cond3A_290 {
          %mul3A_307 = arith.constant 10240 : i32
          %mul3A_308 = arith.muli %arg1, %mul3A_307 : i32
          %add3A_309 = arith.constant 1 : i32
          %add3A_310 = arith.addi %scan3A_281, %add3A_309 : i32
          %mul3A_311 = arith.constant 128 : i32
          %mul3A_312 = arith.muli %add3A_310, %mul3A_311 : i32
          %add3A_313 = arith.addi %mul3A_308, %mul3A_312 : i32
          %dma_start3A_314 = tpu.memref_slice %arg3[%add3A_313] : memref<163840xi32, #tpu.memory_space<hbm>> -> memref<128xi32, #tpu.memory_space<hbm>>
          %dma_start3A_315 = tpu.memref_slice %arg3[%add3A_313] : memref<163840xi32, #tpu.memory_space<hbm>> -> memref<128xi32, #tpu.memory_space<hbm>>
          tpu.enqueue_dma source(%dma_start3A_315 : memref<128xi32, #tpu.memory_space<hbm>>) target(%arg9 : memref<128xi32, #tpu.memory_space<vmem>>) target_semaphore(%arg27 : memref<!tpu.dma_semaphore, #tpu.memory_space<semaphore_mem>>)
          %dma_start3A_316 = tpu.memref_slice %arg4[%add3A_313] : memref<163840xi32, #tpu.memory_space<hbm>> -> memref<128xi32, #tpu.memory_space<hbm>>
          %dma_start3A_317 = tpu.memref_slice %arg4[%add3A_313] : memref<163840xi32, #tpu.memory_space<hbm>> -> memref<128xi32, #tpu.memory_space<hbm>>
          tpu.enqueue_dma source(%dma_start3A_317 : memref<128xi32, #tpu.memory_space<hbm>>) target(%arg10 : memref<128xi32, #tpu.memory_space<vmem>>) target_semaphore(%arg27 : memref<!tpu.dma_semaphore, #tpu.memory_space<semaphore_mem>>)
        } else {
        }
        %dma_wait3A = arith.constant 0 : i32
        %dma_wait3A_291 = arith.constant 0 : i32
        %dma_wait3A_292 = tpu.memref_slice %arg6[%dma_wait3A, %dma_wait3A_291] : memref<20480x128xf32, #tpu.memory_space<hbm>> -> memref<20480x128xf32, #tpu.memory_space<hbm>>
        tpu.wait_indirect_dma semaphore(%arg25 : memref<!tpu.dma_semaphore, #tpu.memory_space<semaphore_mem>>) src(%dma_wait3A_292 : memref<20480x128xf32, #tpu.memory_space<hbm>>) dst(%arg15 : memref<64x128xf32, #tpu.memory_space<vmem>>)
        "tpu.region"() ({
          %run_scoped3A = tpu.sem_alloc : memref<!tpu.dma_semaphore, #tpu.memory_space<semaphore_mem>>
          %dma_start3A_307 = arith.constant 0 : i32
          %dma_start3A_308 = arith.constant 0 : i32
          %dma_start3A_309 = tpu.memref_slice %arg7[%dma_start3A_307, %dma_start3A_308] : memref<10240x128xf32, #tpu.memory_space<vmem_shared>> -> memref<10240x128xf32, #tpu.memory_space<vmem_shared>>
          tpu.enqueue_indirect_dma source(%arg15 : memref<64x128xf32, #tpu.memory_space<vmem>>) target(%dma_start3A_309 : memref<10240x128xf32, #tpu.memory_space<vmem_shared>>) offsets(%arg13 : memref<64xi32, #tpu.memory_space<vmem>>) semaphore(%run_scoped3A : memref<!tpu.dma_semaphore, #tpu.memory_space<semaphore_mem>>) {add = true}
          %dma_wait3A_310 = arith.constant 0 : i32
          %dma_wait3A_311 = arith.constant 0 : i32
          %dma_wait3A_312 = tpu.memref_slice %arg7[%dma_wait3A_310, %dma_wait3A_311] : memref<10240x128xf32, #tpu.memory_space<vmem_shared>> -> memref<10240x128xf32, #tpu.memory_space<vmem_shared>>
          tpu.wait_indirect_dma semaphore(%run_scoped3A : memref<!tpu.dma_semaphore, #tpu.memory_space<semaphore_mem>>) src(%arg15 : memref<64x128xf32, #tpu.memory_space<vmem>>) dst(%dma_wait3A_312 : memref<10240x128xf32, #tpu.memory_space<vmem_shared>>)
          tpu.yield
        }) : () -> ()
        %lt3A_293 = arith.constant 79 : i32
        %lt3A_294 = arith.cmpi slt, %scan3A_281, %lt3A_293 : i32
        %convert_element_type3A_295 = arith.extui %lt3A_294 : i1 to i32
        %cond3A_296 = arith.constant 0 : i32
        %cond3A_297 = arith.cmpi ne, %convert_element_type3A_295, %cond3A_296 : i32
        scf.if %cond3A_297 {
          %dma_wait3A_307 = arith.constant 0 : i32
          %dma_wait3A_308 = tpu.memref_slice %arg3[%dma_wait3A_307] : memref<163840xi32, #tpu.memory_space<hbm>> -> memref<128xi32, #tpu.memory_space<hbm>>
          %dma_wait3A_309 = arith.constant 0 : i32
          %dma_wait3A_310 = tpu.memref_slice %arg3[%dma_wait3A_309] : memref<163840xi32, #tpu.memory_space<hbm>> -> memref<128xi32, #tpu.memory_space<hbm>>
          tpu.wait_dma2 semaphore(%arg27 : memref<!tpu.dma_semaphore, #tpu.memory_space<semaphore_mem>>) src(%dma_wait3A_310 : memref<128xi32, #tpu.memory_space<hbm>>) dst(%arg9 : memref<128xi32, #tpu.memory_space<vmem>>)
          %dma_wait3A_311 = arith.constant 0 : i32
          %dma_wait3A_312 = tpu.memref_slice %arg4[%dma_wait3A_311] : memref<163840xi32, #tpu.memory_space<hbm>> -> memref<128xi32, #tpu.memory_space<hbm>>
          %dma_wait3A_313 = arith.constant 0 : i32
          %dma_wait3A_314 = tpu.memref_slice %arg4[%dma_wait3A_313] : memref<163840xi32, #tpu.memory_space<hbm>> -> memref<128xi32, #tpu.memory_space<hbm>>
          tpu.wait_dma2 semaphore(%arg27 : memref<!tpu.dma_semaphore, #tpu.memory_space<semaphore_mem>>) src(%dma_wait3A_314 : memref<128xi32, #tpu.memory_space<hbm>>) dst(%arg10 : memref<128xi32, #tpu.memory_space<vmem>>)
          %get3A_315 = arith.constant 0 : index
          %get3A_316 = tpu.vector_load %arg9[%get3A_315] {strides = array<i32>} : memref<128xi32, #tpu.memory_space<vmem>>, vector<16xi32>,
          %add3A_317 = arith.addi %get3A_316, %broadcast_in_dim3A_57 : vector<16xi32>
          %swap3A_318 = arith.constant 0 : index
          %swap3A_319 = tpu.vector_load %arg11[%swap3A_318] {strides = array<i32>} : memref<64xi32, #tpu.memory_space<vmem>>, vector<16xi32>,
          tpu.vector_store %arg11[%swap3A_318], %add3A_317 {strides = array<i32>} : memref<64xi32, #tpu.memory_space<vmem>>, vector<16xi32>,
          %get3A_320 = arith.constant 0 : index
          %get3A_321 = tpu.vector_load %arg10[%get3A_320] {strides = array<i32>} : memref<128xi32, #tpu.memory_space<vmem>>, vector<16xi32>,
          %swap3A_322 = arith.constant 0 : index
          %swap3A_323 = tpu.vector_load %arg13[%swap3A_322] {strides = array<i32>} : memref<64xi32, #tpu.memory_space<vmem>>, vector<16xi32>,
          tpu.vector_store %arg13[%swap3A_322], %get3A_321 {strides = array<i32>} : memref<64xi32, #tpu.memory_space<vmem>>, vector<16xi32>,
          %get3A_324 = arith.constant 16 : index
          %get3A_325 = tpu.vector_load %arg9[%get3A_324] {strides = array<i32>} : memref<128xi32, #tpu.memory_space<vmem>>, vector<16xi32>,
          %add3A_326 = arith.addi %get3A_325, %broadcast_in_dim3A_57 : vector<16xi32>
          %swap3A_327 = arith.constant 16 : index
          %swap3A_328 = tpu.vector_load %arg11[%swap3A_327] {strides = array<i32>} : memref<64xi32, #tpu.memory_space<vmem>>, vector<16xi32>,
          tpu.vector_store %arg11[%swap3A_327], %add3A_326 {strides = array<i32>} : memref<64xi32, #tpu.memory_space<vmem>>, vector<16xi32>,
          %get3A_329 = arith.constant 16 : index
          %get3A_330 = tpu.vector_load %arg10[%get3A_329] {strides = array<i32>} : memref<128xi32, #tpu.memory_space<vmem>>, vector<16xi32>,
          %swap3A_331 = arith.constant 16 : index
          %swap3A_332 = tpu.vector_load %arg13[%swap3A_331] {strides = array<i32>} : memref<64xi32, #tpu.memory_space<vmem>>, vector<16xi32>,
          tpu.vector_store %arg13[%swap3A_331], %get3A_330 {strides = array<i32>} : memref<64xi32, #tpu.memory_space<vmem>>, vector<16xi32>,
          %get3A_333 = arith.constant 32 : index
          %get3A_334 = tpu.vector_load %arg9[%get3A_333] {strides = array<i32>} : memref<128xi32, #tpu.memory_space<vmem>>, vector<16xi32>,
          %add3A_335 = arith.addi %get3A_334, %broadcast_in_dim3A_57 : vector<16xi32>
          %swap3A_336 = arith.constant 32 : index
          %swap3A_337 = tpu.vector_load %arg11[%swap3A_336] {strides = array<i32>} : memref<64xi32, #tpu.memory_space<vmem>>, vector<16xi32>,
          tpu.vector_store %arg11[%swap3A_336], %add3A_335 {strides = array<i32>} : memref<64xi32, #tpu.memory_space<vmem>>, vector<16xi32>,
          %get3A_338 = arith.constant 32 : index
          %get3A_339 = tpu.vector_load %arg10[%get3A_338] {strides = array<i32>} : memref<128xi32, #tpu.memory_space<vmem>>, vector<16xi32>,
          %swap3A_340 = arith.constant 32 : index
          %swap3A_341 = tpu.vector_load %arg13[%swap3A_340] {strides = array<i32>} : memref<64xi32, #tpu.memory_space<vmem>>, vector<16xi32>,
          tpu.vector_store %arg13[%swap3A_340], %get3A_339 {strides = array<i32>} : memref<64xi32, #tpu.memory_space<vmem>>, vector<16xi32>,
          %get3A_342 = arith.constant 48 : index
          %get3A_343 = tpu.vector_load %arg9[%get3A_342] {strides = array<i32>} : memref<128xi32, #tpu.memory_space<vmem>>, vector<16xi32>,
          %add3A_344 = arith.addi %get3A_343, %broadcast_in_dim3A_57 : vector<16xi32>
          %swap3A_345 = arith.constant 48 : index
          %swap3A_346 = tpu.vector_load %arg11[%swap3A_345] {strides = array<i32>} : memref<64xi32, #tpu.memory_space<vmem>>, vector<16xi32>,
          tpu.vector_store %arg11[%swap3A_345], %add3A_344 {strides = array<i32>} : memref<64xi32, #tpu.memory_space<vmem>>, vector<16xi32>,
          %get3A_347 = arith.constant 48 : index
          %get3A_348 = tpu.vector_load %arg10[%get3A_347] {strides = array<i32>} : memref<128xi32, #tpu.memory_space<vmem>>, vector<16xi32>,
          %swap3A_349 = arith.constant 48 : index
          %swap3A_350 = tpu.vector_load %arg13[%swap3A_349] {strides = array<i32>} : memref<64xi32, #tpu.memory_space<vmem>>, vector<16xi32>,
          tpu.vector_store %arg13[%swap3A_349], %get3A_348 {strides = array<i32>} : memref<64xi32, #tpu.memory_space<vmem>>, vector<16xi32>,
          %dma_start3A_351 = arith.constant 0 : i32
          %dma_start3A_352 = arith.constant 0 : i32
          %dma_start3A_353 = tpu.memref_slice %arg6[%dma_start3A_351, %dma_start3A_352] : memref<20480x128xf32, #tpu.memory_space<hbm>> -> memref<20480x128xf32, #tpu.memory_space<hbm>>
          tpu.enqueue_indirect_dma source(%dma_start3A_353 : memref<20480x128xf32, #tpu.memory_space<hbm>>) target(%arg15 : memref<64x128xf32, #tpu.memory_space<vmem>>) offsets(%arg11 : memref<64xi32, #tpu.memory_space<vmem>>) semaphore(%arg25 : memref<!tpu.dma_semaphore, #tpu.memory_space<semaphore_mem>>)
        } else {
        }
        %dma_wait3A_298 = arith.constant 0 : i32
        %dma_wait3A_299 = arith.constant 0 : i32
        %dma_wait3A_300 = tpu.memref_slice %arg6[%dma_wait3A_298, %dma_wait3A_299] : memref<20480x128xf32, #tpu.memory_space<hbm>> -> memref<20480x128xf32, #tpu.memory_space<hbm>>
        tpu.wait_indirect_dma semaphore(%arg26 : memref<!tpu.dma_semaphore, #tpu.memory_space<semaphore_mem>>) src(%dma_wait3A_300 : memref<20480x128xf32, #tpu.memory_space<hbm>>) dst(%arg16 : memref<64x128xf32, #tpu.memory_space<vmem>>)
        "tpu.region"() ({
          %run_scoped3A = tpu.sem_alloc : memref<!tpu.dma_semaphore, #tpu.memory_space<semaphore_mem>>
          %dma_start3A_307 = arith.constant 0 : i32
          %dma_start3A_308 = arith.constant 0 : i32
          %dma_start3A_309 = tpu.memref_slice %arg7[%dma_start3A_307, %dma_start3A_308] : memref<10240x128xf32, #tpu.memory_space<vmem_shared>> -> memref<10240x128xf32, #tpu.memory_space<vmem_shared>>
          tpu.enqueue_indirect_dma source(%arg16 : memref<64x128xf32, #tpu.memory_space<vmem>>) target(%dma_start3A_309 : memref<10240x128xf32, #tpu.memory_space<vmem_shared>>) offsets(%arg14 : memref<64xi32, #tpu.memory_space<vmem>>) semaphore(%run_scoped3A : memref<!tpu.dma_semaphore, #tpu.memory_space<semaphore_mem>>) {add = true}
          %dma_wait3A_310 = arith.constant 0 : i32
          %dma_wait3A_311 = arith.constant 0 : i32
          %dma_wait3A_312 = tpu.memref_slice %arg7[%dma_wait3A_310, %dma_wait3A_311] : memref<10240x128xf32, #tpu.memory_space<vmem_shared>> -> memref<10240x128xf32, #tpu.memory_space<vmem_shared>>
          tpu.wait_indirect_dma semaphore(%run_scoped3A : memref<!tpu.dma_semaphore, #tpu.memory_space<semaphore_mem>>) src(%arg16 : memref<64x128xf32, #tpu.memory_space<vmem>>) dst(%dma_wait3A_312 : memref<10240x128xf32, #tpu.memory_space<vmem_shared>>)
          tpu.yield
        }) : () -> ()
        %lt3A_301 = arith.constant 79 : i32
        %lt3A_302 = arith.cmpi slt, %scan3A_281, %lt3A_301 : i32
        %convert_element_type3A_303 = arith.extui %lt3A_302 : i1 to i32
        %cond3A_304 = arith.constant 0 : i32
        %cond3A_305 = arith.cmpi ne, %convert_element_type3A_303, %cond3A_304 : i32
        scf.if %cond3A_305 {
          %get3A_307 = arith.constant 64 : index
          %get3A_308 = tpu.vector_load %arg9[%get3A_307] {strides = array<i32>} : memref<128xi32, #tpu.memory_space<vmem>>, vector<16xi32>,
          %add3A_309 = arith.addi %get3A_308, %broadcast_in_dim3A_57 : vector<16xi32>
          %swap3A_310 = arith.constant 0 : index
          %swap3A_311 = tpu.vector_load %arg12[%swap3A_310] {strides = array<i32>} : memref<64xi32, #tpu.memory_space<vmem>>, vector<16xi32>,
          tpu.vector_store %arg12[%swap3A_310], %add3A_309 {strides = array<i32>} : memref<64xi32, #tpu.memory_space<vmem>>, vector<16xi32>,
          %get3A_312 = arith.constant 64 : index
          %get3A_313 = tpu.vector_load %arg10[%get3A_312] {strides = array<i32>} : memref<128xi32, #tpu.memory_space<vmem>>, vector<16xi32>,
          %swap3A_314 = arith.constant 0 : index
          %swap3A_315 = tpu.vector_load %arg14[%swap3A_314] {strides = array<i32>} : memref<64xi32, #tpu.memory_space<vmem>>, vector<16xi32>,
          tpu.vector_store %arg14[%swap3A_314], %get3A_313 {strides = array<i32>} : memref<64xi32, #tpu.memory_space<vmem>>, vector<16xi32>,
          %get3A_316 = arith.constant 80 : index
          %get3A_317 = tpu.vector_load %arg9[%get3A_316] {strides = array<i32>} : memref<128xi32, #tpu.memory_space<vmem>>, vector<16xi32>,
          %add3A_318 = arith.addi %get3A_317, %broadcast_in_dim3A_57 : vector<16xi32>
          %swap3A_319 = arith.constant 16 : index
          %swap3A_320 = tpu.vector_load %arg12[%swap3A_319] {strides = array<i32>} : memref<64xi32, #tpu.memory_space<vmem>>, vector<16xi32>,
          tpu.vector_store %arg12[%swap3A_319], %add3A_318 {strides = array<i32>} : memref<64xi32, #tpu.memory_space<vmem>>, vector<16xi32>,
          %get3A_321 = arith.constant 80 : index
          %get3A_322 = tpu.vector_load %arg10[%get3A_321] {strides = array<i32>} : memref<128xi32, #tpu.memory_space<vmem>>, vector<16xi32>,
          %swap3A_323 = arith.constant 16 : index
          %swap3A_324 = tpu.vector_load %arg14[%swap3A_323] {strides = array<i32>} : memref<64xi32, #tpu.memory_space<vmem>>, vector<16xi32>,
          tpu.vector_store %arg14[%swap3A_323], %get3A_322 {strides = array<i32>} : memref<64xi32, #tpu.memory_space<vmem>>, vector<16xi32>,
          %get3A_325 = arith.constant 96 : index
          %get3A_326 = tpu.vector_load %arg9[%get3A_325] {strides = array<i32>} : memref<128xi32, #tpu.memory_space<vmem>>, vector<16xi32>,
          %add3A_327 = arith.addi %get3A_326, %broadcast_in_dim3A_57 : vector<16xi32>
          %swap3A_328 = arith.constant 32 : index
          %swap3A_329 = tpu.vector_load %arg12[%swap3A_328] {strides = array<i32>} : memref<64xi32, #tpu.memory_space<vmem>>, vector<16xi32>,
          tpu.vector_store %arg12[%swap3A_328], %add3A_327 {strides = array<i32>} : memref<64xi32, #tpu.memory_space<vmem>>, vector<16xi32>,
          %get3A_330 = arith.constant 96 : index
          %get3A_331 = tpu.vector_load %arg10[%get3A_330] {strides = array<i32>} : memref<128xi32, #tpu.memory_space<vmem>>, vector<16xi32>,
          %swap3A_332 = arith.constant 32 : index
          %swap3A_333 = tpu.vector_load %arg14[%swap3A_332] {strides = array<i32>} : memref<64xi32, #tpu.memory_space<vmem>>, vector<16xi32>,
          tpu.vector_store %arg14[%swap3A_332], %get3A_331 {strides = array<i32>} : memref<64xi32, #tpu.memory_space<vmem>>, vector<16xi32>,
          %get3A_334 = arith.constant 112 : index
          %get3A_335 = tpu.vector_load %arg9[%get3A_334] {strides = array<i32>} : memref<128xi32, #tpu.memory_space<vmem>>, vector<16xi32>,
          %add3A_336 = arith.addi %get3A_335, %broadcast_in_dim3A_57 : vector<16xi32>
          %swap3A_337 = arith.constant 48 : index
          %swap3A_338 = tpu.vector_load %arg12[%swap3A_337] {strides = array<i32>} : memref<64xi32, #tpu.memory_space<vmem>>, vector<16xi32>,
          tpu.vector_store %arg12[%swap3A_337], %add3A_336 {strides = array<i32>} : memref<64xi32, #tpu.memory_space<vmem>>, vector<16xi32>,
          %get3A_339 = arith.constant 112 : index
          %get3A_340 = tpu.vector_load %arg10[%get3A_339] {strides = array<i32>} : memref<128xi32, #tpu.memory_space<vmem>>, vector<16xi32>,
          %swap3A_341 = arith.constant 48 : index
          %swap3A_342 = tpu.vector_load %arg14[%swap3A_341] {strides = array<i32>} : memref<64xi32, #tpu.memory_space<vmem>>, vector<16xi32>,
          tpu.vector_store %arg14[%swap3A_341], %get3A_340 {strides = array<i32>} : memref<64xi32, #tpu.memory_space<vmem>>, vector<16xi32>,
        } else {
        }
        %scan3A_306 = arith.constant 0 : i32
        scf.yield %scan3A_306 : i32
      }
      %scan3A_254 = arith.constant 80 : i32
      %barrier3A_255 = arith.constant 0 : index
      tpu.barrier barrier_id(%barrier3A_255)
      %scan3A_256 = arith.constant 0 : i32
      %scan3A_257 = arith.constant 0 : i32
      %scan3A_258 = arith.constant 20 : i32
      %scan3A_259 = arith.addi %scan3A_257, %scan3A_258 : i32
      %scan3A_260 = arith.constant 1 : i32
      %scan3A_261 = scf.for %scan3A_281 = %scan3A_257 to %scan3A_259 step %scan3A_260 iter_args(%scan3A_282 = %scan3A_256) -> (i32)  : i32 {
        %mul3A_283 = arith.constant 640 : i32
        %mul3A_284 = arith.muli %arg1, %mul3A_283 : i32
        %mul3A_285 = arith.constant 32 : i32
        %mul3A_286 = arith.muli %scan3A_281, %mul3A_285 : i32
        %add3A_287 = arith.addi %mul3A_284, %mul3A_286 : i32
        %mul3A_288 = arith.constant 10240 : i32
        %mul3A_289 = arith.muli %arg0, %mul3A_288 : i32
        %add3A_290 = arith.addi %mul3A_289, %add3A_287 : i32
        %gt3A = arith.constant 0 : i32
        %gt3A_291 = arith.cmpi sgt, %scan3A_281, %gt3A : i32
        %sub3A = arith.constant 32 : i32
        %sub3A_292 = arith.subi %add3A_287, %sub3A : i32
        %lt3A_293 = arith.constant 10000 : i32
        %lt3A_294 = arith.cmpi slt, %sub3A_292, %lt3A_293 : i32
        %and3A = arith.andi %gt3A_291, %lt3A_294 : i1
        %convert_element_type3A_295 = arith.extui %and3A : i1 to i32
        %cond3A_296 = arith.constant 0 : i32
        %cond3A_297 = arith.cmpi ne, %convert_element_type3A_295, %cond3A_296 : i32
        scf.if %cond3A_297 {
          %dma_wait3A_349 = arith.constant 0 : i32
          %dma_wait3A_350 = tpu.memref_slice %arg6[%add3A_290, %dma_wait3A_349] : memref<20480x128xf32, #tpu.memory_space<hbm>> -> memref<32x128xf32, #tpu.memory_space<hbm>>
          %dma_wait3A_351 = arith.constant 0 : i32
          %dma_wait3A_352 = tpu.memref_slice %arg6[%add3A_290, %dma_wait3A_351] : memref<20480x128xf32, #tpu.memory_space<hbm>> -> memref<32x128xf32, #tpu.memory_space<hbm>>
          tpu.wait_dma2 semaphore(%arg28 : memref<!tpu.dma_semaphore, #tpu.memory_space<semaphore_mem>>) src(%arg17 : memref<32x128xf32, #tpu.memory_space<vmem>>) dst(%dma_wait3A_352 : memref<32x128xf32, #tpu.memory_space<hbm>>)
        } else {
        }
        %dma_start3A_298 = arith.constant 0 : i32
        %dma_start3A_299 = tpu.memref_slice %arg7[%add3A_287, %dma_start3A_298] : memref<10240x128xf32, #tpu.memory_space<vmem_shared>> -> memref<32x128xf32, #tpu.memory_space<vmem_shared>>
        %dma_start3A_300 = arith.constant 0 : i32
        %dma_start3A_301 = tpu.memref_slice %arg7[%add3A_287, %dma_start3A_300] : memref<10240x128xf32, #tpu.memory_space<vmem_shared>> -> memref<32x128xf32, #tpu.memory_space<vmem_shared>>
        tpu.enqueue_dma source(%dma_start3A_301 : memref<32x128xf32, #tpu.memory_space<vmem_shared>>) target(%arg17 : memref<32x128xf32, #tpu.memory_space<vmem>>) target_semaphore(%arg25 : memref<!tpu.dma_semaphore, #tpu.memory_space<semaphore_mem>>)
        %dma_start3A_302 = arith.constant 0 : i32
        %dma_start3A_303 = tpu.memref_slice %arg6[%add3A_290, %dma_start3A_302] : memref<20480x128xf32, #tpu.memory_space<hbm>> -> memref<32x128xf32, #tpu.memory_space<hbm>>
        %dma_start3A_304 = arith.constant 0 : i32
        %dma_start3A_305 = tpu.memref_slice %arg6[%add3A_290, %dma_start3A_304] : memref<20480x128xf32, #tpu.memory_space<hbm>> -> memref<32x128xf32, #tpu.memory_space<hbm>>
        tpu.enqueue_dma source(%dma_start3A_305 : memref<32x128xf32, #tpu.memory_space<hbm>>) target(%arg18 : memref<32x128xf32, #tpu.memory_space<vmem>>) target_semaphore(%arg26 : memref<!tpu.dma_semaphore, #tpu.memory_space<semaphore_mem>>)
        %add3A_306 = arith.constant 32 : i32
        %add3A_307 = arith.addi %add3A_287, %add3A_306 : i32
        %le3A = arith.constant 10000 : i32
        %le3A_308 = arith.cmpi sle, %add3A_307, %le3A : i32
        %convert_element_type3A_309 = arith.extui %le3A_308 : i1 to i32
        %cond3A_310 = arith.constant 0 : i32
        %cond3A_311 = arith.cmpi ne, %convert_element_type3A_309, %cond3A_310 : i32
        scf.if %cond3A_311 {
          %dma_start3A_349 = tpu.memref_slice %arg2[%add3A_287, %mul3A_0] : memref<10000x256xf32, #tpu.memory_space<hbm>> -> memref<32x128xf32, #tpu.memory_space<hbm>>
          %dma_start3A_350 = tpu.memref_slice %arg2[%add3A_287, %mul3A_0] : memref<10000x256xf32, #tpu.memory_space<hbm>> -> memref<32x128xf32, #tpu.memory_space<hbm>>
          tpu.enqueue_dma source(%dma_start3A_350 : memref<32x128xf32, #tpu.memory_space<hbm>>) target(%arg19 : memref<32x128xf32, #tpu.memory_space<vmem>>) target_semaphore(%arg27 : memref<!tpu.dma_semaphore, #tpu.memory_space<semaphore_mem>>)
        } else {
        }
        %add3A_312 = arith.constant 32 : i32
        %add3A_313 = arith.addi %add3A_287, %add3A_312 : i32
        %eq3A = arith.constant 10016 : i32
        %eq3A_314 = arith.cmpi eq, %add3A_313, %eq3A : i32
        %convert_element_type3A_315 = arith.extui %eq3A_314 : i1 to i32
        %cond3A_316 = arith.constant 0 : i32
        %cond3A_317 = arith.cmpi ne, %convert_element_type3A_315, %cond3A_316 : i32
        scf.if %cond3A_317 {
          %dma_start3A_349 = arith.constant 0 : i32
          %dma_start3A_350 = arith.constant 0 : i32
          %dma_start3A_351 = tpu.memref_slice %arg19[%dma_start3A_349, %dma_start3A_350] : memref<32x128xf32, #tpu.memory_space<vmem>> -> memref<16x128xf32, #tpu.memory_space<vmem>>
          %dma_start3A_352 = tpu.memref_slice %arg2[%add3A_287, %mul3A_0] : memref<10000x256xf32, #tpu.memory_space<hbm>> -> memref<16x128xf32, #tpu.memory_space<hbm>>
          %dma_start3A_353 = arith.constant 0 : i32
          %dma_start3A_354 = arith.constant 0 : i32
          %dma_start3A_355 = tpu.memref_slice %arg19[%dma_start3A_353, %dma_start3A_354] : memref<32x128xf32, #tpu.memory_space<vmem>> -> memref<16x128xf32, #tpu.memory_space<vmem>>
          %dma_start3A_356 = tpu.memref_slice %arg2[%add3A_287, %mul3A_0] : memref<10000x256xf32, #tpu.memory_space<hbm>> -> memref<16x128xf32, #tpu.memory_space<hbm>>
          tpu.enqueue_dma source(%dma_start3A_356 : memref<16x128xf32, #tpu.memory_space<hbm>>) target(%dma_start3A_355 : memref<16x128xf32, #tpu.memory_space<vmem>>) target_semaphore(%arg27 : memref<!tpu.dma_semaphore, #tpu.memory_space<semaphore_mem>>)
        } else {
        }
        %dma_wait3A = arith.constant 0 : i32
        %dma_wait3A_318 = tpu.memref_slice %arg7[%add3A_287, %dma_wait3A] : memref<10240x128xf32, #tpu.memory_space<vmem_shared>> -> memref<32x128xf32, #tpu.memory_space<vmem_shared>>
        %dma_wait3A_319 = arith.constant 0 : i32
        %dma_wait3A_320 = tpu.memref_slice %arg7[%add3A_287, %dma_wait3A_319] : memref<10240x128xf32, #tpu.memory_space<vmem_shared>> -> memref<32x128xf32, #tpu.memory_space<vmem_shared>>
        tpu.wait_dma2 semaphore(%arg25 : memref<!tpu.dma_semaphore, #tpu.memory_space<semaphore_mem>>) src(%dma_wait3A_320 : memref<32x128xf32, #tpu.memory_space<vmem_shared>>) dst(%arg17 : memref<32x128xf32, #tpu.memory_space<vmem>>)
        %dma_wait3A_321 = arith.constant 0 : i32
        %dma_wait3A_322 = tpu.memref_slice %arg6[%add3A_290, %dma_wait3A_321] : memref<20480x128xf32, #tpu.memory_space<hbm>> -> memref<32x128xf32, #tpu.memory_space<hbm>>
        %dma_wait3A_323 = arith.constant 0 : i32
        %dma_wait3A_324 = tpu.memref_slice %arg6[%add3A_290, %dma_wait3A_323] : memref<20480x128xf32, #tpu.memory_space<hbm>> -> memref<32x128xf32, #tpu.memory_space<hbm>>
        tpu.wait_dma2 semaphore(%arg26 : memref<!tpu.dma_semaphore, #tpu.memory_space<semaphore_mem>>) src(%dma_wait3A_324 : memref<32x128xf32, #tpu.memory_space<hbm>>) dst(%arg18 : memref<32x128xf32, #tpu.memory_space<vmem>>)
        %add3A_325 = arith.constant 32 : i32
        %add3A_326 = arith.addi %add3A_287, %add3A_325 : i32
        %le3A_327 = arith.constant 10000 : i32
        %le3A_328 = arith.cmpi sle, %add3A_326, %le3A_327 : i32
        %convert_element_type3A_329 = arith.extui %le3A_328 : i1 to i32
        %cond3A_330 = arith.constant 0 : i32
        %cond3A_331 = arith.cmpi ne, %convert_element_type3A_329, %cond3A_330 : i32
        scf.if %cond3A_331 {
          %dma_wait3A_349 = tpu.memref_slice %arg2[%add3A_287, %mul3A_0] : memref<10000x256xf32, #tpu.memory_space<hbm>> -> memref<32x128xf32, #tpu.memory_space<hbm>>
          %dma_wait3A_350 = tpu.memref_slice %arg2[%add3A_287, %mul3A_0] : memref<10000x256xf32, #tpu.memory_space<hbm>> -> memref<32x128xf32, #tpu.memory_space<hbm>>
          tpu.wait_dma2 semaphore(%arg27 : memref<!tpu.dma_semaphore, #tpu.memory_space<semaphore_mem>>) src(%dma_wait3A_350 : memref<32x128xf32, #tpu.memory_space<hbm>>) dst(%arg19 : memref<32x128xf32, #tpu.memory_space<vmem>>)
        } else {
        }
        %add3A_332 = arith.constant 32 : i32
        %add3A_333 = arith.addi %add3A_287, %add3A_332 : i32
        %eq3A_334 = arith.constant 10016 : i32
        %eq3A_335 = arith.cmpi eq, %add3A_333, %eq3A_334 : i32
        %convert_element_type3A_336 = arith.extui %eq3A_335 : i1 to i32
        %cond3A_337 = arith.constant 0 : i32
        %cond3A_338 = arith.cmpi ne, %convert_element_type3A_336, %cond3A_337 : i32
        scf.if %cond3A_338 {
          %dma_wait3A_349 = arith.constant 0 : i32
          %dma_wait3A_350 = arith.constant 0 : i32
          %dma_wait3A_351 = tpu.memref_slice %arg19[%dma_wait3A_349, %dma_wait3A_350] : memref<32x128xf32, #tpu.memory_space<vmem>> -> memref<16x128xf32, #tpu.memory_space<vmem>>
          %dma_wait3A_352 = tpu.memref_slice %arg2[%add3A_287, %mul3A_0] : memref<10000x256xf32, #tpu.memory_space<hbm>> -> memref<16x128xf32, #tpu.memory_space<hbm>>
          %dma_wait3A_353 = arith.constant 0 : i32
          %dma_wait3A_354 = arith.constant 0 : i32
          %dma_wait3A_355 = tpu.memref_slice %arg19[%dma_wait3A_353, %dma_wait3A_354] : memref<32x128xf32, #tpu.memory_space<vmem>> -> memref<16x128xf32, #tpu.memory_space<vmem>>
          %dma_wait3A_356 = tpu.memref_slice %arg2[%add3A_287, %mul3A_0] : memref<10000x256xf32, #tpu.memory_space<hbm>> -> memref<16x128xf32, #tpu.memory_space<hbm>>
          tpu.wait_dma2 semaphore(%arg27 : memref<!tpu.dma_semaphore, #tpu.memory_space<semaphore_mem>>) src(%dma_wait3A_356 : memref<16x128xf32, #tpu.memory_space<hbm>>) dst(%dma_wait3A_355 : memref<16x128xf32, #tpu.memory_space<vmem>>)
        } else {
        }
        %lt3A_339 = arith.constant 10000 : i32
        %lt3A_340 = arith.cmpi slt, %add3A_287, %lt3A_339 : i32
        %convert_element_type3A_341 = arith.extui %lt3A_340 : i1 to i32
        %cond3A_342 = arith.constant 0 : i32
        %cond3A_343 = arith.cmpi ne, %convert_element_type3A_341, %cond3A_342 : i32
        scf.if %cond3A_343 {
          %scan3A_349 = arith.constant 0 : i32
          %scan3A_350 = arith.constant 0 : i32
          %scan3A_351 = arith.constant 32 : i32
          %scan3A_352 = arith.addi %scan3A_350, %scan3A_351 : i32
          %scan3A_353 = arith.constant 1 : i32
          %scan3A_354 = scf.for %scan3A_360 = %scan3A_350 to %scan3A_352 step %scan3A_353 iter_args(%scan3A_361 = %scan3A_349) -> (i32)  : i32 {
            %mul3A_362 = arith.constant 32 : i32
            %mul3A_363 = arith.muli %scan3A_281, %mul3A_362 : i32
            %add3A_364 = arith.addi %mul3A_363, %scan3A_360 : i32
            %broadcast_in_dim3A_365 = vector.broadcast %add3A_364 : i32 to vector<16xi32>
            %gather3A = tpu.vector_load_idx %arg24[%broadcast_in_dim3A_365] : memref<640xf32, #tpu.memory_space<vmem>>[vector<16xi32>], vector<16xf32>,
            %mul3A_366 = vector.broadcast %scan3A_58 : f32 to vector<16xf32>
            %mul3A_367 = arith.mulf %mul3A_366, %gather3A : vector<16xf32>
            %mul3A_368 = arith.mulf %mul3A_367, %gather3A : vector<16xf32>
            %mul3A_369 = vector.broadcast %scan3A_58 : f32 to vector<16xf32>
            %mul3A_370 = arith.mulf %mul3A_369, %gather3A : vector<16xf32>
            %get3A_371 = arith.index_cast %scan3A_360 : i32 to index
            %get3A_372 = arith.constant 0 : index
            %get3A_373 = tpu.vector_load %arg17[%get3A_371, %get3A_372] {strides = array<i32>} : memref<32x128xf32, #tpu.memory_space<vmem>>, vector<16xf32>,
            %get3A_374 = arith.index_cast %scan3A_360 : i32 to index
            %get3A_375 = arith.constant 0 : index
            %get3A_376 = tpu.vector_load %arg18[%get3A_374, %get3A_375] {strides = array<i32>} : memref<32x128xf32, #tpu.memory_space<vmem>>, vector<16xf32>,
            %add3A_377 = arith.addf %get3A_373, %get3A_376 : vector<16xf32>
            %mul3A_378 = arith.mulf %mul3A_368, %add3A_377 : vector<16xf32>
            %get3A_379 = arith.index_cast %scan3A_360 : i32 to index
            %get3A_380 = arith.constant 0 : index
            %get3A_381 = tpu.vector_load %arg19[%get3A_379, %get3A_380] {strides = array<i32>} : memref<32x128xf32, #tpu.memory_space<vmem>>, vector<16xf32>,
            %mul3A_382 = arith.mulf %mul3A_370, %get3A_381 : vector<16xf32>
            %add3A_383 = arith.addf %mul3A_378, %mul3A_382 : vector<16xf32>
            %swap3A_384 = arith.index_cast %scan3A_360 : i32 to index
            %swap3A_385 = arith.constant 0 : index
            %swap3A_386 = tpu.vector_load %arg17[%swap3A_384, %swap3A_385] {strides = array<i32>} : memref<32x128xf32, #tpu.memory_space<vmem>>, vector<16xf32>,
            tpu.vector_store %arg17[%swap3A_384, %swap3A_385], %add3A_383 {strides = array<i32>} : memref<32x128xf32, #tpu.memory_space<vmem>>, vector<16xf32>,
            %get3A_387 = arith.index_cast %scan3A_360 : i32 to index
            %get3A_388 = arith.constant 16 : index
            %get3A_389 = tpu.vector_load %arg17[%get3A_387, %get3A_388] {strides = array<i32>} : memref<32x128xf32, #tpu.memory_space<vmem>>, vector<16xf32>,
            %get3A_390 = arith.index_cast %scan3A_360 : i32 to index
            %get3A_391 = arith.constant 16 : index
            %get3A_392 = tpu.vector_load %arg18[%get3A_390, %get3A_391] {strides = array<i32>} : memref<32x128xf32, #tpu.memory_space<vmem>>, vector<16xf32>,
            %add3A_393 = arith.addf %get3A_389, %get3A_392 : vector<16xf32>
            %mul3A_394 = arith.mulf %mul3A_368, %add3A_393 : vector<16xf32>
            %get3A_395 = arith.index_cast %scan3A_360 : i32 to index
            %get3A_396 = arith.constant 16 : index
            %get3A_397 = tpu.vector_load %arg19[%get3A_395, %get3A_396] {strides = array<i32>} : memref<32x128xf32, #tpu.memory_space<vmem>>, vector<16xf32>,
            %mul3A_398 = arith.mulf %mul3A_370, %get3A_397 : vector<16xf32>
            %add3A_399 = arith.addf %mul3A_394, %mul3A_398 : vector<16xf32>
            %swap3A_400 = arith.index_cast %scan3A_360 : i32 to index
            %swap3A_401 = arith.constant 16 : index
            %swap3A_402 = tpu.vector_load %arg17[%swap3A_400, %swap3A_401] {strides = array<i32>} : memref<32x128xf32, #tpu.memory_space<vmem>>, vector<16xf32>,
            tpu.vector_store %arg17[%swap3A_400, %swap3A_401], %add3A_399 {strides = array<i32>} : memref<32x128xf32, #tpu.memory_space<vmem>>, vector<16xf32>,
            %get3A_403 = arith.index_cast %scan3A_360 : i32 to index
            %get3A_404 = arith.constant 32 : index
            %get3A_405 = tpu.vector_load %arg17[%get3A_403, %get3A_404] {strides = array<i32>} : memref<32x128xf32, #tpu.memory_space<vmem>>, vector<16xf32>,
            %get3A_406 = arith.index_cast %scan3A_360 : i32 to index
            %get3A_407 = arith.constant 32 : index
            %get3A_408 = tpu.vector_load %arg18[%get3A_406, %get3A_407] {strides = array<i32>} : memref<32x128xf32, #tpu.memory_space<vmem>>, vector<16xf32>,
            %add3A_409 = arith.addf %get3A_405, %get3A_408 : vector<16xf32>
            %mul3A_410 = arith.mulf %mul3A_368, %add3A_409 : vector<16xf32>
            %get3A_411 = arith.index_cast %scan3A_360 : i32 to index
            %get3A_412 = arith.constant 32 : index
            %get3A_413 = tpu.vector_load %arg19[%get3A_411, %get3A_412] {strides = array<i32>} : memref<32x128xf32, #tpu.memory_space<vmem>>, vector<16xf32>,
            %mul3A_414 = arith.mulf %mul3A_370, %get3A_413 : vector<16xf32>
            %add3A_415 = arith.addf %mul3A_410, %mul3A_414 : vector<16xf32>
            %swap3A_416 = arith.index_cast %scan3A_360 : i32 to index
            %swap3A_417 = arith.constant 32 : index
            %swap3A_418 = tpu.vector_load %arg17[%swap3A_416, %swap3A_417] {strides = array<i32>} : memref<32x128xf32, #tpu.memory_space<vmem>>, vector<16xf32>,
            tpu.vector_store %arg17[%swap3A_416, %swap3A_417], %add3A_415 {strides = array<i32>} : memref<32x128xf32, #tpu.memory_space<vmem>>, vector<16xf32>,
            %get3A_419 = arith.index_cast %scan3A_360 : i32 to index
            %get3A_420 = arith.constant 48 : index
            %get3A_421 = tpu.vector_load %arg17[%get3A_419, %get3A_420] {strides = array<i32>} : memref<32x128xf32, #tpu.memory_space<vmem>>, vector<16xf32>,
            %get3A_422 = arith.index_cast %scan3A_360 : i32 to index
            %get3A_423 = arith.constant 48 : index
            %get3A_424 = tpu.vector_load %arg18[%get3A_422, %get3A_423] {strides = array<i32>} : memref<32x128xf32, #tpu.memory_space<vmem>>, vector<16xf32>,
            %add3A_425 = arith.addf %get3A_421, %get3A_424 : vector<16xf32>
            %mul3A_426 = arith.mulf %mul3A_368, %add3A_425 : vector<16xf32>
            %get3A_427 = arith.index_cast %scan3A_360 : i32 to index
            %get3A_428 = arith.constant 48 : index
            %get3A_429 = tpu.vector_load %arg19[%get3A_427, %get3A_428] {strides = array<i32>} : memref<32x128xf32, #tpu.memory_space<vmem>>, vector<16xf32>,
            %mul3A_430 = arith.mulf %mul3A_370, %get3A_429 : vector<16xf32>
            %add3A_431 = arith.addf %mul3A_426, %mul3A_430 : vector<16xf32>
            %swap3A_432 = arith.index_cast %scan3A_360 : i32 to index
            %swap3A_433 = arith.constant 48 : index
            %swap3A_434 = tpu.vector_load %arg17[%swap3A_432, %swap3A_433] {strides = array<i32>} : memref<32x128xf32, #tpu.memory_space<vmem>>, vector<16xf32>,
            tpu.vector_store %arg17[%swap3A_432, %swap3A_433], %add3A_431 {strides = array<i32>} : memref<32x128xf32, #tpu.memory_space<vmem>>, vector<16xf32>,
            %get3A_435 = arith.index_cast %scan3A_360 : i32 to index
            %get3A_436 = arith.constant 64 : index
            %get3A_437 = tpu.vector_load %arg17[%get3A_435, %get3A_436] {strides = array<i32>} : memref<32x128xf32, #tpu.memory_space<vmem>>, vector<16xf32>,
            %get3A_438 = arith.index_cast %scan3A_360 : i32 to index
            %get3A_439 = arith.constant 64 : index
            %get3A_440 = tpu.vector_load %arg18[%get3A_438, %get3A_439] {strides = array<i32>} : memref<32x128xf32, #tpu.memory_space<vmem>>, vector<16xf32>,
            %add3A_441 = arith.addf %get3A_437, %get3A_440 : vector<16xf32>
            %mul3A_442 = arith.mulf %mul3A_368, %add3A_441 : vector<16xf32>
            %get3A_443 = arith.index_cast %scan3A_360 : i32 to index
            %get3A_444 = arith.constant 64 : index
            %get3A_445 = tpu.vector_load %arg19[%get3A_443, %get3A_444] {strides = array<i32>} : memref<32x128xf32, #tpu.memory_space<vmem>>, vector<16xf32>,
            %mul3A_446 = arith.mulf %mul3A_370, %get3A_445 : vector<16xf32>
            %add3A_447 = arith.addf %mul3A_442, %mul3A_446 : vector<16xf32>
            %swap3A_448 = arith.index_cast %scan3A_360 : i32 to index
            %swap3A_449 = arith.constant 64 : index
            %swap3A_450 = tpu.vector_load %arg17[%swap3A_448, %swap3A_449] {strides = array<i32>} : memref<32x128xf32, #tpu.memory_space<vmem>>, vector<16xf32>,
            tpu.vector_store %arg17[%swap3A_448, %swap3A_449], %add3A_447 {strides = array<i32>} : memref<32x128xf32, #tpu.memory_space<vmem>>, vector<16xf32>,
            %get3A_451 = arith.index_cast %scan3A_360 : i32 to index
            %get3A_452 = arith.constant 80 : index
            %get3A_453 = tpu.vector_load %arg17[%get3A_451, %get3A_452] {strides = array<i32>} : memref<32x128xf32, #tpu.memory_space<vmem>>, vector<16xf32>,
            %get3A_454 = arith.index_cast %scan3A_360 : i32 to index
            %get3A_455 = arith.constant 80 : index
            %get3A_456 = tpu.vector_load %arg18[%get3A_454, %get3A_455] {strides = array<i32>} : memref<32x128xf32, #tpu.memory_space<vmem>>, vector<16xf32>,
            %add3A_457 = arith.addf %get3A_453, %get3A_456 : vector<16xf32>
            %mul3A_458 = arith.mulf %mul3A_368, %add3A_457 : vector<16xf32>
            %get3A_459 = arith.index_cast %scan3A_360 : i32 to index
            %get3A_460 = arith.constant 80 : index
            %get3A_461 = tpu.vector_load %arg19[%get3A_459, %get3A_460] {strides = array<i32>} : memref<32x128xf32, #tpu.memory_space<vmem>>, vector<16xf32>,
            %mul3A_462 = arith.mulf %mul3A_370, %get3A_461 : vector<16xf32>
            %add3A_463 = arith.addf %mul3A_458, %mul3A_462 : vector<16xf32>
            %swap3A_464 = arith.index_cast %scan3A_360 : i32 to index
            %swap3A_465 = arith.constant 80 : index
            %swap3A_466 = tpu.vector_load %arg17[%swap3A_464, %swap3A_465] {strides = array<i32>} : memref<32x128xf32, #tpu.memory_space<vmem>>, vector<16xf32>,
            tpu.vector_store %arg17[%swap3A_464, %swap3A_465], %add3A_463 {strides = array<i32>} : memref<32x128xf32, #tpu.memory_space<vmem>>, vector<16xf32>,
            %get3A_467 = arith.index_cast %scan3A_360 : i32 to index
            %get3A_468 = arith.constant 96 : index
            %get3A_469 = tpu.vector_load %arg17[%get3A_467, %get3A_468] {strides = array<i32>} : memref<32x128xf32, #tpu.memory_space<vmem>>, vector<16xf32>,
            %get3A_470 = arith.index_cast %scan3A_360 : i32 to index
            %get3A_471 = arith.constant 96 : index
            %get3A_472 = tpu.vector_load %arg18[%get3A_470, %get3A_471] {strides = array<i32>} : memref<32x128xf32, #tpu.memory_space<vmem>>, vector<16xf32>,
            %add3A_473 = arith.addf %get3A_469, %get3A_472 : vector<16xf32>
            %mul3A_474 = arith.mulf %mul3A_368, %add3A_473 : vector<16xf32>
            %get3A_475 = arith.index_cast %scan3A_360 : i32 to index
            %get3A_476 = arith.constant 96 : index
            %get3A_477 = tpu.vector_load %arg19[%get3A_475, %get3A_476] {strides = array<i32>} : memref<32x128xf32, #tpu.memory_space<vmem>>, vector<16xf32>,
            %mul3A_478 = arith.mulf %mul3A_370, %get3A_477 : vector<16xf32>
            %add3A_479 = arith.addf %mul3A_474, %mul3A_478 : vector<16xf32>
            %swap3A_480 = arith.index_cast %scan3A_360 : i32 to index
            %swap3A_481 = arith.constant 96 : index
            %swap3A_482 = tpu.vector_load %arg17[%swap3A_480, %swap3A_481] {strides = array<i32>} : memref<32x128xf32, #tpu.memory_space<vmem>>, vector<16xf32>,
            tpu.vector_store %arg17[%swap3A_480, %swap3A_481], %add3A_479 {strides = array<i32>} : memref<32x128xf32, #tpu.memory_space<vmem>>, vector<16xf32>,
            %get3A_483 = arith.index_cast %scan3A_360 : i32 to index
            %get3A_484 = arith.constant 112 : index
            %get3A_485 = tpu.vector_load %arg17[%get3A_483, %get3A_484] {strides = array<i32>} : memref<32x128xf32, #tpu.memory_space<vmem>>, vector<16xf32>,
            %get3A_486 = arith.index_cast %scan3A_360 : i32 to index
            %get3A_487 = arith.constant 112 : index
            %get3A_488 = tpu.vector_load %arg18[%get3A_486, %get3A_487] {strides = array<i32>} : memref<32x128xf32, #tpu.memory_space<vmem>>, vector<16xf32>,
            %add3A_489 = arith.addf %get3A_485, %get3A_488 : vector<16xf32>
            %mul3A_490 = arith.mulf %mul3A_368, %add3A_489 : vector<16xf32>
            %get3A_491 = arith.index_cast %scan3A_360 : i32 to index
            %get3A_492 = arith.constant 112 : index
            %get3A_493 = tpu.vector_load %arg19[%get3A_491, %get3A_492] {strides = array<i32>} : memref<32x128xf32, #tpu.memory_space<vmem>>, vector<16xf32>,
            %mul3A_494 = arith.mulf %mul3A_370, %get3A_493 : vector<16xf32>
            %add3A_495 = arith.addf %mul3A_490, %mul3A_494 : vector<16xf32>
            %swap3A_496 = arith.index_cast %scan3A_360 : i32 to index
            %swap3A_497 = arith.constant 112 : index
            %swap3A_498 = tpu.vector_load %arg17[%swap3A_496, %swap3A_497] {strides = array<i32>} : memref<32x128xf32, #tpu.memory_space<vmem>>, vector<16xf32>,
            tpu.vector_store %arg17[%swap3A_496, %swap3A_497], %add3A_495 {strides = array<i32>} : memref<32x128xf32, #tpu.memory_space<vmem>>, vector<16xf32>,
            %scan3A_499 = arith.constant 0 : i32
            scf.yield %scan3A_499 : i32
          }
          %scan3A_355 = arith.constant 32 : i32
          %dma_start3A_356 = arith.constant 0 : i32
          %dma_start3A_357 = tpu.memref_slice %arg6[%add3A_290, %dma_start3A_356] : memref<20480x128xf32, #tpu.memory_space<hbm>> -> memref<32x128xf32, #tpu.memory_space<hbm>>
          %dma_start3A_358 = arith.constant 0 : i32
          %dma_start3A_359 = tpu.memref_slice %arg6[%add3A_290, %dma_start3A_358] : memref<20480x128xf32, #tpu.memory_space<hbm>> -> memref<32x128xf32, #tpu.memory_space<hbm>>
          tpu.enqueue_dma source(%arg17 : memref<32x128xf32, #tpu.memory_space<vmem>>) target(%dma_start3A_359 : memref<32x128xf32, #tpu.memory_space<hbm>>) target_semaphore(%arg28 : memref<!tpu.dma_semaphore, #tpu.memory_space<semaphore_mem>>)
        } else {
        }
        %dma_start3A_344 = arith.constant 0 : i32
        %dma_start3A_345 = tpu.memref_slice %arg7[%add3A_287, %dma_start3A_344] : memref<10240x128xf32, #tpu.memory_space<vmem_shared>> -> memref<32x128xf32, #tpu.memory_space<vmem_shared>>
        %dma_start3A_346 = arith.constant 0 : i32
        %dma_start3A_347 = tpu.memref_slice %arg7[%add3A_287, %dma_start3A_346] : memref<10240x128xf32, #tpu.memory_space<vmem_shared>> -> memref<32x128xf32, #tpu.memory_space<vmem_shared>>
        tpu.enqueue_dma source(%arg20 : memref<32x128xf32, #tpu.memory_space<vmem>>) target(%dma_start3A_347 : memref<32x128xf32, #tpu.memory_space<vmem_shared>>) target_semaphore(%arg29 : memref<!tpu.dma_semaphore, #tpu.memory_space<semaphore_mem>>)
        %scan3A_348 = arith.constant 0 : i32
        scf.yield %scan3A_348 : i32
      }
      %scan3A_262 = arith.constant 20 : i32
      %mul3A_263 = arith.constant 640 : i32
      %mul3A_264 = arith.muli %arg1, %mul3A_263 : i32
      %add3A_265 = arith.constant 608 : i32
      %add3A_266 = arith.addi %mul3A_264, %add3A_265 : i32
      %lt3A_267 = arith.constant 10000 : i32
      %lt3A_268 = arith.cmpi slt, %add3A_266, %lt3A_267 : i32
      %convert_element_type3A_269 = arith.extui %lt3A_268 : i1 to i32
      %cond3A_270 = arith.constant 0 : i32
      %cond3A_271 = arith.cmpi ne, %convert_element_type3A_269, %cond3A_270 : i32
      scf.if %cond3A_271 {
        %dma_wait3A = arith.constant 0 : i32
        %dma_wait3A_281 = arith.constant 0 : i32
        %dma_wait3A_282 = tpu.memref_slice %arg6[%dma_wait3A, %dma_wait3A_281] : memref<20480x128xf32, #tpu.memory_space<hbm>> -> memref<32x128xf32, #tpu.memory_space<hbm>>
        %dma_wait3A_283 = arith.constant 0 : i32
        %dma_wait3A_284 = arith.constant 0 : i32
        %dma_wait3A_285 = tpu.memref_slice %arg6[%dma_wait3A_283, %dma_wait3A_284] : memref<20480x128xf32, #tpu.memory_space<hbm>> -> memref<32x128xf32, #tpu.memory_space<hbm>>
        tpu.wait_dma2 semaphore(%arg28 : memref<!tpu.dma_semaphore, #tpu.memory_space<semaphore_mem>>) src(%arg17 : memref<32x128xf32, #tpu.memory_space<vmem>>) dst(%dma_wait3A_285 : memref<32x128xf32, #tpu.memory_space<hbm>>)
      } else {
      }
      %scan3A_272 = arith.constant 0 : i32
      %scan3A_273 = arith.constant 0 : i32
      %scan3A_274 = arith.constant 20 : i32
      %scan3A_275 = arith.addi %scan3A_273, %scan3A_274 : i32
      %scan3A_276 = arith.constant 1 : i32
      %scan3A_277 = scf.for %scan3A_281 = %scan3A_273 to %scan3A_275 step %scan3A_276 iter_args(%scan3A_282 = %scan3A_272) -> (i32)  : i32 {
        %dma_wait3A = arith.constant 0 : i32
        %dma_wait3A_283 = arith.constant 0 : i32
        %dma_wait3A_284 = tpu.memref_slice %arg7[%dma_wait3A, %dma_wait3A_283] : memref<10240x128xf32, #tpu.memory_space<vmem_shared>> -> memref<32x128xf32, #tpu.memory_space<vmem_shared>>
        %dma_wait3A_285 = arith.constant 0 : i32
        %dma_wait3A_286 = arith.constant 0 : i32
        %dma_wait3A_287 = tpu.memref_slice %arg7[%dma_wait3A_285, %dma_wait3A_286] : memref<10240x128xf32, #tpu.memory_space<vmem_shared>> -> memref<32x128xf32, #tpu.memory_space<vmem_shared>>
        tpu.wait_dma2 semaphore(%arg29 : memref<!tpu.dma_semaphore, #tpu.memory_space<semaphore_mem>>) src(%arg20 : memref<32x128xf32, #tpu.memory_space<vmem>>) dst(%dma_wait3A_287 : memref<32x128xf32, #tpu.memory_space<vmem_shared>>)
        %scan3A_288 = arith.constant 0 : i32
        scf.yield %scan3A_288 : i32
      }
      %scan3A_278 = arith.constant 20 : i32
      %barrier3A_279 = arith.constant 0 : index
      tpu.barrier barrier_id(%barrier3A_279)
      %scan3A_280 = arith.constant 0 : i32
      scf.yield %scan3A_280 : i32
    }
    %scan3A_65 = arith.constant 2 : i32
    %mul3A_66 = arith.constant 10240 : i32
    %mul3A_67 = arith.muli %arg1, %mul3A_66 : i32
    %add3A_68 = arith.constant 0 : i32
    %add3A_69 = arith.addi %mul3A_67, %add3A_68 : i32
    "tpu.region"() ({
      %run_scoped3A = tpu.sem_alloc : memref<!tpu.dma_semaphore, #tpu.memory_space<semaphore_mem>>
      %dma_start3A_167 = tpu.memref_slice %arg3[%add3A_69] : memref<163840xi32, #tpu.memory_space<hbm>> -> memref<128xi32, #tpu.memory_space<hbm>>
      %dma_start3A_168 = tpu.memref_slice %arg3[%add3A_69] : memref<163840xi32, #tpu.memory_space<hbm>> -> memref<128xi32, #tpu.memory_space<hbm>>
      tpu.enqueue_dma source(%dma_start3A_168 : memref<128xi32, #tpu.memory_space<hbm>>) target(%arg9 : memref<128xi32, #tpu.memory_space<vmem>>) target_semaphore(%run_scoped3A : memref<!tpu.dma_semaphore, #tpu.memory_space<semaphore_mem>>)
      %dma_wait3A = tpu.memref_slice %arg3[%add3A_69] : memref<163840xi32, #tpu.memory_space<hbm>> -> memref<128xi32, #tpu.memory_space<hbm>>
      %dma_wait3A_169 = tpu.memref_slice %arg3[%add3A_69] : memref<163840xi32, #tpu.memory_space<hbm>> -> memref<128xi32, #tpu.memory_space<hbm>>
      tpu.wait_dma2 semaphore(%run_scoped3A : memref<!tpu.dma_semaphore, #tpu.memory_space<semaphore_mem>>) src(%dma_wait3A_169 : memref<128xi32, #tpu.memory_space<hbm>>) dst(%arg9 : memref<128xi32, #tpu.memory_space<vmem>>)
      tpu.yield
    }) : () -> ()
    "tpu.region"() ({
      %run_scoped3A = tpu.sem_alloc : memref<!tpu.dma_semaphore, #tpu.memory_space<semaphore_mem>>
      %dma_start3A_167 = tpu.memref_slice %arg4[%add3A_69] : memref<163840xi32, #tpu.memory_space<hbm>> -> memref<128xi32, #tpu.memory_space<hbm>>
      %dma_start3A_168 = tpu.memref_slice %arg4[%add3A_69] : memref<163840xi32, #tpu.memory_space<hbm>> -> memref<128xi32, #tpu.memory_space<hbm>>
      tpu.enqueue_dma source(%dma_start3A_168 : memref<128xi32, #tpu.memory_space<hbm>>) target(%arg10 : memref<128xi32, #tpu.memory_space<vmem>>) target_semaphore(%run_scoped3A : memref<!tpu.dma_semaphore, #tpu.memory_space<semaphore_mem>>)
      %dma_wait3A = tpu.memref_slice %arg4[%add3A_69] : memref<163840xi32, #tpu.memory_space<hbm>> -> memref<128xi32, #tpu.memory_space<hbm>>
      %dma_wait3A_169 = tpu.memref_slice %arg4[%add3A_69] : memref<163840xi32, #tpu.memory_space<hbm>> -> memref<128xi32, #tpu.memory_space<hbm>>
      tpu.wait_dma2 semaphore(%run_scoped3A : memref<!tpu.dma_semaphore, #tpu.memory_space<semaphore_mem>>) src(%dma_wait3A_169 : memref<128xi32, #tpu.memory_space<hbm>>) dst(%arg10 : memref<128xi32, #tpu.memory_space<vmem>>)
      tpu.yield
    }) : () -> ()
    %get3A = arith.constant 0 : index
    %get3A_70 = tpu.vector_load %arg9[%get3A] {strides = array<i32>} : memref<128xi32, #tpu.memory_space<vmem>>, vector<16xi32>,
    %add3A_71 = arith.addi %get3A_70, %broadcast_in_dim3A_57 : vector<16xi32>
    %swap3A = arith.constant 0 : index
    %swap3A_72 = tpu.vector_load %arg11[%swap3A] {strides = array<i32>} : memref<64xi32, #tpu.memory_space<vmem>>, vector<16xi32>,
    tpu.vector_store %arg11[%swap3A], %add3A_71 {strides = array<i32>} : memref<64xi32, #tpu.memory_space<vmem>>, vector<16xi32>,
    %get3A_73 = arith.constant 0 : index
    %get3A_74 = tpu.vector_load %arg10[%get3A_73] {strides = array<i32>} : memref<128xi32, #tpu.memory_space<vmem>>, vector<16xi32>,
    %swap3A_75 = arith.constant 0 : index
    %swap3A_76 = tpu.vector_load %arg13[%swap3A_75] {strides = array<i32>} : memref<64xi32, #tpu.memory_space<vmem>>, vector<16xi32>,
    tpu.vector_store %arg13[%swap3A_75], %get3A_74 {strides = array<i32>} : memref<64xi32, #tpu.memory_space<vmem>>, vector<16xi32>,
    %get3A_77 = arith.constant 16 : index
    %get3A_78 = tpu.vector_load %arg9[%get3A_77] {strides = array<i32>} : memref<128xi32, #tpu.memory_space<vmem>>, vector<16xi32>,
    %add3A_79 = arith.addi %get3A_78, %broadcast_in_dim3A_57 : vector<16xi32>
    %swap3A_80 = arith.constant 16 : index
    %swap3A_81 = tpu.vector_load %arg11[%swap3A_80] {strides = array<i32>} : memref<64xi32, #tpu.memory_space<vmem>>, vector<16xi32>,
    tpu.vector_store %arg11[%swap3A_80], %add3A_79 {strides = array<i32>} : memref<64xi32, #tpu.memory_space<vmem>>, vector<16xi32>,
    %get3A_82 = arith.constant 16 : index
    %get3A_83 = tpu.vector_load %arg10[%get3A_82] {strides = array<i32>} : memref<128xi32, #tpu.memory_space<vmem>>, vector<16xi32>,
    %swap3A_84 = arith.constant 16 : index
    %swap3A_85 = tpu.vector_load %arg13[%swap3A_84] {strides = array<i32>} : memref<64xi32, #tpu.memory_space<vmem>>, vector<16xi32>,
    tpu.vector_store %arg13[%swap3A_84], %get3A_83 {strides = array<i32>} : memref<64xi32, #tpu.memory_space<vmem>>, vector<16xi32>,
    %get3A_86 = arith.constant 32 : index
    %get3A_87 = tpu.vector_load %arg9[%get3A_86] {strides = array<i32>} : memref<128xi32, #tpu.memory_space<vmem>>, vector<16xi32>,
    %add3A_88 = arith.addi %get3A_87, %broadcast_in_dim3A_57 : vector<16xi32>
    %swap3A_89 = arith.constant 32 : index
    %swap3A_90 = tpu.vector_load %arg11[%swap3A_89] {strides = array<i32>} : memref<64xi32, #tpu.memory_space<vmem>>, vector<16xi32>,
    tpu.vector_store %arg11[%swap3A_89], %add3A_88 {strides = array<i32>} : memref<64xi32, #tpu.memory_space<vmem>>, vector<16xi32>,
    %get3A_91 = arith.constant 32 : index
    %get3A_92 = tpu.vector_load %arg10[%get3A_91] {strides = array<i32>} : memref<128xi32, #tpu.memory_space<vmem>>, vector<16xi32>,
    %swap3A_93 = arith.constant 32 : index
    %swap3A_94 = tpu.vector_load %arg13[%swap3A_93] {strides = array<i32>} : memref<64xi32, #tpu.memory_space<vmem>>, vector<16xi32>,
    tpu.vector_store %arg13[%swap3A_93], %get3A_92 {strides = array<i32>} : memref<64xi32, #tpu.memory_space<vmem>>, vector<16xi32>,
    %get3A_95 = arith.constant 48 : index
    %get3A_96 = tpu.vector_load %arg9[%get3A_95] {strides = array<i32>} : memref<128xi32, #tpu.memory_space<vmem>>, vector<16xi32>,
    %add3A_97 = arith.addi %get3A_96, %broadcast_in_dim3A_57 : vector<16xi32>
    %swap3A_98 = arith.constant 48 : index
    %swap3A_99 = tpu.vector_load %arg11[%swap3A_98] {strides = array<i32>} : memref<64xi32, #tpu.memory_space<vmem>>, vector<16xi32>,
    tpu.vector_store %arg11[%swap3A_98], %add3A_97 {strides = array<i32>} : memref<64xi32, #tpu.memory_space<vmem>>, vector<16xi32>,
    %get3A_100 = arith.constant 48 : index
    %get3A_101 = tpu.vector_load %arg10[%get3A_100] {strides = array<i32>} : memref<128xi32, #tpu.memory_space<vmem>>, vector<16xi32>,
    %swap3A_102 = arith.constant 48 : index
    %swap3A_103 = tpu.vector_load %arg13[%swap3A_102] {strides = array<i32>} : memref<64xi32, #tpu.memory_space<vmem>>, vector<16xi32>,
    tpu.vector_store %arg13[%swap3A_102], %get3A_101 {strides = array<i32>} : memref<64xi32, #tpu.memory_space<vmem>>, vector<16xi32>,
    %get3A_104 = arith.constant 64 : index
    %get3A_105 = tpu.vector_load %arg9[%get3A_104] {strides = array<i32>} : memref<128xi32, #tpu.memory_space<vmem>>, vector<16xi32>,
    %add3A_106 = arith.addi %get3A_105, %broadcast_in_dim3A_57 : vector<16xi32>
    %swap3A_107 = arith.constant 0 : index
    %swap3A_108 = tpu.vector_load %arg12[%swap3A_107] {strides = array<i32>} : memref<64xi32, #tpu.memory_space<vmem>>, vector<16xi32>,
    tpu.vector_store %arg12[%swap3A_107], %add3A_106 {strides = array<i32>} : memref<64xi32, #tpu.memory_space<vmem>>, vector<16xi32>,
    %get3A_109 = arith.constant 64 : index
    %get3A_110 = tpu.vector_load %arg10[%get3A_109] {strides = array<i32>} : memref<128xi32, #tpu.memory_space<vmem>>, vector<16xi32>,
    %swap3A_111 = arith.constant 0 : index
    %swap3A_112 = tpu.vector_load %arg14[%swap3A_111] {strides = array<i32>} : memref<64xi32, #tpu.memory_space<vmem>>, vector<16xi32>,
    tpu.vector_store %arg14[%swap3A_111], %get3A_110 {strides = array<i32>} : memref<64xi32, #tpu.memory_space<vmem>>, vector<16xi32>,
    %get3A_113 = arith.constant 80 : index
    %get3A_114 = tpu.vector_load %arg9[%get3A_113] {strides = array<i32>} : memref<128xi32, #tpu.memory_space<vmem>>, vector<16xi32>,
    %add3A_115 = arith.addi %get3A_114, %broadcast_in_dim3A_57 : vector<16xi32>
    %swap3A_116 = arith.constant 16 : index
    %swap3A_117 = tpu.vector_load %arg12[%swap3A_116] {strides = array<i32>} : memref<64xi32, #tpu.memory_space<vmem>>, vector<16xi32>,
    tpu.vector_store %arg12[%swap3A_116], %add3A_115 {strides = array<i32>} : memref<64xi32, #tpu.memory_space<vmem>>, vector<16xi32>,
    %get3A_118 = arith.constant 80 : index
    %get3A_119 = tpu.vector_load %arg10[%get3A_118] {strides = array<i32>} : memref<128xi32, #tpu.memory_space<vmem>>, vector<16xi32>,
    %swap3A_120 = arith.constant 16 : index
    %swap3A_121 = tpu.vector_load %arg14[%swap3A_120] {strides = array<i32>} : memref<64xi32, #tpu.memory_space<vmem>>, vector<16xi32>,
    tpu.vector_store %arg14[%swap3A_120], %get3A_119 {strides = array<i32>} : memref<64xi32, #tpu.memory_space<vmem>>, vector<16xi32>,
    %get3A_122 = arith.constant 96 : index
    %get3A_123 = tpu.vector_load %arg9[%get3A_122] {strides = array<i32>} : memref<128xi32, #tpu.memory_space<vmem>>, vector<16xi32>,
    %add3A_124 = arith.addi %get3A_123, %broadcast_in_dim3A_57 : vector<16xi32>
    %swap3A_125 = arith.constant 32 : index
    %swap3A_126 = tpu.vector_load %arg12[%swap3A_125] {strides = array<i32>} : memref<64xi32, #tpu.memory_space<vmem>>, vector<16xi32>,
    tpu.vector_store %arg12[%swap3A_125], %add3A_124 {strides = array<i32>} : memref<64xi32, #tpu.memory_space<vmem>>, vector<16xi32>,
    %get3A_127 = arith.constant 96 : index
    %get3A_128 = tpu.vector_load %arg10[%get3A_127] {strides = array<i32>} : memref<128xi32, #tpu.memory_space<vmem>>, vector<16xi32>,
    %swap3A_129 = arith.constant 32 : index
    %swap3A_130 = tpu.vector_load %arg14[%swap3A_129] {strides = array<i32>} : memref<64xi32, #tpu.memory_space<vmem>>, vector<16xi32>,
    tpu.vector_store %arg14[%swap3A_129], %get3A_128 {strides = array<i32>} : memref<64xi32, #tpu.memory_space<vmem>>, vector<16xi32>,
    %get3A_131 = arith.constant 112 : index
    %get3A_132 = tpu.vector_load %arg9[%get3A_131] {strides = array<i32>} : memref<128xi32, #tpu.memory_space<vmem>>, vector<16xi32>,
    %add3A_133 = arith.addi %get3A_132, %broadcast_in_dim3A_57 : vector<16xi32>
    %swap3A_134 = arith.constant 48 : index
    %swap3A_135 = tpu.vector_load %arg12[%swap3A_134] {strides = array<i32>} : memref<64xi32, #tpu.memory_space<vmem>>, vector<16xi32>,
    tpu.vector_store %arg12[%swap3A_134], %add3A_133 {strides = array<i32>} : memref<64xi32, #tpu.memory_space<vmem>>, vector<16xi32>,
    %get3A_136 = arith.constant 112 : index
    %get3A_137 = tpu.vector_load %arg10[%get3A_136] {strides = array<i32>} : memref<128xi32, #tpu.memory_space<vmem>>, vector<16xi32>,
    %swap3A_138 = arith.constant 48 : index
    %swap3A_139 = tpu.vector_load %arg14[%swap3A_138] {strides = array<i32>} : memref<64xi32, #tpu.memory_space<vmem>>, vector<16xi32>,
    tpu.vector_store %arg14[%swap3A_138], %get3A_137 {strides = array<i32>} : memref<64xi32, #tpu.memory_space<vmem>>, vector<16xi32>,
    %dma_start3A = arith.constant 0 : i32
    %dma_start3A_140 = arith.constant 0 : i32
    %dma_start3A_141 = tpu.memref_slice %arg6[%dma_start3A, %dma_start3A_140] : memref<20480x128xf32, #tpu.memory_space<hbm>> -> memref<20480x128xf32, #tpu.memory_space<hbm>>
    tpu.enqueue_indirect_dma source(%dma_start3A_141 : memref<20480x128xf32, #tpu.memory_space<hbm>>) target(%arg15 : memref<64x128xf32, #tpu.memory_space<vmem>>) offsets(%arg11 : memref<64xi32, #tpu.memory_space<vmem>>) semaphore(%arg25 : memref<!tpu.dma_semaphore, #tpu.memory_space<semaphore_mem>>)
    %scan3A_142 = arith.constant 0 : i32
    %scan3A_143 = arith.constant 0 : i32
    %scan3A_144 = arith.constant 80 : i32
    %scan3A_145 = arith.addi %scan3A_143, %scan3A_144 : i32
    %scan3A_146 = arith.constant 1 : i32
    %scan3A_147 = scf.for %scan3A_167 = %scan3A_143 to %scan3A_145 step %scan3A_146 iter_args(%scan3A_168 = %scan3A_142) -> (i32)  : i32 {
      %dma_start3A_169 = arith.constant 0 : i32
      %dma_start3A_170 = arith.constant 0 : i32
      %dma_start3A_171 = tpu.memref_slice %arg6[%dma_start3A_169, %dma_start3A_170] : memref<20480x128xf32, #tpu.memory_space<hbm>> -> memref<20480x128xf32, #tpu.memory_space<hbm>>
      tpu.enqueue_indirect_dma source(%dma_start3A_171 : memref<20480x128xf32, #tpu.memory_space<hbm>>) target(%arg16 : memref<64x128xf32, #tpu.memory_space<vmem>>) offsets(%arg12 : memref<64xi32, #tpu.memory_space<vmem>>) semaphore(%arg26 : memref<!tpu.dma_semaphore, #tpu.memory_space<semaphore_mem>>)
      %lt3A_172 = arith.constant 79 : i32
      %lt3A_173 = arith.cmpi slt, %scan3A_167, %lt3A_172 : i32
      %convert_element_type3A_174 = arith.extui %lt3A_173 : i1 to i32
      %cond3A_175 = arith.constant 0 : i32
      %cond3A_176 = arith.cmpi ne, %convert_element_type3A_174, %cond3A_175 : i32
      scf.if %cond3A_176 {
        %mul3A_193 = arith.constant 10240 : i32
        %mul3A_194 = arith.muli %arg1, %mul3A_193 : i32
        %add3A_195 = arith.constant 1 : i32
        %add3A_196 = arith.addi %scan3A_167, %add3A_195 : i32
        %mul3A_197 = arith.constant 128 : i32
        %mul3A_198 = arith.muli %add3A_196, %mul3A_197 : i32
        %add3A_199 = arith.addi %mul3A_194, %mul3A_198 : i32
        %dma_start3A_200 = tpu.memref_slice %arg3[%add3A_199] : memref<163840xi32, #tpu.memory_space<hbm>> -> memref<128xi32, #tpu.memory_space<hbm>>
        %dma_start3A_201 = tpu.memref_slice %arg3[%add3A_199] : memref<163840xi32, #tpu.memory_space<hbm>> -> memref<128xi32, #tpu.memory_space<hbm>>
        tpu.enqueue_dma source(%dma_start3A_201 : memref<128xi32, #tpu.memory_space<hbm>>) target(%arg9 : memref<128xi32, #tpu.memory_space<vmem>>) target_semaphore(%arg27 : memref<!tpu.dma_semaphore, #tpu.memory_space<semaphore_mem>>)
        %dma_start3A_202 = tpu.memref_slice %arg4[%add3A_199] : memref<163840xi32, #tpu.memory_space<hbm>> -> memref<128xi32, #tpu.memory_space<hbm>>
        %dma_start3A_203 = tpu.memref_slice %arg4[%add3A_199] : memref<163840xi32, #tpu.memory_space<hbm>> -> memref<128xi32, #tpu.memory_space<hbm>>
        tpu.enqueue_dma source(%dma_start3A_203 : memref<128xi32, #tpu.memory_space<hbm>>) target(%arg10 : memref<128xi32, #tpu.memory_space<vmem>>) target_semaphore(%arg27 : memref<!tpu.dma_semaphore, #tpu.memory_space<semaphore_mem>>)
      } else {
      }
      %dma_wait3A = arith.constant 0 : i32
      %dma_wait3A_177 = arith.constant 0 : i32
      %dma_wait3A_178 = tpu.memref_slice %arg6[%dma_wait3A, %dma_wait3A_177] : memref<20480x128xf32, #tpu.memory_space<hbm>> -> memref<20480x128xf32, #tpu.memory_space<hbm>>
      tpu.wait_indirect_dma semaphore(%arg25 : memref<!tpu.dma_semaphore, #tpu.memory_space<semaphore_mem>>) src(%dma_wait3A_178 : memref<20480x128xf32, #tpu.memory_space<hbm>>) dst(%arg15 : memref<64x128xf32, #tpu.memory_space<vmem>>)
      "tpu.region"() ({
        %run_scoped3A = tpu.sem_alloc : memref<!tpu.dma_semaphore, #tpu.memory_space<semaphore_mem>>
        %dma_start3A_193 = arith.constant 0 : i32
        %dma_start3A_194 = arith.constant 0 : i32
        %dma_start3A_195 = tpu.memref_slice %arg7[%dma_start3A_193, %dma_start3A_194] : memref<10240x128xf32, #tpu.memory_space<vmem_shared>> -> memref<10240x128xf32, #tpu.memory_space<vmem_shared>>
        tpu.enqueue_indirect_dma source(%arg15 : memref<64x128xf32, #tpu.memory_space<vmem>>) target(%dma_start3A_195 : memref<10240x128xf32, #tpu.memory_space<vmem_shared>>) offsets(%arg13 : memref<64xi32, #tpu.memory_space<vmem>>) semaphore(%run_scoped3A : memref<!tpu.dma_semaphore, #tpu.memory_space<semaphore_mem>>) {add = true}
        %dma_wait3A_196 = arith.constant 0 : i32
        %dma_wait3A_197 = arith.constant 0 : i32
        %dma_wait3A_198 = tpu.memref_slice %arg7[%dma_wait3A_196, %dma_wait3A_197] : memref<10240x128xf32, #tpu.memory_space<vmem_shared>> -> memref<10240x128xf32, #tpu.memory_space<vmem_shared>>
        tpu.wait_indirect_dma semaphore(%run_scoped3A : memref<!tpu.dma_semaphore, #tpu.memory_space<semaphore_mem>>) src(%arg15 : memref<64x128xf32, #tpu.memory_space<vmem>>) dst(%dma_wait3A_198 : memref<10240x128xf32, #tpu.memory_space<vmem_shared>>)
        tpu.yield
      }) : () -> ()
      %lt3A_179 = arith.constant 79 : i32
      %lt3A_180 = arith.cmpi slt, %scan3A_167, %lt3A_179 : i32
      %convert_element_type3A_181 = arith.extui %lt3A_180 : i1 to i32
      %cond3A_182 = arith.constant 0 : i32
      %cond3A_183 = arith.cmpi ne, %convert_element_type3A_181, %cond3A_182 : i32
      scf.if %cond3A_183 {
        %dma_wait3A_193 = arith.constant 0 : i32
        %dma_wait3A_194 = tpu.memref_slice %arg3[%dma_wait3A_193] : memref<163840xi32, #tpu.memory_space<hbm>> -> memref<128xi32, #tpu.memory_space<hbm>>
        %dma_wait3A_195 = arith.constant 0 : i32
        %dma_wait3A_196 = tpu.memref_slice %arg3[%dma_wait3A_195] : memref<163840xi32, #tpu.memory_space<hbm>> -> memref<128xi32, #tpu.memory_space<hbm>>
        tpu.wait_dma2 semaphore(%arg27 : memref<!tpu.dma_semaphore, #tpu.memory_space<semaphore_mem>>) src(%dma_wait3A_196 : memref<128xi32, #tpu.memory_space<hbm>>) dst(%arg9 : memref<128xi32, #tpu.memory_space<vmem>>)
        %dma_wait3A_197 = arith.constant 0 : i32
        %dma_wait3A_198 = tpu.memref_slice %arg4[%dma_wait3A_197] : memref<163840xi32, #tpu.memory_space<hbm>> -> memref<128xi32, #tpu.memory_space<hbm>>
        %dma_wait3A_199 = arith.constant 0 : i32
        %dma_wait3A_200 = tpu.memref_slice %arg4[%dma_wait3A_199] : memref<163840xi32, #tpu.memory_space<hbm>> -> memref<128xi32, #tpu.memory_space<hbm>>
        tpu.wait_dma2 semaphore(%arg27 : memref<!tpu.dma_semaphore, #tpu.memory_space<semaphore_mem>>) src(%dma_wait3A_200 : memref<128xi32, #tpu.memory_space<hbm>>) dst(%arg10 : memref<128xi32, #tpu.memory_space<vmem>>)
        %get3A_201 = arith.constant 0 : index
        %get3A_202 = tpu.vector_load %arg9[%get3A_201] {strides = array<i32>} : memref<128xi32, #tpu.memory_space<vmem>>, vector<16xi32>,
        %add3A_203 = arith.addi %get3A_202, %broadcast_in_dim3A_57 : vector<16xi32>
        %swap3A_204 = arith.constant 0 : index
        %swap3A_205 = tpu.vector_load %arg11[%swap3A_204] {strides = array<i32>} : memref<64xi32, #tpu.memory_space<vmem>>, vector<16xi32>,
        tpu.vector_store %arg11[%swap3A_204], %add3A_203 {strides = array<i32>} : memref<64xi32, #tpu.memory_space<vmem>>, vector<16xi32>,
        %get3A_206 = arith.constant 0 : index
        %get3A_207 = tpu.vector_load %arg10[%get3A_206] {strides = array<i32>} : memref<128xi32, #tpu.memory_space<vmem>>, vector<16xi32>,
        %swap3A_208 = arith.constant 0 : index
        %swap3A_209 = tpu.vector_load %arg13[%swap3A_208] {strides = array<i32>} : memref<64xi32, #tpu.memory_space<vmem>>, vector<16xi32>,
        tpu.vector_store %arg13[%swap3A_208], %get3A_207 {strides = array<i32>} : memref<64xi32, #tpu.memory_space<vmem>>, vector<16xi32>,
        %get3A_210 = arith.constant 16 : index
        %get3A_211 = tpu.vector_load %arg9[%get3A_210] {strides = array<i32>} : memref<128xi32, #tpu.memory_space<vmem>>, vector<16xi32>,
        %add3A_212 = arith.addi %get3A_211, %broadcast_in_dim3A_57 : vector<16xi32>
        %swap3A_213 = arith.constant 16 : index
        %swap3A_214 = tpu.vector_load %arg11[%swap3A_213] {strides = array<i32>} : memref<64xi32, #tpu.memory_space<vmem>>, vector<16xi32>,
        tpu.vector_store %arg11[%swap3A_213], %add3A_212 {strides = array<i32>} : memref<64xi32, #tpu.memory_space<vmem>>, vector<16xi32>,
        %get3A_215 = arith.constant 16 : index
        %get3A_216 = tpu.vector_load %arg10[%get3A_215] {strides = array<i32>} : memref<128xi32, #tpu.memory_space<vmem>>, vector<16xi32>,
        %swap3A_217 = arith.constant 16 : index
        %swap3A_218 = tpu.vector_load %arg13[%swap3A_217] {strides = array<i32>} : memref<64xi32, #tpu.memory_space<vmem>>, vector<16xi32>,
        tpu.vector_store %arg13[%swap3A_217], %get3A_216 {strides = array<i32>} : memref<64xi32, #tpu.memory_space<vmem>>, vector<16xi32>,
        %get3A_219 = arith.constant 32 : index
        %get3A_220 = tpu.vector_load %arg9[%get3A_219] {strides = array<i32>} : memref<128xi32, #tpu.memory_space<vmem>>, vector<16xi32>,
        %add3A_221 = arith.addi %get3A_220, %broadcast_in_dim3A_57 : vector<16xi32>
        %swap3A_222 = arith.constant 32 : index
        %swap3A_223 = tpu.vector_load %arg11[%swap3A_222] {strides = array<i32>} : memref<64xi32, #tpu.memory_space<vmem>>, vector<16xi32>,
        tpu.vector_store %arg11[%swap3A_222], %add3A_221 {strides = array<i32>} : memref<64xi32, #tpu.memory_space<vmem>>, vector<16xi32>,
        %get3A_224 = arith.constant 32 : index
        %get3A_225 = tpu.vector_load %arg10[%get3A_224] {strides = array<i32>} : memref<128xi32, #tpu.memory_space<vmem>>, vector<16xi32>,
        %swap3A_226 = arith.constant 32 : index
        %swap3A_227 = tpu.vector_load %arg13[%swap3A_226] {strides = array<i32>} : memref<64xi32, #tpu.memory_space<vmem>>, vector<16xi32>,
        tpu.vector_store %arg13[%swap3A_226], %get3A_225 {strides = array<i32>} : memref<64xi32, #tpu.memory_space<vmem>>, vector<16xi32>,
        %get3A_228 = arith.constant 48 : index
        %get3A_229 = tpu.vector_load %arg9[%get3A_228] {strides = array<i32>} : memref<128xi32, #tpu.memory_space<vmem>>, vector<16xi32>,
        %add3A_230 = arith.addi %get3A_229, %broadcast_in_dim3A_57 : vector<16xi32>
        %swap3A_231 = arith.constant 48 : index
        %swap3A_232 = tpu.vector_load %arg11[%swap3A_231] {strides = array<i32>} : memref<64xi32, #tpu.memory_space<vmem>>, vector<16xi32>,
        tpu.vector_store %arg11[%swap3A_231], %add3A_230 {strides = array<i32>} : memref<64xi32, #tpu.memory_space<vmem>>, vector<16xi32>,
        %get3A_233 = arith.constant 48 : index
        %get3A_234 = tpu.vector_load %arg10[%get3A_233] {strides = array<i32>} : memref<128xi32, #tpu.memory_space<vmem>>, vector<16xi32>,
        %swap3A_235 = arith.constant 48 : index
        %swap3A_236 = tpu.vector_load %arg13[%swap3A_235] {strides = array<i32>} : memref<64xi32, #tpu.memory_space<vmem>>, vector<16xi32>,
        tpu.vector_store %arg13[%swap3A_235], %get3A_234 {strides = array<i32>} : memref<64xi32, #tpu.memory_space<vmem>>, vector<16xi32>,
        %dma_start3A_237 = arith.constant 0 : i32
        %dma_start3A_238 = arith.constant 0 : i32
        %dma_start3A_239 = tpu.memref_slice %arg6[%dma_start3A_237, %dma_start3A_238] : memref<20480x128xf32, #tpu.memory_space<hbm>> -> memref<20480x128xf32, #tpu.memory_space<hbm>>
        tpu.enqueue_indirect_dma source(%dma_start3A_239 : memref<20480x128xf32, #tpu.memory_space<hbm>>) target(%arg15 : memref<64x128xf32, #tpu.memory_space<vmem>>) offsets(%arg11 : memref<64xi32, #tpu.memory_space<vmem>>) semaphore(%arg25 : memref<!tpu.dma_semaphore, #tpu.memory_space<semaphore_mem>>)
      } else {
      }
      %dma_wait3A_184 = arith.constant 0 : i32
      %dma_wait3A_185 = arith.constant 0 : i32
      %dma_wait3A_186 = tpu.memref_slice %arg6[%dma_wait3A_184, %dma_wait3A_185] : memref<20480x128xf32, #tpu.memory_space<hbm>> -> memref<20480x128xf32, #tpu.memory_space<hbm>>
      tpu.wait_indirect_dma semaphore(%arg26 : memref<!tpu.dma_semaphore, #tpu.memory_space<semaphore_mem>>) src(%dma_wait3A_186 : memref<20480x128xf32, #tpu.memory_space<hbm>>) dst(%arg16 : memref<64x128xf32, #tpu.memory_space<vmem>>)
      "tpu.region"() ({
        %run_scoped3A = tpu.sem_alloc : memref<!tpu.dma_semaphore, #tpu.memory_space<semaphore_mem>>
        %dma_start3A_193 = arith.constant 0 : i32
        %dma_start3A_194 = arith.constant 0 : i32
        %dma_start3A_195 = tpu.memref_slice %arg7[%dma_start3A_193, %dma_start3A_194] : memref<10240x128xf32, #tpu.memory_space<vmem_shared>> -> memref<10240x128xf32, #tpu.memory_space<vmem_shared>>
        tpu.enqueue_indirect_dma source(%arg16 : memref<64x128xf32, #tpu.memory_space<vmem>>) target(%dma_start3A_195 : memref<10240x128xf32, #tpu.memory_space<vmem_shared>>) offsets(%arg14 : memref<64xi32, #tpu.memory_space<vmem>>) semaphore(%run_scoped3A : memref<!tpu.dma_semaphore, #tpu.memory_space<semaphore_mem>>) {add = true}
        %dma_wait3A_196 = arith.constant 0 : i32
        %dma_wait3A_197 = arith.constant 0 : i32
        %dma_wait3A_198 = tpu.memref_slice %arg7[%dma_wait3A_196, %dma_wait3A_197] : memref<10240x128xf32, #tpu.memory_space<vmem_shared>> -> memref<10240x128xf32, #tpu.memory_space<vmem_shared>>
        tpu.wait_indirect_dma semaphore(%run_scoped3A : memref<!tpu.dma_semaphore, #tpu.memory_space<semaphore_mem>>) src(%arg16 : memref<64x128xf32, #tpu.memory_space<vmem>>) dst(%dma_wait3A_198 : memref<10240x128xf32, #tpu.memory_space<vmem_shared>>)
        tpu.yield
      }) : () -> ()
      %lt3A_187 = arith.constant 79 : i32
      %lt3A_188 = arith.cmpi slt, %scan3A_167, %lt3A_187 : i32
      %convert_element_type3A_189 = arith.extui %lt3A_188 : i1 to i32
      %cond3A_190 = arith.constant 0 : i32
      %cond3A_191 = arith.cmpi ne, %convert_element_type3A_189, %cond3A_190 : i32
      scf.if %cond3A_191 {
        %get3A_193 = arith.constant 64 : index
        %get3A_194 = tpu.vector_load %arg9[%get3A_193] {strides = array<i32>} : memref<128xi32, #tpu.memory_space<vmem>>, vector<16xi32>,
        %add3A_195 = arith.addi %get3A_194, %broadcast_in_dim3A_57 : vector<16xi32>
        %swap3A_196 = arith.constant 0 : index
        %swap3A_197 = tpu.vector_load %arg12[%swap3A_196] {strides = array<i32>} : memref<64xi32, #tpu.memory_space<vmem>>, vector<16xi32>,
        tpu.vector_store %arg12[%swap3A_196], %add3A_195 {strides = array<i32>} : memref<64xi32, #tpu.memory_space<vmem>>, vector<16xi32>,
        %get3A_198 = arith.constant 64 : index
        %get3A_199 = tpu.vector_load %arg10[%get3A_198] {strides = array<i32>} : memref<128xi32, #tpu.memory_space<vmem>>, vector<16xi32>,
        %swap3A_200 = arith.constant 0 : index
        %swap3A_201 = tpu.vector_load %arg14[%swap3A_200] {strides = array<i32>} : memref<64xi32, #tpu.memory_space<vmem>>, vector<16xi32>,
        tpu.vector_store %arg14[%swap3A_200], %get3A_199 {strides = array<i32>} : memref<64xi32, #tpu.memory_space<vmem>>, vector<16xi32>,
        %get3A_202 = arith.constant 80 : index
        %get3A_203 = tpu.vector_load %arg9[%get3A_202] {strides = array<i32>} : memref<128xi32, #tpu.memory_space<vmem>>, vector<16xi32>,
        %add3A_204 = arith.addi %get3A_203, %broadcast_in_dim3A_57 : vector<16xi32>
        %swap3A_205 = arith.constant 16 : index
        %swap3A_206 = tpu.vector_load %arg12[%swap3A_205] {strides = array<i32>} : memref<64xi32, #tpu.memory_space<vmem>>, vector<16xi32>,
        tpu.vector_store %arg12[%swap3A_205], %add3A_204 {strides = array<i32>} : memref<64xi32, #tpu.memory_space<vmem>>, vector<16xi32>,
        %get3A_207 = arith.constant 80 : index
        %get3A_208 = tpu.vector_load %arg10[%get3A_207] {strides = array<i32>} : memref<128xi32, #tpu.memory_space<vmem>>, vector<16xi32>,
        %swap3A_209 = arith.constant 16 : index
        %swap3A_210 = tpu.vector_load %arg14[%swap3A_209] {strides = array<i32>} : memref<64xi32, #tpu.memory_space<vmem>>, vector<16xi32>,
        tpu.vector_store %arg14[%swap3A_209], %get3A_208 {strides = array<i32>} : memref<64xi32, #tpu.memory_space<vmem>>, vector<16xi32>,
        %get3A_211 = arith.constant 96 : index
        %get3A_212 = tpu.vector_load %arg9[%get3A_211] {strides = array<i32>} : memref<128xi32, #tpu.memory_space<vmem>>, vector<16xi32>,
        %add3A_213 = arith.addi %get3A_212, %broadcast_in_dim3A_57 : vector<16xi32>
        %swap3A_214 = arith.constant 32 : index
        %swap3A_215 = tpu.vector_load %arg12[%swap3A_214] {strides = array<i32>} : memref<64xi32, #tpu.memory_space<vmem>>, vector<16xi32>,
        tpu.vector_store %arg12[%swap3A_214], %add3A_213 {strides = array<i32>} : memref<64xi32, #tpu.memory_space<vmem>>, vector<16xi32>,
        %get3A_216 = arith.constant 96 : index
        %get3A_217 = tpu.vector_load %arg10[%get3A_216] {strides = array<i32>} : memref<128xi32, #tpu.memory_space<vmem>>, vector<16xi32>,
        %swap3A_218 = arith.constant 32 : index
        %swap3A_219 = tpu.vector_load %arg14[%swap3A_218] {strides = array<i32>} : memref<64xi32, #tpu.memory_space<vmem>>, vector<16xi32>,
        tpu.vector_store %arg14[%swap3A_218], %get3A_217 {strides = array<i32>} : memref<64xi32, #tpu.memory_space<vmem>>, vector<16xi32>,
        %get3A_220 = arith.constant 112 : index
        %get3A_221 = tpu.vector_load %arg9[%get3A_220] {strides = array<i32>} : memref<128xi32, #tpu.memory_space<vmem>>, vector<16xi32>,
        %add3A_222 = arith.addi %get3A_221, %broadcast_in_dim3A_57 : vector<16xi32>
        %swap3A_223 = arith.constant 48 : index
        %swap3A_224 = tpu.vector_load %arg12[%swap3A_223] {strides = array<i32>} : memref<64xi32, #tpu.memory_space<vmem>>, vector<16xi32>,
        tpu.vector_store %arg12[%swap3A_223], %add3A_222 {strides = array<i32>} : memref<64xi32, #tpu.memory_space<vmem>>, vector<16xi32>,
        %get3A_225 = arith.constant 112 : index
        %get3A_226 = tpu.vector_load %arg10[%get3A_225] {strides = array<i32>} : memref<128xi32, #tpu.memory_space<vmem>>, vector<16xi32>,
        %swap3A_227 = arith.constant 48 : index
        %swap3A_228 = tpu.vector_load %arg14[%swap3A_227] {strides = array<i32>} : memref<64xi32, #tpu.memory_space<vmem>>, vector<16xi32>,
        tpu.vector_store %arg14[%swap3A_227], %get3A_226 {strides = array<i32>} : memref<64xi32, #tpu.memory_space<vmem>>, vector<16xi32>,
      } else {
      }
      %scan3A_192 = arith.constant 0 : i32
      scf.yield %scan3A_192 : i32
    }
    %scan3A_148 = arith.constant 80 : i32
    %barrier3A_149 = arith.constant 0 : index
    tpu.barrier barrier_id(%barrier3A_149)
    %scan3A_150 = arith.constant 5.000000e-01 : f32
    %scan3A_151 = arith.constant 0 : i32
    %scan3A_152 = arith.constant 0 : i32
    %scan3A_153 = arith.constant 20 : i32
    %scan3A_154 = arith.addi %scan3A_152, %scan3A_153 : i32
    %scan3A_155 = arith.constant 1 : i32
    %scan3A_156 = scf.for %scan3A_167 = %scan3A_152 to %scan3A_154 step %scan3A_155 iter_args(%scan3A_168 = %scan3A_151) -> (i32)  : i32 {
      %mul3A_169 = arith.constant 640 : i32
      %mul3A_170 = arith.muli %arg1, %mul3A_169 : i32
      %mul3A_171 = arith.constant 32 : i32
      %mul3A_172 = arith.muli %scan3A_167, %mul3A_171 : i32
      %add3A_173 = arith.addi %mul3A_170, %mul3A_172 : i32
      %mul3A_174 = arith.constant 10240 : i32
      %mul3A_175 = arith.muli %arg0, %mul3A_174 : i32
      %add3A_176 = arith.addi %mul3A_175, %add3A_173 : i32
      %gt3A = arith.constant 0 : i32
      %gt3A_177 = arith.cmpi sgt, %scan3A_167, %gt3A : i32
      %sub3A = arith.constant 32 : i32
      %sub3A_178 = arith.subi %add3A_173, %sub3A : i32
      %lt3A_179 = arith.constant 10000 : i32
      %lt3A_180 = arith.cmpi slt, %sub3A_178, %lt3A_179 : i32
      %and3A = arith.andi %gt3A_177, %lt3A_180 : i1
      %convert_element_type3A_181 = arith.extui %and3A : i1 to i32
      %cond3A_182 = arith.constant 0 : i32
      %cond3A_183 = arith.cmpi ne, %convert_element_type3A_181, %cond3A_182 : i32
      scf.if %cond3A_183 {
        %dma_wait3A_231 = arith.constant 0 : i32
        %dma_wait3A_232 = tpu.memref_slice %arg6[%add3A_176, %dma_wait3A_231] : memref<20480x128xf32, #tpu.memory_space<hbm>> -> memref<32x128xf32, #tpu.memory_space<hbm>>
        %dma_wait3A_233 = arith.constant 0 : i32
        %dma_wait3A_234 = tpu.memref_slice %arg6[%add3A_176, %dma_wait3A_233] : memref<20480x128xf32, #tpu.memory_space<hbm>> -> memref<32x128xf32, #tpu.memory_space<hbm>>
        tpu.wait_dma2 semaphore(%arg28 : memref<!tpu.dma_semaphore, #tpu.memory_space<semaphore_mem>>) src(%arg17 : memref<32x128xf32, #tpu.memory_space<vmem>>) dst(%dma_wait3A_234 : memref<32x128xf32, #tpu.memory_space<hbm>>)
      } else {
      }
      %dma_start3A_184 = arith.constant 0 : i32
      %dma_start3A_185 = tpu.memref_slice %arg7[%add3A_173, %dma_start3A_184] : memref<10240x128xf32, #tpu.memory_space<vmem_shared>> -> memref<32x128xf32, #tpu.memory_space<vmem_shared>>
      %dma_start3A_186 = arith.constant 0 : i32
      %dma_start3A_187 = tpu.memref_slice %arg7[%add3A_173, %dma_start3A_186] : memref<10240x128xf32, #tpu.memory_space<vmem_shared>> -> memref<32x128xf32, #tpu.memory_space<vmem_shared>>
      tpu.enqueue_dma source(%dma_start3A_187 : memref<32x128xf32, #tpu.memory_space<vmem_shared>>) target(%arg17 : memref<32x128xf32, #tpu.memory_space<vmem>>) target_semaphore(%arg25 : memref<!tpu.dma_semaphore, #tpu.memory_space<semaphore_mem>>)
      %dma_start3A_188 = arith.constant 0 : i32
      %dma_start3A_189 = tpu.memref_slice %arg6[%add3A_176, %dma_start3A_188] : memref<20480x128xf32, #tpu.memory_space<hbm>> -> memref<32x128xf32, #tpu.memory_space<hbm>>
      %dma_start3A_190 = arith.constant 0 : i32
      %dma_start3A_191 = tpu.memref_slice %arg6[%add3A_176, %dma_start3A_190] : memref<20480x128xf32, #tpu.memory_space<hbm>> -> memref<32x128xf32, #tpu.memory_space<hbm>>
      tpu.enqueue_dma source(%dma_start3A_191 : memref<32x128xf32, #tpu.memory_space<hbm>>) target(%arg18 : memref<32x128xf32, #tpu.memory_space<vmem>>) target_semaphore(%arg26 : memref<!tpu.dma_semaphore, #tpu.memory_space<semaphore_mem>>)
      %add3A_192 = arith.constant 32 : i32
      %add3A_193 = arith.addi %add3A_173, %add3A_192 : i32
      %le3A = arith.constant 10000 : i32
      %le3A_194 = arith.cmpi sle, %add3A_193, %le3A : i32
      %convert_element_type3A_195 = arith.extui %le3A_194 : i1 to i32
      %cond3A_196 = arith.constant 0 : i32
      %cond3A_197 = arith.cmpi ne, %convert_element_type3A_195, %cond3A_196 : i32
      scf.if %cond3A_197 {
        %dma_start3A_231 = tpu.memref_slice %arg2[%add3A_173, %mul3A_0] : memref<10000x256xf32, #tpu.memory_space<hbm>> -> memref<32x128xf32, #tpu.memory_space<hbm>>
        %dma_start3A_232 = tpu.memref_slice %arg2[%add3A_173, %mul3A_0] : memref<10000x256xf32, #tpu.memory_space<hbm>> -> memref<32x128xf32, #tpu.memory_space<hbm>>
        tpu.enqueue_dma source(%dma_start3A_232 : memref<32x128xf32, #tpu.memory_space<hbm>>) target(%arg19 : memref<32x128xf32, #tpu.memory_space<vmem>>) target_semaphore(%arg27 : memref<!tpu.dma_semaphore, #tpu.memory_space<semaphore_mem>>)
      } else {
      }
      %add3A_198 = arith.constant 32 : i32
      %add3A_199 = arith.addi %add3A_173, %add3A_198 : i32
      %eq3A = arith.constant 10016 : i32
      %eq3A_200 = arith.cmpi eq, %add3A_199, %eq3A : i32
      %convert_element_type3A_201 = arith.extui %eq3A_200 : i1 to i32
      %cond3A_202 = arith.constant 0 : i32
      %cond3A_203 = arith.cmpi ne, %convert_element_type3A_201, %cond3A_202 : i32
      scf.if %cond3A_203 {
        %dma_start3A_231 = arith.constant 0 : i32
        %dma_start3A_232 = arith.constant 0 : i32
        %dma_start3A_233 = tpu.memref_slice %arg19[%dma_start3A_231, %dma_start3A_232] : memref<32x128xf32, #tpu.memory_space<vmem>> -> memref<16x128xf32, #tpu.memory_space<vmem>>
        %dma_start3A_234 = tpu.memref_slice %arg2[%add3A_173, %mul3A_0] : memref<10000x256xf32, #tpu.memory_space<hbm>> -> memref<16x128xf32, #tpu.memory_space<hbm>>
        %dma_start3A_235 = arith.constant 0 : i32
        %dma_start3A_236 = arith.constant 0 : i32
        %dma_start3A_237 = tpu.memref_slice %arg19[%dma_start3A_235, %dma_start3A_236] : memref<32x128xf32, #tpu.memory_space<vmem>> -> memref<16x128xf32, #tpu.memory_space<vmem>>
        %dma_start3A_238 = tpu.memref_slice %arg2[%add3A_173, %mul3A_0] : memref<10000x256xf32, #tpu.memory_space<hbm>> -> memref<16x128xf32, #tpu.memory_space<hbm>>
        tpu.enqueue_dma source(%dma_start3A_238 : memref<16x128xf32, #tpu.memory_space<hbm>>) target(%dma_start3A_237 : memref<16x128xf32, #tpu.memory_space<vmem>>) target_semaphore(%arg27 : memref<!tpu.dma_semaphore, #tpu.memory_space<semaphore_mem>>)
      } else {
      }
      %dma_wait3A = arith.constant 0 : i32
      %dma_wait3A_204 = tpu.memref_slice %arg7[%add3A_173, %dma_wait3A] : memref<10240x128xf32, #tpu.memory_space<vmem_shared>> -> memref<32x128xf32, #tpu.memory_space<vmem_shared>>
      %dma_wait3A_205 = arith.constant 0 : i32
      %dma_wait3A_206 = tpu.memref_slice %arg7[%add3A_173, %dma_wait3A_205] : memref<10240x128xf32, #tpu.memory_space<vmem_shared>> -> memref<32x128xf32, #tpu.memory_space<vmem_shared>>
      tpu.wait_dma2 semaphore(%arg25 : memref<!tpu.dma_semaphore, #tpu.memory_space<semaphore_mem>>) src(%dma_wait3A_206 : memref<32x128xf32, #tpu.memory_space<vmem_shared>>) dst(%arg17 : memref<32x128xf32, #tpu.memory_space<vmem>>)
      %dma_wait3A_207 = arith.constant 0 : i32
      %dma_wait3A_208 = tpu.memref_slice %arg6[%add3A_176, %dma_wait3A_207] : memref<20480x128xf32, #tpu.memory_space<hbm>> -> memref<32x128xf32, #tpu.memory_space<hbm>>
      %dma_wait3A_209 = arith.constant 0 : i32
      %dma_wait3A_210 = tpu.memref_slice %arg6[%add3A_176, %dma_wait3A_209] : memref<20480x128xf32, #tpu.memory_space<hbm>> -> memref<32x128xf32, #tpu.memory_space<hbm>>
      tpu.wait_dma2 semaphore(%arg26 : memref<!tpu.dma_semaphore, #tpu.memory_space<semaphore_mem>>) src(%dma_wait3A_210 : memref<32x128xf32, #tpu.memory_space<hbm>>) dst(%arg18 : memref<32x128xf32, #tpu.memory_space<vmem>>)
      %add3A_211 = arith.constant 32 : i32
      %add3A_212 = arith.addi %add3A_173, %add3A_211 : i32
      %le3A_213 = arith.constant 10000 : i32
      %le3A_214 = arith.cmpi sle, %add3A_212, %le3A_213 : i32
      %convert_element_type3A_215 = arith.extui %le3A_214 : i1 to i32
      %cond3A_216 = arith.constant 0 : i32
      %cond3A_217 = arith.cmpi ne, %convert_element_type3A_215, %cond3A_216 : i32
      scf.if %cond3A_217 {
        %dma_wait3A_231 = tpu.memref_slice %arg2[%add3A_173, %mul3A_0] : memref<10000x256xf32, #tpu.memory_space<hbm>> -> memref<32x128xf32, #tpu.memory_space<hbm>>
        %dma_wait3A_232 = tpu.memref_slice %arg2[%add3A_173, %mul3A_0] : memref<10000x256xf32, #tpu.memory_space<hbm>> -> memref<32x128xf32, #tpu.memory_space<hbm>>
        tpu.wait_dma2 semaphore(%arg27 : memref<!tpu.dma_semaphore, #tpu.memory_space<semaphore_mem>>) src(%dma_wait3A_232 : memref<32x128xf32, #tpu.memory_space<hbm>>) dst(%arg19 : memref<32x128xf32, #tpu.memory_space<vmem>>)
      } else {
      }
      %add3A_218 = arith.constant 32 : i32
      %add3A_219 = arith.addi %add3A_173, %add3A_218 : i32
      %eq3A_220 = arith.constant 10016 : i32
      %eq3A_221 = arith.cmpi eq, %add3A_219, %eq3A_220 : i32
      %convert_element_type3A_222 = arith.extui %eq3A_221 : i1 to i32
      %cond3A_223 = arith.constant 0 : i32
      %cond3A_224 = arith.cmpi ne, %convert_element_type3A_222, %cond3A_223 : i32
      scf.if %cond3A_224 {
        %dma_wait3A_231 = arith.constant 0 : i32
        %dma_wait3A_232 = arith.constant 0 : i32
        %dma_wait3A_233 = tpu.memref_slice %arg19[%dma_wait3A_231, %dma_wait3A_232] : memref<32x128xf32, #tpu.memory_space<vmem>> -> memref<16x128xf32, #tpu.memory_space<vmem>>
        %dma_wait3A_234 = tpu.memref_slice %arg2[%add3A_173, %mul3A_0] : memref<10000x256xf32, #tpu.memory_space<hbm>> -> memref<16x128xf32, #tpu.memory_space<hbm>>
        %dma_wait3A_235 = arith.constant 0 : i32
        %dma_wait3A_236 = arith.constant 0 : i32
        %dma_wait3A_237 = tpu.memref_slice %arg19[%dma_wait3A_235, %dma_wait3A_236] : memref<32x128xf32, #tpu.memory_space<vmem>> -> memref<16x128xf32, #tpu.memory_space<vmem>>
        %dma_wait3A_238 = tpu.memref_slice %arg2[%add3A_173, %mul3A_0] : memref<10000x256xf32, #tpu.memory_space<hbm>> -> memref<16x128xf32, #tpu.memory_space<hbm>>
        tpu.wait_dma2 semaphore(%arg27 : memref<!tpu.dma_semaphore, #tpu.memory_space<semaphore_mem>>) src(%dma_wait3A_238 : memref<16x128xf32, #tpu.memory_space<hbm>>) dst(%dma_wait3A_237 : memref<16x128xf32, #tpu.memory_space<vmem>>)
      } else {
      }
      %lt3A_225 = arith.constant 10000 : i32
      %lt3A_226 = arith.cmpi slt, %add3A_173, %lt3A_225 : i32
      %convert_element_type3A_227 = arith.extui %lt3A_226 : i1 to i32
      %cond3A_228 = arith.constant 0 : i32
      %cond3A_229 = arith.cmpi ne, %convert_element_type3A_227, %cond3A_228 : i32
      scf.if %cond3A_229 {
        %scan3A_231 = arith.constant 0 : i32
        %scan3A_232 = arith.constant 0 : i32
        %scan3A_233 = arith.constant 32 : i32
        %scan3A_234 = arith.addi %scan3A_232, %scan3A_233 : i32
        %scan3A_235 = arith.constant 1 : i32
        %scan3A_236 = scf.for %scan3A_240 = %scan3A_232 to %scan3A_234 step %scan3A_235 iter_args(%scan3A_241 = %scan3A_231) -> (i32)  : i32 {
          %mul3A_242 = arith.constant 32 : i32
          %mul3A_243 = arith.muli %scan3A_167, %mul3A_242 : i32
          %add3A_244 = arith.addi %mul3A_243, %scan3A_240 : i32
          %broadcast_in_dim3A_245 = vector.broadcast %add3A_244 : i32 to vector<16xi32>
          %gather3A = tpu.vector_load_idx %arg24[%broadcast_in_dim3A_245] : memref<640xf32, #tpu.memory_space<vmem>>[vector<16xi32>], vector<16xf32>,
          %mul3A_246 = vector.broadcast %scan3A_150 : f32 to vector<16xf32>
          %mul3A_247 = arith.mulf %mul3A_246, %gather3A : vector<16xf32>
          %broadcast_in_dim3A_248 = vector.broadcast %scan3A_150 : f32 to vector<16xf32>
          %get3A_249 = arith.index_cast %scan3A_240 : i32 to index
          %get3A_250 = arith.constant 0 : index
          %get3A_251 = tpu.vector_load %arg17[%get3A_249, %get3A_250] {strides = array<i32>} : memref<32x128xf32, #tpu.memory_space<vmem>>, vector<16xf32>,
          %get3A_252 = arith.index_cast %scan3A_240 : i32 to index
          %get3A_253 = arith.constant 0 : index
          %get3A_254 = tpu.vector_load %arg18[%get3A_252, %get3A_253] {strides = array<i32>} : memref<32x128xf32, #tpu.memory_space<vmem>>, vector<16xf32>,
          %add3A_255 = arith.addf %get3A_251, %get3A_254 : vector<16xf32>
          %mul3A_256 = arith.mulf %mul3A_247, %add3A_255 : vector<16xf32>
          %get3A_257 = arith.index_cast %scan3A_240 : i32 to index
          %get3A_258 = arith.constant 0 : index
          %get3A_259 = tpu.vector_load %arg19[%get3A_257, %get3A_258] {strides = array<i32>} : memref<32x128xf32, #tpu.memory_space<vmem>>, vector<16xf32>,
          %mul3A_260 = arith.mulf %broadcast_in_dim3A_248, %get3A_259 : vector<16xf32>
          %add3A_261 = arith.addf %mul3A_256, %mul3A_260 : vector<16xf32>
          %max3A = arith.constant 0.000000e+00 : f32
          %max3A_262 = vector.broadcast %max3A : f32 to vector<16xf32>
          %max3A_263 = arith.maximumf %add3A_261, %max3A_262 : vector<16xf32>
          %swap3A_264 = arith.index_cast %scan3A_240 : i32 to index
          %swap3A_265 = arith.constant 0 : index
          %swap3A_266 = tpu.vector_load %arg17[%swap3A_264, %swap3A_265] {strides = array<i32>} : memref<32x128xf32, #tpu.memory_space<vmem>>, vector<16xf32>,
          tpu.vector_store %arg17[%swap3A_264, %swap3A_265], %max3A_263 {strides = array<i32>} : memref<32x128xf32, #tpu.memory_space<vmem>>, vector<16xf32>,
          %get3A_267 = arith.index_cast %scan3A_240 : i32 to index
          %get3A_268 = arith.constant 16 : index
          %get3A_269 = tpu.vector_load %arg17[%get3A_267, %get3A_268] {strides = array<i32>} : memref<32x128xf32, #tpu.memory_space<vmem>>, vector<16xf32>,
          %get3A_270 = arith.index_cast %scan3A_240 : i32 to index
          %get3A_271 = arith.constant 16 : index
          %get3A_272 = tpu.vector_load %arg18[%get3A_270, %get3A_271] {strides = array<i32>} : memref<32x128xf32, #tpu.memory_space<vmem>>, vector<16xf32>,
          %add3A_273 = arith.addf %get3A_269, %get3A_272 : vector<16xf32>
          %mul3A_274 = arith.mulf %mul3A_247, %add3A_273 : vector<16xf32>
          %get3A_275 = arith.index_cast %scan3A_240 : i32 to index
          %get3A_276 = arith.constant 16 : index
          %get3A_277 = tpu.vector_load %arg19[%get3A_275, %get3A_276] {strides = array<i32>} : memref<32x128xf32, #tpu.memory_space<vmem>>, vector<16xf32>,
          %mul3A_278 = arith.mulf %broadcast_in_dim3A_248, %get3A_277 : vector<16xf32>
          %add3A_279 = arith.addf %mul3A_274, %mul3A_278 : vector<16xf32>
          %max3A_280 = arith.constant 0.000000e+00 : f32
          %max3A_281 = vector.broadcast %max3A_280 : f32 to vector<16xf32>
          %max3A_282 = arith.maximumf %add3A_279, %max3A_281 : vector<16xf32>
          %swap3A_283 = arith.index_cast %scan3A_240 : i32 to index
          %swap3A_284 = arith.constant 16 : index
          %swap3A_285 = tpu.vector_load %arg17[%swap3A_283, %swap3A_284] {strides = array<i32>} : memref<32x128xf32, #tpu.memory_space<vmem>>, vector<16xf32>,
          tpu.vector_store %arg17[%swap3A_283, %swap3A_284], %max3A_282 {strides = array<i32>} : memref<32x128xf32, #tpu.memory_space<vmem>>, vector<16xf32>,
          %get3A_286 = arith.index_cast %scan3A_240 : i32 to index
          %get3A_287 = arith.constant 32 : index
          %get3A_288 = tpu.vector_load %arg17[%get3A_286, %get3A_287] {strides = array<i32>} : memref<32x128xf32, #tpu.memory_space<vmem>>, vector<16xf32>,
          %get3A_289 = arith.index_cast %scan3A_240 : i32 to index
          %get3A_290 = arith.constant 32 : index
          %get3A_291 = tpu.vector_load %arg18[%get3A_289, %get3A_290] {strides = array<i32>} : memref<32x128xf32, #tpu.memory_space<vmem>>, vector<16xf32>,
          %add3A_292 = arith.addf %get3A_288, %get3A_291 : vector<16xf32>
          %mul3A_293 = arith.mulf %mul3A_247, %add3A_292 : vector<16xf32>
          %get3A_294 = arith.index_cast %scan3A_240 : i32 to index
          %get3A_295 = arith.constant 32 : index
          %get3A_296 = tpu.vector_load %arg19[%get3A_294, %get3A_295] {strides = array<i32>} : memref<32x128xf32, #tpu.memory_space<vmem>>, vector<16xf32>,
          %mul3A_297 = arith.mulf %broadcast_in_dim3A_248, %get3A_296 : vector<16xf32>
          %add3A_298 = arith.addf %mul3A_293, %mul3A_297 : vector<16xf32>
          %max3A_299 = arith.constant 0.000000e+00 : f32
          %max3A_300 = vector.broadcast %max3A_299 : f32 to vector<16xf32>
          %max3A_301 = arith.maximumf %add3A_298, %max3A_300 : vector<16xf32>
          %swap3A_302 = arith.index_cast %scan3A_240 : i32 to index
          %swap3A_303 = arith.constant 32 : index
          %swap3A_304 = tpu.vector_load %arg17[%swap3A_302, %swap3A_303] {strides = array<i32>} : memref<32x128xf32, #tpu.memory_space<vmem>>, vector<16xf32>,
          tpu.vector_store %arg17[%swap3A_302, %swap3A_303], %max3A_301 {strides = array<i32>} : memref<32x128xf32, #tpu.memory_space<vmem>>, vector<16xf32>,
          %get3A_305 = arith.index_cast %scan3A_240 : i32 to index
          %get3A_306 = arith.constant 48 : index
          %get3A_307 = tpu.vector_load %arg17[%get3A_305, %get3A_306] {strides = array<i32>} : memref<32x128xf32, #tpu.memory_space<vmem>>, vector<16xf32>,
          %get3A_308 = arith.index_cast %scan3A_240 : i32 to index
          %get3A_309 = arith.constant 48 : index
          %get3A_310 = tpu.vector_load %arg18[%get3A_308, %get3A_309] {strides = array<i32>} : memref<32x128xf32, #tpu.memory_space<vmem>>, vector<16xf32>,
          %add3A_311 = arith.addf %get3A_307, %get3A_310 : vector<16xf32>
          %mul3A_312 = arith.mulf %mul3A_247, %add3A_311 : vector<16xf32>
          %get3A_313 = arith.index_cast %scan3A_240 : i32 to index
          %get3A_314 = arith.constant 48 : index
          %get3A_315 = tpu.vector_load %arg19[%get3A_313, %get3A_314] {strides = array<i32>} : memref<32x128xf32, #tpu.memory_space<vmem>>, vector<16xf32>,
          %mul3A_316 = arith.mulf %broadcast_in_dim3A_248, %get3A_315 : vector<16xf32>
          %add3A_317 = arith.addf %mul3A_312, %mul3A_316 : vector<16xf32>
          %max3A_318 = arith.constant 0.000000e+00 : f32
          %max3A_319 = vector.broadcast %max3A_318 : f32 to vector<16xf32>
          %max3A_320 = arith.maximumf %add3A_317, %max3A_319 : vector<16xf32>
          %swap3A_321 = arith.index_cast %scan3A_240 : i32 to index
          %swap3A_322 = arith.constant 48 : index
          %swap3A_323 = tpu.vector_load %arg17[%swap3A_321, %swap3A_322] {strides = array<i32>} : memref<32x128xf32, #tpu.memory_space<vmem>>, vector<16xf32>,
          tpu.vector_store %arg17[%swap3A_321, %swap3A_322], %max3A_320 {strides = array<i32>} : memref<32x128xf32, #tpu.memory_space<vmem>>, vector<16xf32>,
          %get3A_324 = arith.index_cast %scan3A_240 : i32 to index
          %get3A_325 = arith.constant 64 : index
          %get3A_326 = tpu.vector_load %arg17[%get3A_324, %get3A_325] {strides = array<i32>} : memref<32x128xf32, #tpu.memory_space<vmem>>, vector<16xf32>,
          %get3A_327 = arith.index_cast %scan3A_240 : i32 to index
          %get3A_328 = arith.constant 64 : index
          %get3A_329 = tpu.vector_load %arg18[%get3A_327, %get3A_328] {strides = array<i32>} : memref<32x128xf32, #tpu.memory_space<vmem>>, vector<16xf32>,
          %add3A_330 = arith.addf %get3A_326, %get3A_329 : vector<16xf32>
          %mul3A_331 = arith.mulf %mul3A_247, %add3A_330 : vector<16xf32>
          %get3A_332 = arith.index_cast %scan3A_240 : i32 to index
          %get3A_333 = arith.constant 64 : index
          %get3A_334 = tpu.vector_load %arg19[%get3A_332, %get3A_333] {strides = array<i32>} : memref<32x128xf32, #tpu.memory_space<vmem>>, vector<16xf32>,
          %mul3A_335 = arith.mulf %broadcast_in_dim3A_248, %get3A_334 : vector<16xf32>
          %add3A_336 = arith.addf %mul3A_331, %mul3A_335 : vector<16xf32>
          %max3A_337 = arith.constant 0.000000e+00 : f32
          %max3A_338 = vector.broadcast %max3A_337 : f32 to vector<16xf32>
          %max3A_339 = arith.maximumf %add3A_336, %max3A_338 : vector<16xf32>
          %swap3A_340 = arith.index_cast %scan3A_240 : i32 to index
          %swap3A_341 = arith.constant 64 : index
          %swap3A_342 = tpu.vector_load %arg17[%swap3A_340, %swap3A_341] {strides = array<i32>} : memref<32x128xf32, #tpu.memory_space<vmem>>, vector<16xf32>,
          tpu.vector_store %arg17[%swap3A_340, %swap3A_341], %max3A_339 {strides = array<i32>} : memref<32x128xf32, #tpu.memory_space<vmem>>, vector<16xf32>,
          %get3A_343 = arith.index_cast %scan3A_240 : i32 to index
          %get3A_344 = arith.constant 80 : index
          %get3A_345 = tpu.vector_load %arg17[%get3A_343, %get3A_344] {strides = array<i32>} : memref<32x128xf32, #tpu.memory_space<vmem>>, vector<16xf32>,
          %get3A_346 = arith.index_cast %scan3A_240 : i32 to index
          %get3A_347 = arith.constant 80 : index
          %get3A_348 = tpu.vector_load %arg18[%get3A_346, %get3A_347] {strides = array<i32>} : memref<32x128xf32, #tpu.memory_space<vmem>>, vector<16xf32>,
          %add3A_349 = arith.addf %get3A_345, %get3A_348 : vector<16xf32>
          %mul3A_350 = arith.mulf %mul3A_247, %add3A_349 : vector<16xf32>
          %get3A_351 = arith.index_cast %scan3A_240 : i32 to index
          %get3A_352 = arith.constant 80 : index
          %get3A_353 = tpu.vector_load %arg19[%get3A_351, %get3A_352] {strides = array<i32>} : memref<32x128xf32, #tpu.memory_space<vmem>>, vector<16xf32>,
          %mul3A_354 = arith.mulf %broadcast_in_dim3A_248, %get3A_353 : vector<16xf32>
          %add3A_355 = arith.addf %mul3A_350, %mul3A_354 : vector<16xf32>
          %max3A_356 = arith.constant 0.000000e+00 : f32
          %max3A_357 = vector.broadcast %max3A_356 : f32 to vector<16xf32>
          %max3A_358 = arith.maximumf %add3A_355, %max3A_357 : vector<16xf32>
          %swap3A_359 = arith.index_cast %scan3A_240 : i32 to index
          %swap3A_360 = arith.constant 80 : index
          %swap3A_361 = tpu.vector_load %arg17[%swap3A_359, %swap3A_360] {strides = array<i32>} : memref<32x128xf32, #tpu.memory_space<vmem>>, vector<16xf32>,
          tpu.vector_store %arg17[%swap3A_359, %swap3A_360], %max3A_358 {strides = array<i32>} : memref<32x128xf32, #tpu.memory_space<vmem>>, vector<16xf32>,
          %get3A_362 = arith.index_cast %scan3A_240 : i32 to index
          %get3A_363 = arith.constant 96 : index
          %get3A_364 = tpu.vector_load %arg17[%get3A_362, %get3A_363] {strides = array<i32>} : memref<32x128xf32, #tpu.memory_space<vmem>>, vector<16xf32>,
          %get3A_365 = arith.index_cast %scan3A_240 : i32 to index
          %get3A_366 = arith.constant 96 : index
          %get3A_367 = tpu.vector_load %arg18[%get3A_365, %get3A_366] {strides = array<i32>} : memref<32x128xf32, #tpu.memory_space<vmem>>, vector<16xf32>,
          %add3A_368 = arith.addf %get3A_364, %get3A_367 : vector<16xf32>
          %mul3A_369 = arith.mulf %mul3A_247, %add3A_368 : vector<16xf32>
          %get3A_370 = arith.index_cast %scan3A_240 : i32 to index
          %get3A_371 = arith.constant 96 : index
          %get3A_372 = tpu.vector_load %arg19[%get3A_370, %get3A_371] {strides = array<i32>} : memref<32x128xf32, #tpu.memory_space<vmem>>, vector<16xf32>,
          %mul3A_373 = arith.mulf %broadcast_in_dim3A_248, %get3A_372 : vector<16xf32>
          %add3A_374 = arith.addf %mul3A_369, %mul3A_373 : vector<16xf32>
          %max3A_375 = arith.constant 0.000000e+00 : f32
          %max3A_376 = vector.broadcast %max3A_375 : f32 to vector<16xf32>
          %max3A_377 = arith.maximumf %add3A_374, %max3A_376 : vector<16xf32>
          %swap3A_378 = arith.index_cast %scan3A_240 : i32 to index
          %swap3A_379 = arith.constant 96 : index
          %swap3A_380 = tpu.vector_load %arg17[%swap3A_378, %swap3A_379] {strides = array<i32>} : memref<32x128xf32, #tpu.memory_space<vmem>>, vector<16xf32>,
          tpu.vector_store %arg17[%swap3A_378, %swap3A_379], %max3A_377 {strides = array<i32>} : memref<32x128xf32, #tpu.memory_space<vmem>>, vector<16xf32>,
          %get3A_381 = arith.index_cast %scan3A_240 : i32 to index
          %get3A_382 = arith.constant 112 : index
          %get3A_383 = tpu.vector_load %arg17[%get3A_381, %get3A_382] {strides = array<i32>} : memref<32x128xf32, #tpu.memory_space<vmem>>, vector<16xf32>,
          %get3A_384 = arith.index_cast %scan3A_240 : i32 to index
          %get3A_385 = arith.constant 112 : index
          %get3A_386 = tpu.vector_load %arg18[%get3A_384, %get3A_385] {strides = array<i32>} : memref<32x128xf32, #tpu.memory_space<vmem>>, vector<16xf32>,
          %add3A_387 = arith.addf %get3A_383, %get3A_386 : vector<16xf32>
          %mul3A_388 = arith.mulf %mul3A_247, %add3A_387 : vector<16xf32>
          %get3A_389 = arith.index_cast %scan3A_240 : i32 to index
          %get3A_390 = arith.constant 112 : index
          %get3A_391 = tpu.vector_load %arg19[%get3A_389, %get3A_390] {strides = array<i32>} : memref<32x128xf32, #tpu.memory_space<vmem>>, vector<16xf32>,
          %mul3A_392 = arith.mulf %broadcast_in_dim3A_248, %get3A_391 : vector<16xf32>
          %add3A_393 = arith.addf %mul3A_388, %mul3A_392 : vector<16xf32>
          %max3A_394 = arith.constant 0.000000e+00 : f32
          %max3A_395 = vector.broadcast %max3A_394 : f32 to vector<16xf32>
          %max3A_396 = arith.maximumf %add3A_393, %max3A_395 : vector<16xf32>
          %swap3A_397 = arith.index_cast %scan3A_240 : i32 to index
          %swap3A_398 = arith.constant 112 : index
          %swap3A_399 = tpu.vector_load %arg17[%swap3A_397, %swap3A_398] {strides = array<i32>} : memref<32x128xf32, #tpu.memory_space<vmem>>, vector<16xf32>,
          tpu.vector_store %arg17[%swap3A_397, %swap3A_398], %max3A_396 {strides = array<i32>} : memref<32x128xf32, #tpu.memory_space<vmem>>, vector<16xf32>,
          %scan3A_400 = arith.constant 0 : i32
          scf.yield %scan3A_400 : i32
        }
        %scan3A_237 = arith.constant 32 : i32
        %dma_start3A_238 = tpu.memref_slice %arg5[%add3A_173, %mul3A_0] : memref<10240x256xf32, #tpu.memory_space<hbm>> -> memref<32x128xf32, #tpu.memory_space<hbm>>
        %dma_start3A_239 = tpu.memref_slice %arg5[%add3A_173, %mul3A_0] : memref<10240x256xf32, #tpu.memory_space<hbm>> -> memref<32x128xf32, #tpu.memory_space<hbm>>
        tpu.enqueue_dma source(%arg17 : memref<32x128xf32, #tpu.memory_space<vmem>>) target(%dma_start3A_239 : memref<32x128xf32, #tpu.memory_space<hbm>>) target_semaphore(%arg28 : memref<!tpu.dma_semaphore, #tpu.memory_space<semaphore_mem>>)
      } else {
      }
      %scan3A_230 = arith.constant 0 : i32
      scf.yield %scan3A_230 : i32
    }
    %scan3A_157 = arith.constant 20 : i32
    %mul3A_158 = arith.constant 640 : i32
    %mul3A_159 = arith.muli %arg1, %mul3A_158 : i32
    %add3A_160 = arith.constant 608 : i32
    %add3A_161 = arith.addi %mul3A_159, %add3A_160 : i32
    %lt3A_162 = arith.constant 10000 : i32
    %lt3A_163 = arith.cmpi slt, %add3A_161, %lt3A_162 : i32
    %convert_element_type3A_164 = arith.extui %lt3A_163 : i1 to i32
    %cond3A_165 = arith.constant 0 : i32
    %cond3A_166 = arith.cmpi ne, %convert_element_type3A_164, %cond3A_165 : i32
    scf.if %cond3A_166 {
      %dma_wait3A = arith.constant 0 : i32
      %dma_wait3A_167 = arith.constant 0 : i32
      %dma_wait3A_168 = tpu.memref_slice %arg5[%dma_wait3A, %dma_wait3A_167] : memref<10240x256xf32, #tpu.memory_space<hbm>> -> memref<32x128xf32, #tpu.memory_space<hbm>>
      %dma_wait3A_169 = arith.constant 0 : i32
      %dma_wait3A_170 = arith.constant 0 : i32
      %dma_wait3A_171 = tpu.memref_slice %arg5[%dma_wait3A_169, %dma_wait3A_170] : memref<10240x256xf32, #tpu.memory_space<hbm>> -> memref<32x128xf32, #tpu.memory_space<hbm>>
      tpu.wait_dma2 semaphore(%arg28 : memref<!tpu.dma_semaphore, #tpu.memory_space<semaphore_mem>>) src(%arg17 : memref<32x128xf32, #tpu.memory_space<vmem>>) dst(%dma_wait3A_171 : memref<32x128xf32, #tpu.memory_space<hbm>>)
    } else {
    }
    return
  }
}

</mosaic_0001>

<sc_bundles>
// kernel: appnp_sc_propagate.3.cloned.1.call-start
scs
__scs_entry_jumppad:
0x0: {  	(pc) =	sbr.rel $0x88, $3  }
0x1: {  	(tag) =	ssettag $0x0;
	lr =	simm.s32 $0x1  }
0x2: {  	[smem:$0x3F9E] =	sst lr;
	_ =	strace $0xD0000000  }
0x3: {  	_ = 	snop  }
0x4: {  	_ = 	snop  }
0x5: {  	_ = 	snop  }
0x6: {  	_ = 	snop  }
0x7: {  	_ = 	snop  }
__scs_overlays_trampoline_lowered:
0x8: {  	[smem:$0x3FAD] =	sst s0  }
0x9: {  	[smem:$0x3FAE] =	sst s1  }
0xa: {  	[smem:$0x3FAF] =	sst s2  }
0xb: {  	[smem:$0x3FB0] =	sst s3  }
0xc: {  	[smem:$0x3FB1] =	sst s4  }
0xd: {  	[smem:$0x3FB2] =	sst s5  }
0xe: {  	[smem:$0x3FB3] =	sst s6  }
0xf: {  	[smem:$0x3FB4] =	sst s7  }
0x10: {  	[smem:$0x3FB5] =	sst s8  }
0x11: {  	[smem:$0x3FB6] =	sst s9;
	s0 =	simm.s32 @!p0 $0x0  }
0x12: {  	s1 =	sld [smem:$0x3F9C];
	s0 =	simm.s32 @p0 $0x1  }
0x13: {  	[smem:$0x3FB7] =	sst s0;
	s0 =	simm.s32 @!p1 $0x0  }
0x14: {  	s2 =	sld [smem:$0x3F9B];
	s0 =	simm.s32 @p1 $0x1  }
0x15: {  	[smem:$0x3FB8] =	sst s0;
	s0 =	simm.s32 @!p2 $0x0  }
0x16: {  	s3 =	sld [smem:$0x3FDB];
	s0 =	simm.s32 @p2 $0x1  }
0x17: {  	s4 =	simm.s32 $0x1BF5;
	[smem:$0x3FBA] =	sst s0  }
0x18: {  	s0 =	sld [smem:$0x3F9D];
	_ =	swait.ge [sflag:s4], $0x0  }
0x19: {  	s7 =	sld [smem:$0x3F9E]  }
0x1a: {  	s8 =	sadd.s32 $0xFFFFE003, lr  }
0x1b: {  	s9 =	sadd.s32 $0xFFFFFEF7, lr;
	s5 =	simm.s32 $0xFFFFFFFF;
	p2 =	slt.u32 s8, $0xFFFFF086  }
0x1c: {  	p1 =	slt.u32 s9, $0xF7A;
	s5 =	simm.s32 @!p2 $0x0  }
0x1d: {  	s5 =	simm.s32 @p1 $0x1;
	p0 =	seq.s32 s7, s2  }
0x1e: {  	s7 =	smul.u32 @!p0 $0xF7A, s2;
	p2 =	seq.s32 @!p0 s5, $0x0  }
0x1f: {  	s9 =	smul.u32 $0xF7A, s1;
	s8 =	simm.s32 @!p0 $0x1BF5;
	p2 =	por !p2, p0  }
0x20: {  	[sflag:s8] =	ssyncset.s32 @!p0 $0xFFFFF086;
	s6 =	sadd.s32 @!p0 s3, s7;
	s7 =	simm.s32 @!p0 $0x108  }
0x21: {  	s3 =	sadd.s32 s3, s9;
	s6 =	sadd.s32 @!p0 $0x88, s6;
	s7 =	simm.s32 @p2 $0x1082  }
0x22: {  	[simem:s7], [sflag:s8] =	dma.local @!p0 [hbm:s6], $0xF7A  }
0x23: {  	s9 =	sor.u32 $0xD0000000, s2;
	s6 =	simm.s32 $0x108;
	_ =	swait.ge @!p0 [sflag:s8], $0x0  }
0x24: {  	s3 =	sadd.s32 $0x88, s3;
	s6 =	simm.s32 @!p1 $0x1082;
	[sflag:s4] =	ssyncset.s32 $0xFFFFF086  }
0x25: {  	[simem:s6], [sflag:s4] =	dma.local [hbm:s3], $0xF7A  }
0x26: {  	[smem:$0x3F9E] =	sst s1;
	(tag) =	ssettag s2;
	_ =	strace s9  }
0x27: {  	s1 =	sld [smem:$0x3FAE]  }
0x28: {  	s2 =	sld [smem:$0x3FAF]  }
0x29: {  	s4 =	sld [smem:$0x3FB1]  }
0x2a: {  	p0 =	seq.s32 s5, $0x0;
	s5 =	sld [smem:$0x3FB2]  }
0x2b: {  	s6 =	sld [smem:$0x3FB3]  }
0x2c: {  	s7 =	sld [smem:$0x3FB4]  }
0x2d: {  	s3 =	simm.s32 $0x108;
	s8 =	sld [smem:$0x3FB5]  }
0x2e: {  	s3 =	simm.s32 @!p0 $0x1082;
	s9 =	sld [smem:$0x3FB6]  }
0x2f: {  	lr =	sadd.s32 s0, s3;
	s0 =	sld [smem:$0x3FAD]  }
0x30: {  	s3 =	sld [smem:$0x3FB0]  }
0x31: {  	[smem:$0x3FB9] =	sst s10  }
0x32: {  	s10 =	sld [smem:$0x3FB7];
	_ =	sdelay $0x3  }
0x33: {  	p0 =	seq.s32 s10, $0x1;
	s10 =	sld [smem:$0x3FB9];
	_ =	sdelay $0x3  }
0x34: {  	[smem:$0x3FB9] =	sst s10  }
0x35: {  	s10 =	sld [smem:$0x3FB8];
	_ =	sdelay $0x3  }
0x36: {  	p1 =	seq.s32 s10, $0x1;
	s10 =	sld [smem:$0x3FB9];
	_ =	sdelay $0x3  }
0x37: {  	[smem:$0x3FB9] =	sst s10  }
0x38: {  	s10 =	sld [smem:$0x3FBA]  }
0x39: {  	_ = 	snop;
	(pc) =	sbr.ind lr, $3  }
0x3a: {  	_ = 	snop  }
0x3b: {  	_ = 	snop  }
0x3c: {  	p2 =	seq.s32 s10, $0x1;
	s10 =	sld [smem:$0x3FB9]  }
0x3d: {  	_ =	shalt  }
0x3e: {  	_ =	shalt  }
0x3f: {  	_ =	shalt  }
0x40: {  	_ =	shalt  }
0x41: {  	_ =	shalt  }
0x42: {  	_ =	shalt  }
0x43: {  	_ =	shalt  }
0x44: {  	_ =	shalt  }
0x45: {  	_ =	shalt  }
0x46: {  	_ =	shalt  }
0x47: {  	_ =	shalt  }
0x48: {  	_ =	shalt  }
0x49: {  	_ =	shalt  }
0x4a: {  	_ =	shalt  }
0x4b: {  	_ =	shalt  }
0x4c: {  	_ =	shalt  }
0x4d: {  	_ =	shalt  }
0x4e: {  	_ =	shalt  }
0x4f: {  	_ =	shalt  }
0x50: {  	_ =	shalt  }
0x51: {  	_ =	shalt  }
0x52: {  	_ =	shalt  }
0x53: {  	_ =	shalt  }
0x54: {  	_ =	shalt  }
0x55: {  	_ =	shalt  }
0x56: {  	_ =	shalt  }
0x57: {  	_ =	shalt  }
0x58: {  	_ =	shalt  }
0x59: {  	_ =	shalt  }
0x5a: {  	_ =	shalt  }
0x5b: {  	_ =	shalt  }
0x5c: {  	_ =	shalt  }
0x5d: {  	_ =	shalt  }
0x5e: {  	_ =	shalt  }
0x5f: {  	_ =	shalt  }
0x60: {  	_ =	shalt  }
0x61: {  	_ =	shalt  }
0x62: {  	_ =	shalt  }
0x63: {  	_ =	shalt  }
0x64: {  	_ =	shalt  }
0x65: {  	_ =	shalt  }
0x66: {  	_ =	shalt  }
0x67: {  	_ =	shalt  }
0x68: {  	_ =	shalt  }
0x69: {  	_ =	shalt  }
0x6a: {  	_ =	shalt  }
0x6b: {  	_ =	shalt  }
0x6c: {  	_ =	shalt  }
0x6d: {  	_ =	shalt  }
0x6e: {  	_ =	shalt  }
0x6f: {  	_ =	shalt  }
0x70: {  	_ =	shalt  }
0x71: {  	_ =	shalt  }
0x72: {  	_ =	shalt  }
0x73: {  	_ =	shalt  }
0x74: {  	_ =	shalt  }
0x75: {  	_ =	shalt  }
0x76: {  	_ =	shalt  }
0x77: {  	_ =	shalt  }
0x78: {  	_ =	shalt  }
0x79: {  	_ =	shalt  }
0x7a: {  	_ =	shalt  }
0x7b: {  	_ =	shalt  }
0x7c: {  	_ =	shalt  }
0x7d: {  	_ =	shalt  }
0x7e: {  	_ =	shalt  }
0x7f: {  	_ =	shalt  }
0x80: {  	_ =	shalt  }
0x81: {  	_ =	shalt  }
0x82: {  	_ =	shalt  }
0x83: {  	_ =	shalt  }
0x84: {  	_ =	shalt  }
0x85: {  	_ =	shalt  }
0x86: {  	_ =	shalt  }
0x87: {  	_ =	shalt  }
.Lfunc_end0:
.L_simem_size_0:
called_computation_lowered:
.L_overlay_start_0:
0x88: {  	s2 =	sld [smem:$0x3FD9]  }
0x89: {  	s3 =	sld [smem:$0x3FFE];
	_ =	sdelay $0x1  }
0x8a: {  	s1 =	srdreg.scid  }
0x8b: {  	s0 =	sand.u32 $0x1, s1  }
0x8c: {  	s14 =	sshll.u32 s0, $0xA;
	s2 =	sadd.s32 s3, s2  }
0x8d: {  	s2 =	sadd.s32 s2, s14  }
0x8e: {  	[smem:$0x3FC5] =	sst s2  }
0x8f: {  	_ = 	snop  }
0x90: {  	s2 =	sld [smem:$0x3FD0];
	_ =	sdelay $0x1  }
0x91: {  	s15 =	sld [smem:$0x3FC8]  }
0x92: {  	s5 =	simm.s32 $0xA;
	s6 =	simm.s32 $0x10;
	s4 =	sld [smem:$0x3FC7]  }
0x93: {  	[smem:s6], [sflag:s5] =	dma.local [hbm:s2], $0x1  }
0x94: {  	_ =	swait.eq [sflag:s5], $0x1  }
0x95: {  	[sflag:s5] =	ssyncset.done $0x0  }
0x96: {  	s16 =	sld [smem:$0x10];
	[sflag:s5] =	ssyncadd.s32 $0xFFFFFFFF  }
0x97: {  	s17 =	sld [smem:$0x11];
	(tm) =	ssettm $0x1  }
0x98: {  	s18 =	sld [smem:$0x3FFB];
	_ =	sdelay $0x3  }
0x99: {  	_ =	strace s18  }
0x9a: {  	s6 =	sld [smem:$0x3FFC];
	_ =	sdelay $0x3  }
0x9b: {  	_ =	strace s6  }
0x9c: {  	s6 =	sld [smem:$0x3FFD];
	_ =	sdelay $0x3  }
0x9d: {  	_ =	strace s6  }
0x9e: {  	_ =	strace $0x8FFFFFFF  }
0x9f: {  	s19 =	sld [smem:$0x3FDB];
	_ =	sdelay $0x1  }
0xa0: {  	s7 =	simm.s32 $_scs_section_size  }
0xa1: {  	s8 =	simm.s32 $_size__tile_overlayer_lowered;
	s9 =	simm.s32 $_tile_overlayer_lowered  }
0xa2: {  	s22 =	simm.s32 $0x1BFF;
	s21 =	sshll.u32 s9, $0x1;
	s6 =	sadd.s32 s7, s19  }
0xa3: {  	s10 =	simm.s32 $0x0;
	s20 =	sshll.u32 s8, $0x1;
	s8 =	sadd.s32 s21, s6  }
0xa4: {  	[timem:s10], [sflag:s22] =	dma.local [hbm:s8], s20  }
0xa5: {  	_ =	swait.ge [sflag:s22], s20  }
0xa6: {  	s7 =	ssub.s32 $0x0, s20;
	[sflag:s22] =	ssyncset.done $0x0  }
0xa7: {  	[sflag:s22] =	ssyncadd.s32 s7;
	_ =	sdelay $0x1  }
0xa8: {  	s23 =	simm.s32 $0x1B8B  }
0xa9: {  	_ =	swait.ge [sflag:s23], $0x1  }
0xaa: {  	[sflag:s23] =	ssyncset.done $0x0  }
0xab: {  	s25 =	simm.s32 $0x1B8E;
	s24 =	sld [smem:$0x3FFE];
	[sflag:s23] =	ssyncadd.s32 $0xFFFFFFFF  }
0xac: {  	s26 =	simm.s32 $execute0_lowered;
	[smem:$0x3FD2] =	sst s25  }
0xad: {  	s8 =	sshll.u32 s26, $0x1;
	_ =	strace $0x80000046;
	[dreg:$0x1] =	wrdreg $0xFFFFFFFF  }
0xae: {  	s28 =	simm.s32 $_size_execute0_lowered;
	s6 =	sadd.s32 s6, s8;
	[dreg:$0x0] =	wrdreg $0x0  }
0xaf: {  	s8 =	sshll.u32 s28, $0x1;
	[dreg:$0x2] =	wrdreg s6  }
0xb0: {  	[dreg:$0x3] =	wrdreg s8  }
0xb1: {  	[dreg:$0x4] =	wrdreg $0xC0  }
0xb2: {  	_ =	task [dreg:s10], $0x5FFFF  }
0xb3: {  	[dreg:$0x1] =	wrdreg $0xFFFFFFFF  }
0xb4: {  	[dreg:$0x0] =	wrdreg $0x60  }
0xb5: {  	[dreg:$0x2] =	wrdreg s16  }
0xb6: {  	[dreg:$0x3] =	wrdreg s15  }
0xb7: {  	[dreg:$0x4] =	wrdreg s4  }
0xb8: {  	[dreg:$0x5] =	wrdreg s24  }
0xb9: {  	[dreg:$0x6] =	wrdreg s17  }
0xba: {  	[dreg:$0x7] =	wrdreg $0x0  }
0xbb: {  	[dreg:$0x8] =	wrdreg $0x140000  }
0xbc: {  	[dreg:$0x9] =	wrdreg $0x9  }
0xbd: {  	_ =	task.clear_ibuf [dreg:s10], $0xAFFFF;
	_ =	strace $0x90000046  }
0xbe: {  	s29 =	simm.s32 $0x9;
	_ =	strace $0x80000048  }
0xbf: {  	_ =	swait.ge [sflag:s29], $0x1  }
0xc0: {  	[sflag:s29] =	ssyncadd.s32 $0xFFFFFFFF  }
0xc1: {  	_ =	strace $0x90000048  }
0xc2: {  	_ =	sfence  }
0xc3: {  	s30 =	sld [smem:$0x0];
	_ =	sdelay $0x2  }
0xc4: {  	s31 =	sshll.u32 s1, $0xD;
	s1 =	sshrl.u32 s1, $0x2  }
0xc5: {  	s3 =	sand.u32 $0x4000, s31;
	s1 =	sadd.s32 s1, s30  }
0xc6: {  	s0 =	sor.u32 s3, s0;
	s1 =	sshll.u32 s1, $0x11  }
0xc7: {  	s0 =	sor.u32 s1, s0  }
0xc8: {  	s0 =	sadd.s32 $0x8F2B, s0  }
0xc9: {  	[sflag:s0] =	ssyncadd.remote.s32 $0x1  }
0xca: {  	_ =	sfence.sel $0xFFFF  }
0xcb: {  	[dreg:$0x0] =	wrdreg $0xFFFFFFFF;
	(pc) =	sbr.abs _section_cstart, $3  }
0xcc: {  	[dreg:$0x1] =	wrdreg $0xFFFFFFFF  }
0xcd: {  	_ =	task.clear_ibuf [dreg:s10], $0x2FFFF;
	_ =	strace $0x9FFFFFFF  }
0xce: {  	(tm) =	ssettm $0x7FFFFFFF  }
0xcf: {  	_ =	shalt  }
tec
execute0_lowered:
.L_overlay_start_1:
0x0: {  	(tag) =	ssettag $0x1  }
0x1: {  	s12 =	rddreg [dreg:$0x0]  }
0x2: {  	s1 =	rddreg [dreg:$0x1]  }
0x3: {  	s4 =	rddreg [dreg:$0x2]  }
0x4: {  	s0 =	rddreg [dreg:$0x3]  }
0x5: {  	s2 =	rddreg [dreg:$0x4]  }
0x6: {  	s3 =	rddreg [dreg:$0x5]  }
0x7: {  	s16 =	rddreg [dreg:$0x6];
	s6 =	simm.s32 $0x0;
	s14 =	stileid.u32  }
0x8: {  	s5 =	srdreg.scid;
	s28 =	simm.s32 $0x1EC00;
	s7 =	smul.u32 $0x280, s14  }
0x9: {  	s29 =	simm.s32 $0x1;
	s30 =	simm.s32 $0x2;
	s11 =	smul.u32 $0x2800, s14  }
0xa: {  	s31 =	simm.s32 $0x1F400;
	[smem:$0x7FF] =	sst s6;
	s20 =	smul.u32 $0xA000, s14  }
0xb: {  	s5 =	sand.u32 $0x1, s5;
	s0 =	sadd.s32 $0x800, s0;
	s13 =	smul.u32 $0x50000, s14  }
0xc: {  	s22 =	smul.u32 $0x500, s14;
	p0 =	seq.s32 s14, $0xF;
	s14 =	simm.s32 $0x40  }
0xd: {  	_ =	strace $0x80000047;
	s8 =	ssub.s32 $0x2, s5;
	[dreg:$0x8] =	wrdreg s0  }
0xe: {  	s9 =	sshll.u32 s5, $0x7;
	s10 =	smul.u32 $0x2800, s5;
	s5 =	sshll.u32 s5, $0x4  }
0xf: {  	s18 =	sshrl.u32 s8, $0x1;
	s19 =	sshrl.u32 s11, $0x3;
	s5 =	sadd.s32 s5, s12  }
0x10: {  	s24 =	sshrl.u32 s20, $0x2;
	s25 =	sshrl.u32 s13, $0x2;
	s17 =	sadd.s32 s22, s4  }
0x11: {  	s11 =	simm.s32 $0x1EA00;
	s0 =	ssub.s32 s8, s18;
	s15 =	sadd.s32 s4, s19  }
0x12: {  	s12 =	sadd.s32 $0x4E000, s5;
	s21 =	sadd.s32 s1, s19;
	s26 =	sadd.s32 s25, s3  }
0x13: {  	s19 =	sadd.s32 $0x10, s17;
	s1 =	sadd.s32 s22, s1;
	[dreg:$0xd] =	wrdreg s17  }
0x14: {  	s22 =	simm.s32 $0x6;
	s25 =	simm.s32 $0x16800;
	[dreg:$0xa] =	wrdreg s21  }
.Ltmp0:
0x15: {  	s8 =	simm.s32 $0x0;
	[dreg:$0x9] =	wrdreg s15;
	(pc) =	sbr.rel .LBB2_1-.Ltmp0, $4  }
0x16: {  	v0 =	vlaneseq.u32;
	s0 =	smax.u32 s0, $0x1;
	s23 =	sadd.s32 $0x4F0, s15;
	[dreg:$0xe] =	wrdreg s26  }
0x17: {  	v1 =	vmul.u32 $0x10, v0;
	s20 =	sadd.s32 $0x10, s1;
	s21 =	simm.s32 $0x1DA00;
	s26 =	simm.s32 $0x80  }
0x18: {  	v3 =	vimm.f32 $1.000000000e+00;
	v4 =	vimm.f32 $0.0e+00;
	s1 =	simm.s32 $0x1F600;
	s15 =	simm.s32 $0x18A00;
	[dreg:$0xb] =	wrdreg s0  }
0x19: {  	v5 =	vimm.f32 $5.120000000e+02;
	v6 =	vor.u32 $0x100, v1;
	v2 =	vmov s10;
	[dreg:$0xc] =	wrdreg s23;
	s0 =	sadd.s32 s24, s16;
	s24 =	simm.s32 $0x16880  }
.LBB2_37:
0x1a: {  	s4 =	simm.s32 @!p0 $0x4  }
0x1b: {  	_ =	swait.ge @!p0 [sflag:s4], $0x1000  }
0x1c: {  	s8 =	rddreg [dreg:$0xf]  }
0x1d: {  	s5 =	rddreg [dreg:$0xb];
	s8 =	sadd.s32 $0x1, s8  }
0x1e: {  	p1 =	sne.s32 s8, s5  }
.Ltmp1:
0x1f: {  	_ = 	snop;
	(pc) =	sbr.rel @!p1 .LBB2_38-.Ltmp1, $4  }
0x20: {  	_ = 	snop  }
0x21: {  	[sflag:s4] =	ssyncset.done @!p0 $0x0  }
0x22: {  	s17 =	rddreg [dreg:$0xd];
	[sflag:s4] =	ssyncadd.s32 @!p0 $0xFFFFF000  }
0x23: {  	s11 =	simm.s32 $0x1EA00;
	s16 =	rddreg [dreg:$0x6]  }
.LBB2_1:
0x24: {  	[dreg:$0xf] =	wrdreg s8;
	s4 =	simm.s32 $0x0  }
.LBB2_2:
0x25: {  	p1 =	sne.s32 s4, $0x1FC0  }
.Ltmp2:
0x26: {  	_ = 	snop;
	(pc) =	sbr.rel @p1 .LBB2_2-.Ltmp2, $3  }
0x27: {  	_ =	sdelay $0x1  }
0x28: {  	s5 =	sshra.s32 s4, $0x2  }
0x29: {  	s4 =	sadd.s32 $0x40, s4;
	[tilespmem:s5+$0x1EC00] =	vst v3  }
0x2a: {  	s4 =	simm.s32 $0x1DA40  }
0x2b: {  	[tilespmem:s4+$0xFFFFFFD0] =	vst v4  }
0x2c: {  	[tilespmem:s4+$0xFFFFFFE0] =	vst v4  }
0x2d: {  	[tilespmem:s4+$0xFFFFFFF0] =	vst v4  }
0x2e: {  	[tilespmem:s4+$0x0] =	vst v4  }
0x2f: {  	[tilespmem:s4+$0x10] =	vst v4  }
0x30: {  	[tilespmem:s4+$0x20] =	vst v4  }
0x31: {  	[tilespmem:s4+$0x30] =	vst v4  }
0x32: {  	s8 =	simm.s32 $0x0;
	s5 =	simm.s32 $0x40;
	[tilespmem:s4+$0xFFFFFFC0] =	vst v4  }
.LBB2_4:
0x33: {  	p1 =	sne.s32 s5, $0x7C0;
	[tilespmem:s8+$0x1EA00] =	vst v4;
	s4 =	sadd.s32 $0x80, s4  }
0x34: {  	[tilespmem:s4+$0xFFFFFFD0] =	vst v4  }
0x35: {  	[tilespmem:s4+$0xFFFFFFE0] =	vst v4  }
0x36: {  	[tilespmem:s4+$0xFFFFFFF0] =	vst v4  }
.Ltmp3:
0x37: {  	[tilespmem:s4+$0x0] =	vst v4;
	(pc) =	sbr.rel @p1 .LBB2_4-.Ltmp3, $4  }
0x38: {  	[tilespmem:s4+$0x10] =	vst v4  }
0x39: {  	[tilespmem:s4+$0x20] =	vst v4  }
0x3a: {  	[tilespmem:s4+$0x30] =	vst v4  }
0x3b: {  	s8 =	sshra.s32 s5, $0x2;
	s5 =	sadd.s32 $0x40, s5;
	[tilespmem:s4+$0xFFFFFFC0] =	vst v4  }
0x3c: {  	[tilespmem:s8+$0x1EA00] =	vst v4;
	s5 =	rddreg [dreg:$0xe]  }
0x3d: {  	[spmem:s5] =	stream.linear.scatter [tilespmem:s21], [sflag:$0x6], $0x1000, $0x38;
	[tilespmem:$0x1F880] =	vst v63  }
0x3e: {  	_ =	swait.ge [sflag:s22], $0x1000  }
0x3f: {  	[sflag:s22] =	ssyncset.done $0x0  }
0x40: {  	s4 =	sadd.s32 $0x0, s0;
	[sflag:s22] =	ssyncadd.s32 $0xFFFFF000  }
0x41: {  	[spmem:s4] =	stream.linear.scatter [tilespmem:s11], [sflag:$0x6], $0x200, $0x38;
	[tilespmem:$0x1F880] =	vst v63  }
0x42: {  	_ =	swait.ge [sflag:s22], $0x200  }
0x43: {  	s4 =	simm.s32 $0x800;
	[sflag:s22] =	ssyncset.done $0x0  }
.LBB2_6:
0x44: {  	p1 =	sne.s32 s4, $0x9800;
	[sflag:s22] =	ssyncadd.s32 $0xFFFFFE00;
	s5 =	sadd.s32 $0x1000, s5  }
0x45: {  	[spmem:s5] =	stream.linear.scatter [tilespmem:s21], [sflag:$0x6], $0x1000, $0x38;
	[tilespmem:$0x1F880] =	vst v63  }
0x46: {  	s8 =	smov.u32 s4;
	s4 =	sadd.s32 $0x800, s4;
	_ =	swait.ge [sflag:s22], $0x1000  }
.Ltmp4:
0x47: {  	s8 =	sshra.s32 s8, $0x2;
	[sflag:s22] =	ssyncset.done $0x0;
	(pc) =	sbr.rel @p1 .LBB2_6-.Ltmp4, $4  }
0x48: {  	s8 =	sadd.s32 s8, s0;
	[sflag:s22] =	ssyncadd.s32 $0xFFFFF000  }
0x49: {  	[spmem:s8] =	stream.linear.scatter [tilespmem:s11], [sflag:$0x6], $0x200, $0x38;
	[tilespmem:$0x1F880] =	vst v63  }
0x4a: {  	_ =	swait.ge [sflag:s22], $0x200  }
0x4b: {  	[sflag:s22] =	ssyncset.done $0x0  }
0x4c: {  	[sflag:s22] =	ssyncadd.s32 $0xFFFFFE00  }
0x4d: {  	[bflag:$0x0] =	sbarrier.arrive $0xFFFF  }
0x4e: {  	s4 =	rddreg [dreg:$0x9]  }
0x4f: {  	[tilespmem:s24], [sflag:$0x6] =	stream.linear.gather [hbm4b:s4+s6], $0x80, $0x38;
	[tilespmem:$0x1F880] =	vst v63  }
0x50: {  	_ =	swait.ge [sflag:s22], $0x80  }
0x51: {  	s23 =	sadd.s32 $0xFFFFFB20, s17;
	[sflag:s22] =	ssyncset.done $0x0  }
0x52: {  	s5 =	sadd.s32 $0x4F0, s23;
	[sflag:s22] =	ssyncadd.s32 $0xFFFFFF80  }
0x53: {  	[tilespmem:s25], [sflag:$0x1] =	stream.linear.gather [hbm4b:s5+s6], $0x80, $0x38;
	[tilespmem:$0x1F880] =	vst v63  }
0x54: {  	_ = 	snop  }
0x55: {  	[spmem:s16] =	stream.indirect.scatter.add.f32 [tilespmem:s28], [sflag:$0x6], $0x10, s24, s26, $0xb8;
	[tilespmem:$0x1F880] =	vst v63  }
0x56: {  	_ =	swait.ge [sflag:s22], $0x800  }
0x57: {  	[sflag:s22] =	ssyncset.done $0x0  }
0x58: {  	s4 =	sadd.s32 $0x500, s23;
	[sflag:s22] =	ssyncadd.s32 $0xFFFFF800  }
0x59: {  	[tilespmem:s24], [sflag:$0x2] =	stream.linear.gather [hbm4b:s4+s6], $0x80, $0x38;
	[tilespmem:$0x1F880] =	vst v63  }
0x5a: {  	_ =	swait.ge [sflag:s29], $0x80  }
0x5b: {  	[sflag:s29] =	ssyncset.done $0x0  }
0x5c: {  	[sflag:s29] =	ssyncadd.s32 $0xFFFFFF80  }
0x5d: {  	[spmem:s16] =	stream.indirect.scatter.add.f32 [tilespmem:s28], [sflag:$0x6], $0x10, s25, s26, $0xb8;
	[tilespmem:$0x1F880] =	vst v63  }
0x5e: {  	_ =	swait.ge [sflag:s22], $0x800  }
0x5f: {  	[sflag:s22] =	ssyncset.done $0x0  }
0x60: {  	[sflag:s22] =	ssyncadd.s32 $0xFFFFF800  }
0x61: {  	_ =	swait.ge [sflag:s30], $0x80  }
0x62: {  	s5 =	simm.s32 $0xFFFFFB60;
	s4 =	sadd.s32 $0xFFFFFB40, s17;
	[sflag:s30] =	ssyncset.done $0x0  }
.LBB2_8:
0x63: {  	s8 =	sadd.s32 $0x4F0, s4  }
0x64: {  	[sflag:s30] =	ssyncadd.s32 $0xFFFFFF80;
	s11 =	smov.u32 s5;
	s13 =	sadd.s32 $0x20, s5  }
0x65: {  	[tilespmem:s25], [sflag:$0x1] =	stream.linear.gather [hbm4b:s8+s6], $0x80, $0x38;
	[tilespmem:$0x1F880] =	vst v63  }
0x66: {  	p1 =	sne.s32 s5, $0xFFFFFFE0  }
0x67: {  	[spmem:s16] =	stream.indirect.scatter.add.f32 [tilespmem:s28], [sflag:$0x6], $0x10, s24, s26, $0xb8;
	[tilespmem:$0x1F880] =	vst v63  }
0x68: {  	_ =	swait.ge [sflag:s22], $0x800  }
0x69: {  	[sflag:s22] =	ssyncset.done $0x0  }
0x6a: {  	s4 =	sadd.s32 $0x500, s4;
	[sflag:s22] =	ssyncadd.s32 $0xFFFFF800  }
0x6b: {  	[tilespmem:s24], [sflag:$0x2] =	stream.linear.gather [hbm4b:s4+s6], $0x80, $0x38;
	[tilespmem:$0x1F880] =	vst v63  }
0x6c: {  	_ =	swait.ge [sflag:s29], $0x80  }
0x6d: {  	[sflag:s29] =	ssyncset.done $0x0  }
0x6e: {  	[sflag:s29] =	ssyncadd.s32 $0xFFFFFF80  }
0x6f: {  	[spmem:s16] =	stream.indirect.scatter.add.f32 [tilespmem:s28], [sflag:$0x6], $0x10, s25, s26, $0xb8;
	[tilespmem:$0x1F880] =	vst v63  }
.Ltmp5:
0x70: {  	_ =	swait.ge [sflag:s22], $0x800;
	(pc) =	sbr.rel @p1 .LBB2_8-.Ltmp5, $4  }
0x71: {  	[sflag:s22] =	ssyncset.done $0x0  }
0x72: {  	[sflag:s22] =	ssyncadd.s32 $0xFFFFF800  }
0x73: {  	_ =	swait.ge [sflag:s30], $0x80  }
0x74: {  	s5 =	smov.u32 s13;
	s4 =	sadd.s32 s11, s17;
	[sflag:s30] =	ssyncset.done $0x0  }
0x75: {  	s5 =	sadd.s32 $0x4F0, s4;
	[sflag:s30] =	ssyncadd.s32 $0xFFFFFF80  }
0x76: {  	[tilespmem:s25], [sflag:$0x1] =	stream.linear.gather [hbm4b:s5+s6], $0x80, $0x38;
	[tilespmem:$0x1F880] =	vst v63  }
0x77: {  	_ = 	snop  }
0x78: {  	[spmem:s16] =	stream.indirect.scatter.add.f32 [tilespmem:s28], [sflag:$0x6], $0x10, s24, s26, $0xb8;
	[tilespmem:$0x1F880] =	vst v63  }
0x79: {  	_ =	swait.ge [sflag:s22], $0x800  }
0x7a: {  	[sflag:s22] =	ssyncset.done $0x0  }
0x7b: {  	s11 =	sadd.s32 $0x500, s4;
	[sflag:s22] =	ssyncadd.s32 $0xFFFFF800  }
0x7c: {  	[tilespmem:s24], [sflag:$0x2] =	stream.linear.gather [hbm4b:s11+s6], $0x80, $0x38;
	[tilespmem:$0x1F880] =	vst v63  }
0x7d: {  	_ =	swait.ge [sflag:s29], $0x80  }
0x7e: {  	[sflag:s29] =	ssyncset.done $0x0  }
0x7f: {  	[sflag:s29] =	ssyncadd.s32 $0xFFFFFF80  }
0x80: {  	[spmem:s16] =	stream.indirect.scatter.add.f32 [tilespmem:s28], [sflag:$0x6], $0x10, s25, s26, $0xb8;
	[tilespmem:$0x1F880] =	vst v63  }
0x81: {  	_ =	swait.ge [sflag:s22], $0x800  }
0x82: {  	[sflag:s22] =	ssyncset.done $0x0  }
0x83: {  	[sflag:s22] =	ssyncadd.s32 $0xFFFFF800  }
0x84: {  	_ =	swait.ge [sflag:s30], $0x80  }
0x85: {  	[sflag:s30] =	ssyncset.done $0x0  }
0x86: {  	s13 =	rddreg [dreg:$0xc];
	[sflag:s30] =	ssyncadd.s32 $0xFFFFFF80  }
0x87: {  	[tilespmem:s25], [sflag:$0x1] =	stream.linear.gather [hbm4b:s13+s6], $0x80, $0x38;
	[tilespmem:$0x1F880] =	vst v63  }
0x88: {  	_ = 	snop  }
0x89: {  	[spmem:s16] =	stream.indirect.scatter.add.f32 [tilespmem:s28], [sflag:$0x6], $0x10, s24, s26, $0xb8;
	[tilespmem:$0x1F880] =	vst v63  }
0x8a: {  	_ =	swait.ge [sflag:s22], $0x800  }
0x8b: {  	[sflag:s22] =	ssyncset.done $0x0  }
0x8c: {  	[sflag:s22] =	ssyncadd.s32 $0xFFFFF800  }
0x8d: {  	_ =	swait.ge [sflag:s29], $0x80  }
0x8e: {  	[sflag:s29] =	ssyncset.done $0x0  }
0x8f: {  	[sflag:s29] =	ssyncadd.s32 $0xFFFFFF80  }
0x90: {  	[spmem:s16] =	stream.indirect.scatter.add.f32 [tilespmem:s28], [sflag:$0x6], $0x10, s25, s26, $0xb8;
	[tilespmem:$0x1F880] =	vst v63  }
0x91: {  	_ =	swait.ge [sflag:s22], $0x800  }
0x92: {  	[sflag:s22] =	ssyncset.done $0x0  }
0x93: {  	[sflag:s22] =	ssyncadd.s32 $0xFFFFF800  }
0x94: {  	[bflag:$0x0] =	sbarrier.arrive $0xFFFF  }
0x95: {  	[tilespmem:s31], [sflag:$0x6] =	stream.linear.gather [spmem:s0], $0x200, $0x38;
	[tilespmem:$0x1F880] =	vst v63  }
0x96: {  	_ =	swait.ge [sflag:s22], $0x200  }
0x97: {  	[sflag:s22] =	ssyncset.done $0x0  }
0x98: {  	[sflag:s22] =	ssyncadd.s32 $0xFFFFFE00  }
0x99: {  	v7 =	vld.idx.msk [tilespmem:v1+s31+$0x0], $0xffff;
	_ =	sdelay $0x4  }
0x9a: {  	v7 =	vadd.f32 $1.000000000e+00, v7;
	_ =	sdelay $0x1  }
0x9b: {  	vm0 =	vlt.f32 v7, $6.553600000e+04  }
0x9c: {  	vm13 =	vlt.f32 v7, $1.638400000e+04;
	v8 =	vsel vm0, $0x43800000, v5  }
0x9d: {  	vm14 =	vlt.f32 v7, $4.096000000e+03;
	v8 =	vsel vm13, $0x43000000, v8  }
0x9e: {  	vm15 =	vlt.f32 v7, $1.024000000e+03;
	v8 =	vsel vm14, $0x42800000, v8  }
0x9f: {  	vm4 =	vlt.f32 v7, $2.560000000e+02;
	v8 =	vsel vm15, $0x42000000, v8  }
0xa0: {  	vm5 =	vlt.f32 v7, $6.400000000e+01;
	v8 =	vsel vm4, $0x41800000, v8  }
0xa1: {  	vm6 =	vlt.f32 v7, $1.600000000e+01;
	v8 =	vsel vm5, $0x41000000, v8  }
0xa2: {  	vm7 =	vlt.f32 v7, $4.000000000e+00;
	v8 =	vsel vm6, $0x40800000, v8  }
0xa3: {  	v8 =	vsel vm7, $0x40000000, v8  }
0xa4: {  	(erf) = vrcp.f32 v8;
	_ =	sdelay $0x8  }
0xa5: {  	v9 =	vpop (erf)  }
0xa6: {  	v9 =	vmul.f32 v9, v7;
	_ =	sdelay $0x1  }
0xa7: {  	v8 =	vadd.f32 v9, v8;
	_ =	sdelay $0x1  }
0xa8: {  	v8 =	vmul.f32 $5.000000000e-01, v8;
	_ =	sdelay $0x1  }
0xa9: {  	(erf) = vrcp.f32 v8;
	_ =	sdelay $0x8  }
0xaa: {  	v9 =	vpop (erf)  }
0xab: {  	v9 =	vmul.f32 v9, v7;
	_ =	sdelay $0x1  }
0xac: {  	v8 =	vadd.f32 v9, v8;
	_ =	sdelay $0x1  }
0xad: {  	v8 =	vmul.f32 $5.000000000e-01, v8;
	_ =	sdelay $0x1  }
0xae: {  	(erf) = vrcp.f32 v8;
	_ =	sdelay $0x8  }
0xaf: {  	v9 =	vpop (erf)  }
0xb0: {  	v9 =	vmul.f32 v9, v7;
	_ =	sdelay $0x1  }
0xb1: {  	v8 =	vadd.f32 v9, v8;
	_ =	sdelay $0x1  }
0xb2: {  	v8 =	vmul.f32 $5.000000000e-01, v8;
	_ =	sdelay $0x1  }
0xb3: {  	(erf) = vrcp.f32 v8;
	_ =	sdelay $0x8  }
0xb4: {  	v9 =	vpop (erf)  }
0xb5: {  	v9 =	vmul.f32 v9, v7;
	_ =	sdelay $0x1  }
0xb6: {  	v8 =	vadd.f32 v9, v8;
	_ =	sdelay $0x1  }
0xb7: {  	v8 =	vmul.f32 $5.000000000e-01, v8;
	_ =	sdelay $0x1  }
0xb8: {  	(erf) = vrcp.f32 v8;
	_ =	sdelay $0x8  }
0xb9: {  	v9 =	vpop (erf)  }
0xba: {  	v7 =	vmul.f32 v9, v7;
	_ =	sdelay $0x1  }
0xbb: {  	v7 =	vadd.f32 v7, v8;
	_ =	sdelay $0x1  }
0xbc: {  	v7 =	vmul.f32 $5.000000000e-01, v7;
	_ =	sdelay $0x1  }
0xbd: {  	(erf) = vrcp.f32 v7;
	_ =	sdelay $0x3  }
0xbe: {  	s17 =	simm.s32 $0x0  }
0xbf: {  	v7 =	vor.u32 s17, v0;
	_ =	sdelay $0x3  }
0xc0: {  	v8 =	vpop (erf)  }
0xc1: {  	[tilespmem:v7+s1+$0x0] =	vst.idx.msk $0xffff, v8  }
0xc2: {  	v7 =	vld.idx.msk [tilespmem:v6+s31+$0x0], $0xffff;
	_ =	sdelay $0x4  }
0xc3: {  	v7 =	vadd.f32 $1.000000000e+00, v7;
	_ =	sdelay $0x1  }
0xc4: {  	vm8 =	vlt.f32 v7, $6.553600000e+04  }
0xc5: {  	vm9 =	vlt.f32 v7, $1.638400000e+04;
	v8 =	vsel vm8, $0x43800000, v5  }
0xc6: {  	vm10 =	vlt.f32 v7, $4.096000000e+03;
	v8 =	vsel vm9, $0x43000000, v8  }
0xc7: {  	vm11 =	vlt.f32 v7, $1.024000000e+03;
	v8 =	vsel vm10, $0x42800000, v8  }
0xc8: {  	vm12 =	vlt.f32 v7, $2.560000000e+02;
	v8 =	vsel vm11, $0x42000000, v8  }
0xc9: {  	vm13 =	vlt.f32 v7, $6.400000000e+01;
	v8 =	vsel vm12, $0x41800000, v8  }
0xca: {  	vm14 =	vlt.f32 v7, $1.600000000e+01;
	v8 =	vsel vm13, $0x41000000, v8  }
0xcb: {  	vm15 =	vlt.f32 v7, $4.000000000e+00;
	v8 =	vsel vm14, $0x40800000, v8  }
0xcc: {  	v8 =	vsel vm15, $0x40000000, v8  }
0xcd: {  	(erf) = vrcp.f32 v8;
	_ =	sdelay $0x8  }
0xce: {  	v9 =	vpop (erf)  }
0xcf: {  	v9 =	vmul.f32 v9, v7;
	_ =	sdelay $0x1  }
0xd0: {  	v8 =	vadd.f32 v9, v8;
	_ =	sdelay $0x1  }
0xd1: {  	v8 =	vmul.f32 $5.000000000e-01, v8;
	_ =	sdelay $0x1  }
0xd2: {  	(erf) = vrcp.f32 v8;
	_ =	sdelay $0x8  }
0xd3: {  	v9 =	vpop (erf)  }
0xd4: {  	v9 =	vmul.f32 v9, v7;
	_ =	sdelay $0x1  }
0xd5: {  	v8 =	vadd.f32 v9, v8;
	_ =	sdelay $0x1  }
0xd6: {  	v8 =	vmul.f32 $5.000000000e-01, v8;
	_ =	sdelay $0x1  }
0xd7: {  	(erf) = vrcp.f32 v8;
	_ =	sdelay $0x8  }
0xd8: {  	v9 =	vpop (erf)  }
0xd9: {  	v9 =	vmul.f32 v9, v7;
	_ =	sdelay $0x1  }
0xda: {  	v8 =	vadd.f32 v9, v8;
	_ =	sdelay $0x1  }
0xdb: {  	v8 =	vmul.f32 $5.000000000e-01, v8;
	_ =	sdelay $0x1  }
0xdc: {  	(erf) = vrcp.f32 v8;
	_ =	sdelay $0x8  }
0xdd: {  	v9 =	vpop (erf)  }
0xde: {  	v9 =	vmul.f32 v9, v7;
	_ =	sdelay $0x1  }
0xdf: {  	v8 =	vadd.f32 v9, v8;
	_ =	sdelay $0x1  }
0xe0: {  	v8 =	vmul.f32 $5.000000000e-01, v8;
	_ =	sdelay $0x1  }
0xe1: {  	(erf) = vrcp.f32 v8;
	_ =	sdelay $0x8  }
0xe2: {  	v9 =	vpop (erf)  }
0xe3: {  	v7 =	vmul.f32 v9, v7;
	_ =	sdelay $0x1  }
0xe4: {  	v7 =	vadd.f32 v7, v8;
	_ =	sdelay $0x1  }
0xe5: {  	v7 =	vmul.f32 $5.000000000e-01, v7;
	_ =	sdelay $0x1  }
0xe6: {  	(erf) = vrcp.f32 v7;
	_ =	sdelay $0x4  }
0xe7: {  	s18 =	simm.s32 $0x10  }
0xe8: {  	v7 =	vor.u32 s18, v0;
	_ =	sdelay $0x2  }
0xe9: {  	s23 =	simm.s32 $0x30;
	s16 =	smov.u32 s0;
	v8 =	vpop (erf)  }
.LBB2_10:
0xea: {  	p1 =	sne.s32 s23, $0x270  }
0xeb: {  	[tilespmem:v7+s1+$0x0] =	vst.idx.msk $0xffff, v8;
	s16 =	sadd.s32 $0x200, s16;
	s8 =	smov.u32 s23;
	s23 =	sadd.s32 $0x20, s23  }
0xec: {  	[tilespmem:s31], [sflag:$0x6] =	stream.linear.gather [spmem:s16], $0x200, $0x38;
	[tilespmem:$0x1F880] =	vst v63  }
0xed: {  	_ =	swait.ge [sflag:s22], $0x200  }
0xee: {  	[sflag:s22] =	ssyncset.done $0x0  }
0xef: {  	[sflag:s22] =	ssyncadd.s32 $0xFFFFFE00  }
0xf0: {  	v7 =	vld.idx.msk [tilespmem:v1+s31+$0x0], $0xffff;
	_ =	sdelay $0x5  }
0xf1: {  	v7 =	vadd.f32 $1.000000000e+00, v7;
	_ =	sdelay $0x1  }
0xf2: {  	vm0 =	vlt.f32 v7, $6.553600000e+04  }
0xf3: {  	v8 =	vsel vm0, $0x43800000, v5;
	vm0 =	vlt.f32 v7, $1.638400000e+04  }
0xf4: {  	v8 =	vsel vm0, $0x43000000, v8;
	vm0 =	vlt.f32 v7, $4.096000000e+03  }
0xf5: {  	v8 =	vsel vm0, $0x42800000, v8;
	vm0 =	vlt.f32 v7, $1.024000000e+03  }
0xf6: {  	v8 =	vsel vm0, $0x42000000, v8;
	vm0 =	vlt.f32 v7, $2.560000000e+02  }
0xf7: {  	v8 =	vsel vm0, $0x41800000, v8;
	vm0 =	vlt.f32 v7, $6.400000000e+01  }
0xf8: {  	v8 =	vsel vm0, $0x41000000, v8;
	vm0 =	vlt.f32 v7, $1.600000000e+01  }
0xf9: {  	v8 =	vsel vm0, $0x40800000, v8;
	vm0 =	vlt.f32 v7, $4.000000000e+00  }
0xfa: {  	v8 =	vsel vm0, $0x40000000, v8  }
0xfb: {  	(erf) = vrcp.f32 v8;
	_ =	sdelay $0x8  }
0xfc: {  	v9 =	vpop (erf)  }
0xfd: {  	v9 =	vmul.f32 v9, v7;
	_ =	sdelay $0x1  }
0xfe: {  	v8 =	vadd.f32 v9, v8;
	_ =	sdelay $0x1  }
0xff: {  	v8 =	vmul.f32 $5.000000000e-01, v8;
	_ =	sdelay $0x1  }
0x100: {  	(erf) = vrcp.f32 v8;
	_ =	sdelay $0x8  }
0x101: {  	v9 =	vpop (erf)  }
0x102: {  	v9 =	vmul.f32 v9, v7;
	_ =	sdelay $0x1  }
0x103: {  	v8 =	vadd.f32 v9, v8;
	_ =	sdelay $0x1  }
0x104: {  	v8 =	vmul.f32 $5.000000000e-01, v8;
	_ =	sdelay $0x1  }
0x105: {  	(erf) = vrcp.f32 v8;
	_ =	sdelay $0x8  }
0x106: {  	v9 =	vpop (erf)  }
0x107: {  	v9 =	vmul.f32 v9, v7;
	_ =	sdelay $0x1  }
0x108: {  	v8 =	vadd.f32 v9, v8;
	_ =	sdelay $0x1  }
0x109: {  	v8 =	vmul.f32 $5.000000000e-01, v8;
	_ =	sdelay $0x1  }
0x10a: {  	(erf) = vrcp.f32 v8;
	_ =	sdelay $0x8  }
0x10b: {  	v9 =	vpop (erf)  }
0x10c: {  	v9 =	vmul.f32 v9, v7;
	_ =	sdelay $0x1  }
0x10d: {  	v8 =	vadd.f32 v9, v8;
	_ =	sdelay $0x1  }
0x10e: {  	v8 =	vmul.f32 $5.000000000e-01, v8;
	_ =	sdelay $0x1  }
0x10f: {  	(erf) = vrcp.f32 v8;
	_ =	sdelay $0x8  }
0x110: {  	v9 =	vpop (erf)  }
0x111: {  	v7 =	vmul.f32 v9, v7;
	_ =	sdelay $0x1  }
0x112: {  	v7 =	vadd.f32 v7, v8;
	_ =	sdelay $0x1  }
0x113: {  	v7 =	vmul.f32 $5.000000000e-01, v7;
	_ =	sdelay $0x1  }
0x114: {  	(erf) = vrcp.f32 v7;
	_ =	sdelay $0x3  }
0x115: {  	s4 =	sadd.s32 $0xFFFFFFF0, s8  }
0x116: {  	v7 =	vor.u32 s4, v0;
	_ =	sdelay $0x3  }
0x117: {  	v8 =	vpop (erf)  }
0x118: {  	[tilespmem:v7+s1+$0x0] =	vst.idx.msk $0xffff, v8  }
0x119: {  	v7 =	vld.idx.msk [tilespmem:v6+s31+$0x0], $0xffff;
	_ =	sdelay $0x5  }
0x11a: {  	v7 =	vadd.f32 $1.000000000e+00, v7;
	_ =	sdelay $0x1  }
0x11b: {  	vm0 =	vlt.f32 v7, $6.553600000e+04  }
0x11c: {  	v8 =	vsel vm0, $0x43800000, v5;
	vm0 =	vlt.f32 v7, $1.638400000e+04  }
0x11d: {  	v8 =	vsel vm0, $0x43000000, v8;
	vm0 =	vlt.f32 v7, $4.096000000e+03  }
0x11e: {  	v8 =	vsel vm0, $0x42800000, v8;
	vm0 =	vlt.f32 v7, $1.024000000e+03  }
0x11f: {  	v8 =	vsel vm0, $0x42000000, v8;
	vm0 =	vlt.f32 v7, $2.560000000e+02  }
0x120: {  	v8 =	vsel vm0, $0x41800000, v8;
	vm0 =	vlt.f32 v7, $6.400000000e+01  }
0x121: {  	v8 =	vsel vm0, $0x41000000, v8;
	vm0 =	vlt.f32 v7, $1.600000000e+01  }
0x122: {  	v8 =	vsel vm0, $0x40800000, v8;
	vm0 =	vlt.f32 v7, $4.000000000e+00  }
0x123: {  	v8 =	vsel vm0, $0x40000000, v8  }
0x124: {  	(erf) = vrcp.f32 v8;
	_ =	sdelay $0x8  }
0x125: {  	v9 =	vpop (erf)  }
0x126: {  	v9 =	vmul.f32 v9, v7;
	_ =	sdelay $0x1  }
0x127: {  	v8 =	vadd.f32 v9, v8;
	_ =	sdelay $0x1  }
0x128: {  	v8 =	vmul.f32 $5.000000000e-01, v8;
	_ =	sdelay $0x1  }
0x129: {  	(erf) = vrcp.f32 v8;
	_ =	sdelay $0x8  }
0x12a: {  	v9 =	vpop (erf)  }
0x12b: {  	v9 =	vmul.f32 v9, v7;
	_ =	sdelay $0x1  }
0x12c: {  	v8 =	vadd.f32 v9, v8;
	_ =	sdelay $0x1  }
0x12d: {  	v8 =	vmul.f32 $5.000000000e-01, v8;
	_ =	sdelay $0x1  }
0x12e: {  	(erf) = vrcp.f32 v8;
	_ =	sdelay $0x8  }
0x12f: {  	v9 =	vpop (erf)  }
0x130: {  	v9 =	vmul.f32 v9, v7;
	_ =	sdelay $0x1  }
0x131: {  	v8 =	vadd.f32 v9, v8;
	_ =	sdelay $0x1  }
0x132: {  	v8 =	vmul.f32 $5.000000000e-01, v8;
	_ =	sdelay $0x1  }
0x133: {  	(erf) = vrcp.f32 v8;
	_ =	sdelay $0x8  }
0x134: {  	v9 =	vpop (erf)  }
0x135: {  	v9 =	vmul.f32 v9, v7;
	_ =	sdelay $0x1  }
0x136: {  	v8 =	vadd.f32 v9, v8;
	_ =	sdelay $0x1  }
0x137: {  	v8 =	vmul.f32 $5.000000000e-01, v8;
	_ =	sdelay $0x1  }
0x138: {  	(erf) = vrcp.f32 v8;
	_ =	sdelay $0x8  }
0x139: {  	v9 =	vpop (erf)  }
0x13a: {  	v7 =	vmul.f32 v9, v7;
	_ =	sdelay $0x1  }
0x13b: {  	v7 =	vadd.f32 v7, v8;
	_ =	sdelay $0x1  }
0x13c: {  	v7 =	vmul.f32 $5.000000000e-01, v7;
	_ =	sdelay $0x1  }
0x13d: {  	(erf) = vrcp.f32 v7;
	_ =	sdelay $0x4  }
.Ltmp6:
0x13e: {  	v7 =	vor.u32 s8, v0;
	(pc) =	sbr.rel @p1 .LBB2_10-.Ltmp6, $2  }
0x13f: {  	_ =	sdelay $0x2  }
0x140: {  	s5 =	simm.s32 $0x0;
	v8 =	vpop (erf)  }
.Ltmp7:
0x141: {  	_ = 	snop;
	(pc) =	sbr.rel .LBB2_12-.Ltmp7, $2  }
0x142: {  	_ =	sdelay $0x2  }
0x143: {  	[tilespmem:v7+s1+$0x0] =	vst.idx.msk $0xffff, v8;
	s8 =	simm.s32 $0x0  }
.LBB2_16:
0x144: {  	s8 =	sadd.s32 $0x1, s8  }
0x145: {  	p1 =	sne.s32 s8, $0x14  }
.Ltmp8:
0x146: {  	_ = 	snop;
	(pc) =	sbr.rel @!p1 .LBB2_17-.Ltmp8, $2  }
0x147: {  	_ =	sdelay $0x2  }
0x148: {  	s5 =	sadd.s32 $0x20, s5  }
.LBB2_12:
0x149: {  	s4 =	sshll.u32 s8, $0x5  }
0x14a: {  	s4 =	sadd.s32 s7, s4  }
0x14b: {  	p1 =	sgt.u32 s4, $0x26F0  }
0x14c: {  	p2 =	sne.s32 @p1 s4, $0x2700  }
0x14d: {  	p2 =	por p2, !p1  }
0x14e: {  	s11 =	simm.s32 @!p2 $0x80;
	s13 =	simm.s32 @!p2 $0x100;
	s16 =	simm.s32 @!p2 $0x1CA00  }
0x14f: {  	[tilespmem:s16], [sflag:$0x6] =	stream.strided.gather @!p2 [hbm4b:s12+s11], $0x800, s13, s11, $0x38;
	[tilespmem:$0x1F880] =	vst v63  }
0x150: {  	s11 =	simm.s32 @!p2 $0x6  }
0x151: {  	_ =	swait.ge @!p2 [sflag:s11], $0x800  }
0x152: {  	s13 =	sshll.u32 @!p1 s4, $0x8;
	[sflag:s11] =	ssyncset.done @!p2 $0x0  }
0x153: {  	s13 =	sor.u32 @!p1 s9, s13;
	[sflag:s11] =	ssyncadd.s32 @!p2 $0xFFFFF800  }
0x154: {  	s18 =	simm.s32 @!p1 $0x1CA00;
	s13 =	sshrl.u32 @!p1 s13, $0x3;
	s11 =	rddreg [dreg:$0x0]  }
0x155: {  	s16 =	simm.s32 @!p1 $0x100;
	s11 =	sadd.s32 @!p1 s11, s13;
	s13 =	simm.s32 @!p1 $0x80  }
0x156: {  	[tilespmem:s18], [sflag:$0x6] =	stream.strided.gather @!p1 [hbm4b:s11+s13], $0x1000, s16, s13, $0x38;
	[tilespmem:$0x1F880] =	vst v63  }
0x157: {  	s11 =	simm.s32 @!p1 $0x6  }
0x158: {  	_ =	swait.ge @!p1 [sflag:s11], $0x1000  }
0x159: {  	p2 =	seq.s32 s8, $0x0;
	[sflag:s11] =	ssyncset.done @!p1 $0x0  }
0x15a: {  	p3 =	sgt.u32 @!p2 s4, $0x272F;
	[sflag:s11] =	ssyncadd.s32 @!p1 $0xFFFFF000;
	p1 =	sgt.u32 s4, $0x270F  }
.Ltmp9:
0x15b: {  	p2 =	por p3, p2;
	(pc) =	sbr.rel @p1 .LBB2_16-.Ltmp9, $4  }
0x15c: {  	s11 =	simm.s32 @!p2 $0x4  }
0x15d: {  	_ =	swait.ge @!p2 [sflag:s11], $0x1000  }
0x15e: {  	[sflag:s11] =	ssyncset.done @!p2 $0x0  }
0x15f: {  	[sflag:s11] =	ssyncadd.s32 @!p2 $0xFFFFF000  }
0x160: {  	v7 =	vmov s5  }
0x161: {  	s11 =	simm.s32 $0x0  }
0x162: {  	v8 =	vld [tilespmem:s11+$0x1CA00]  }
0x163: {  	v9 =	vld [tilespmem:s11+$0x1CA10]  }
0x164: {  	v10 =	vld [tilespmem:s11+$0x1CA20]  }
0x165: {  	v7 =	vld.idx.msk [tilespmem:v7+s1+$0x0], $0xffff  }
0x166: {  	v11 =	vld [tilespmem:s11+$0x1CA30]  }
0x167: {  	v12 =	vld [tilespmem:s11+$0x1CA40]  }
0x168: {  	v13 =	vld [tilespmem:s11+$0x1CA50]  }
0x169: {  	v14 =	vld [tilespmem:s11+$0x1CA60]  }
0x16a: {  	v15 =	vld [tilespmem:s11+$0x1CA70];
	v8 =	vmul.f32 v8, v7  }
0x16b: {  	v9 =	vmul.f32 v9, v7  }
0x16c: {  	v10 =	vmul.f32 v10, v7;
	[tilespmem:s11+$0x1BA00] =	vst v8  }
0x16d: {  	v16 =	vmul.f32 v11, v7;
	[tilespmem:s11+$0x1BA10] =	vst v9  }
0x16e: {  	s13 =	sadd.s32 $0x1, s5;
	v11 =	vmul.f32 v12, v7;
	v8 =	vmul.f32 v13, v7;
	[tilespmem:s11+$0x1BA20] =	vst v10  }
0x16f: {  	s4 =	sadd.s32 s10, s4;
	s16 =	simm.s32 $0x80;
	s18 =	simm.s32 $0x400;
	v10 =	vmul.f32 v14, v7;
	v7 =	vmul.f32 v15, v7;
	v9 =	vmov s13;
	[tilespmem:s11+$0x1BA30] =	vst v16  }
.LBB2_14:
0x170: {  	p1 =	sne.s32 s18, $0x3E00;
	v12 =	vld [tilespmem:s16+$0x1CA00];
	[tilespmem:s11+$0x1BA40] =	vst v11  }
0x171: {  	v11 =	vld [tilespmem:s16+$0x1CA10];
	[tilespmem:s11+$0x1BA50] =	vst v8  }
0x172: {  	v8 =	vld [tilespmem:s16+$0x1CA20];
	[tilespmem:s11+$0x1BA60] =	vst v10  }
0x173: {  	v10 =	vld [tilespmem:s16+$0x1CA30];
	[tilespmem:s11+$0x1BA70] =	vst v7;
	s11 =	smov.u32 s16  }
0x174: {  	v7 =	vld.idx.msk [tilespmem:v9+s1+$0x0], $0xffff  }
0x175: {  	v9 =	vld [tilespmem:s11+$0x1CA40]  }
0x176: {  	v13 =	vld [tilespmem:s11+$0x1CA50]  }
0x177: {  	v14 =	vld [tilespmem:s11+$0x1CA60]  }
0x178: {  	v15 =	vld [tilespmem:s11+$0x1CA70];
	_ =	sdelay $0x1  }
0x179: {  	v12 =	vmul.f32 v12, v7;
	v16 =	vmul.f32 v11, v7  }
.Ltmp10:
0x17a: {  	v17 =	vmul.f32 v8, v7;
	v18 =	vmul.f32 v10, v7;
	(pc) =	sbr.rel @p1 .LBB2_14-.Ltmp10, $4  }
0x17b: {  	v11 =	vmul.f32 v9, v7;
	v8 =	vmul.f32 v13, v7;
	[tilespmem:s11+$0x1BA00] =	vst v12  }
0x17c: {  	v10 =	vmul.f32 v14, v7;
	[tilespmem:s11+$0x1BA10] =	vst v16;
	v7 =	vmul.f32 v15, v7  }
0x17d: {  	s13 =	sadd.s32 $0x1, s13;
	[tilespmem:s11+$0x1BA20] =	vst v17  }
0x17e: {  	s16 =	sshra.s32 s18, $0x2;
	s18 =	sadd.s32 $0x200, s18;
	v9 =	vmov s13;
	[tilespmem:s11+$0x1BA30] =	vst v18  }
0x17f: {  	v12 =	vld [tilespmem:s16+$0x1CA00];
	[tilespmem:s11+$0x1BA40] =	vst v11  }
0x180: {  	v11 =	vld [tilespmem:s16+$0x1CA10];
	[tilespmem:s11+$0x1BA50] =	vst v8  }
0x181: {  	v8 =	vld [tilespmem:s16+$0x1CA20];
	[tilespmem:s11+$0x1BA60] =	vst v10  }
0x182: {  	v10 =	vld [tilespmem:s16+$0x1CA30];
	[tilespmem:s11+$0x1BA70] =	vst v7  }
0x183: {  	v7 =	vld.idx.msk [tilespmem:v9+s1+$0x0], $0xffff;
	_ =	sdelay $0x3  }
0x184: {  	v62 =	vld [tilespmem:s16+$0x1CA40]  }
0x185: {  	v14 =	vld [tilespmem:s16+$0x1CA60];
	v12 =	vmul.f32 v12, v7  }
0x186: {  	v13 =	vld [tilespmem:s16+$0x1CA50];
	v11 =	vmul.f32 v11, v7  }
0x187: {  	v15 =	vld [tilespmem:s16+$0x1CA70];
	v8 =	vmul.f32 v8, v7;
	[tilespmem:s16+$0x1BA00] =	vst v12  }
0x188: {  	v10 =	vmul.f32 v10, v7;
	[tilespmem:s16+$0x1BA10] =	vst v11  }
0x189: {  	v9 =	vmul.f32 v62, v7;
	[tilespmem:s16+$0x1BA20] =	vst v8  }
0x18a: {  	v63 =	vmul.f32 v14, v7;
	[tilespmem:s16+$0x1BA30] =	vst v10  }
.Ltmp11:
0x18b: {  	v8 =	vmul.f32 v13, v7;
	[tilespmem:s16+$0x1BA40] =	vst v9;
	(pc) =	sbr.rel .LBB2_16-.Ltmp11, $4  }
0x18c: {  	v7 =	vmul.f32 v15, v7;
	[tilespmem:s16+$0x1BA60] =	vst v63  }
0x18d: {  	s4 =	sshll.u32 s4, $0x4;
	[tilespmem:s16+$0x1BA50] =	vst v8  }
0x18e: {  	s23 =	simm.s32 $0x1BA00;
	s4 =	sadd.s32 s2, s4;
	[tilespmem:s16+$0x1BA70] =	vst v7  }
0x18f: {  	[hbm4b:s4+s6] =	stream.linear.scatter [tilespmem:s23], [sflag:$0x4], $0x1000, $0x38;
	[tilespmem:$0x1F880] =	vst v63  }
.LBB2_17:
0x190: {  	s4 =	simm.s32 @!p0 $0x4  }
.Ltmp12:
0x191: {  	_ =	swait.ge @!p0 [sflag:s4], $0x1000;
	(pc) =	sbr.rel .LBB2_18-.Ltmp12, $4  }
0x192: {  	[sflag:s4] =	ssyncset.done @!p0 $0x0  }
0x193: {  	[sflag:s4] =	ssyncadd.s32 @!p0 $0xFFFFF000  }
0x194: {  	[bflag:$0x0] =	sbarrier.arrive $0xFFFF  }
0x195: {  	p2 =	por $0x1, $0x1  }
.LBB2_27:
0x196: {  	s4 =	simm.s32 @!p0 $0x4  }
0x197: {  	_ =	swait.ge @!p0 [sflag:s4], $0x1000  }
0x198: {  	[sflag:s4] =	ssyncset.done @!p0 $0x0  }
0x199: {  	s23 =	simm.s32 $0x5;
	[sflag:s4] =	ssyncadd.s32 @!p0 $0xFFFFF000  }
0x19a: {  	_ =	swait.ge [sflag:s23], $0x1000  }
0x19b: {  	[sflag:s23] =	ssyncset.done $0x0  }
0x19c: {  	[sflag:s23] =	ssyncadd.s32 $0xFFFFF000  }
0x19d: {  	_ =	swait.ge [sflag:s23], $0x1000  }
0x19e: {  	[sflag:s23] =	ssyncset.done $0x0  }
0x19f: {  	[sflag:s23] =	ssyncadd.s32 $0xFFFFF000  }
0x1a0: {  	_ =	swait.ge [sflag:s23], $0x1000  }
0x1a1: {  	[sflag:s23] =	ssyncset.done $0x0  }
0x1a2: {  	[sflag:s23] =	ssyncadd.s32 $0xFFFFF000  }
0x1a3: {  	_ =	swait.ge [sflag:s23], $0x1000  }
0x1a4: {  	[sflag:s23] =	ssyncset.done $0x0  }
0x1a5: {  	[sflag:s23] =	ssyncadd.s32 $0xFFFFF000  }
0x1a6: {  	_ =	swait.ge [sflag:s23], $0x1000  }
0x1a7: {  	[sflag:s23] =	ssyncset.done $0x0  }
0x1a8: {  	[sflag:s23] =	ssyncadd.s32 $0xFFFFF000  }
0x1a9: {  	_ =	swait.ge [sflag:s23], $0x1000  }
0x1aa: {  	[sflag:s23] =	ssyncset.done $0x0  }
0x1ab: {  	[sflag:s23] =	ssyncadd.s32 $0xFFFFF000  }
0x1ac: {  	_ =	swait.ge [sflag:s23], $0x1000  }
0x1ad: {  	[sflag:s23] =	ssyncset.done $0x0  }
0x1ae: {  	[sflag:s23] =	ssyncadd.s32 $0xFFFFF000  }
0x1af: {  	_ =	swait.ge [sflag:s23], $0x1000  }
0x1b0: {  	[sflag:s23] =	ssyncset.done $0x0  }
0x1b1: {  	[sflag:s23] =	ssyncadd.s32 $0xFFFFF000  }
0x1b2: {  	_ =	swait.ge [sflag:s23], $0x1000  }
0x1b3: {  	[sflag:s23] =	ssyncset.done $0x0  }
0x1b4: {  	[sflag:s23] =	ssyncadd.s32 $0xFFFFF000  }
0x1b5: {  	_ =	swait.ge [sflag:s23], $0x1000  }
0x1b6: {  	[sflag:s23] =	ssyncset.done $0x0  }
0x1b7: {  	[sflag:s23] =	ssyncadd.s32 $0xFFFFF000  }
0x1b8: {  	_ =	swait.ge [sflag:s23], $0x1000  }
0x1b9: {  	[sflag:s23] =	ssyncset.done $0x0  }
0x1ba: {  	[sflag:s23] =	ssyncadd.s32 $0xFFFFF000  }
0x1bb: {  	_ =	swait.ge [sflag:s23], $0x1000  }
0x1bc: {  	[sflag:s23] =	ssyncset.done $0x0  }
0x1bd: {  	[sflag:s23] =	ssyncadd.s32 $0xFFFFF000  }
0x1be: {  	_ =	swait.ge [sflag:s23], $0x1000  }
0x1bf: {  	[sflag:s23] =	ssyncset.done $0x0  }
0x1c0: {  	[sflag:s23] =	ssyncadd.s32 $0xFFFFF000  }
0x1c1: {  	_ =	swait.ge [sflag:s23], $0x1000  }
0x1c2: {  	[sflag:s23] =	ssyncset.done $0x0  }
0x1c3: {  	[sflag:s23] =	ssyncadd.s32 $0xFFFFF000  }
0x1c4: {  	_ =	swait.ge [sflag:s23], $0x1000  }
0x1c5: {  	[sflag:s23] =	ssyncset.done $0x0  }
0x1c6: {  	[sflag:s23] =	ssyncadd.s32 $0xFFFFF000  }
0x1c7: {  	_ =	swait.ge [sflag:s23], $0x1000  }
0x1c8: {  	[sflag:s23] =	ssyncset.done $0x0  }
0x1c9: {  	[sflag:s23] =	ssyncadd.s32 $0xFFFFF000  }
0x1ca: {  	_ =	swait.ge [sflag:s23], $0x1000  }
0x1cb: {  	[sflag:s23] =	ssyncset.done $0x0  }
0x1cc: {  	[sflag:s23] =	ssyncadd.s32 $0xFFFFF000  }
0x1cd: {  	_ =	swait.ge [sflag:s23], $0x1000  }
0x1ce: {  	[sflag:s23] =	ssyncset.done $0x0  }
0x1cf: {  	[sflag:s23] =	ssyncadd.s32 $0xFFFFF000  }
0x1d0: {  	_ =	swait.ge [sflag:s23], $0x1000  }
0x1d1: {  	[sflag:s23] =	ssyncset.done $0x0  }
0x1d2: {  	[sflag:s23] =	ssyncadd.s32 $0xFFFFF000  }
.Ltmp13:
0x1d3: {  	_ =	swait.ge [sflag:s23], $0x1000;
	(pc) =	sbr.rel @!p1 .LBB2_28-.Ltmp13, $4  }
0x1d4: {  	[sflag:s23] =	ssyncset.done $0x0  }
0x1d5: {  	[sflag:s23] =	ssyncadd.s32 $0xFFFFF000  }
0x1d6: {  	[bflag:$0x0] =	sbarrier.arrive $0xFFFF  }
0x1d7: {  	p2 =	por $0x0, $0x0  }
.LBB2_18:
0x1d8: {  	s5 =	simm.s32 $0x0;
	s4 =	rddreg [dreg:$0xa]  }
0x1d9: {  	[tilespmem:s25], [sflag:$0x6] =	stream.linear.gather [hbm4b:s4+s5], $0x80, $0x38;
	[tilespmem:$0x1F880] =	vst v63  }
0x1da: {  	_ =	swait.ge [sflag:s22], $0x80  }
0x1db: {  	[sflag:s22] =	ssyncset.done $0x0  }
0x1dc: {  	s18 =	rddreg [dreg:$0x9];
	[sflag:s22] =	ssyncadd.s32 $0xFFFFFF80  }
0x1dd: {  	[tilespmem:s24], [sflag:$0x6] =	stream.linear.gather [hbm4b:s18+s5], $0x80, $0x38;
	[tilespmem:$0x1F880] =	vst v63  }
0x1de: {  	_ =	swait.ge [sflag:s22], $0x80  }
0x1df: {  	[sflag:s22] =	ssyncset.done $0x0  }
0x1e0: {  	[sflag:s22] =	ssyncadd.s32 $0xFFFFFF80  }
0x1e1: {  	v7 =	vld [tilespmem:$0x16800]  }
0x1e2: {  	v8 =	vld [tilespmem:$0x16880]  }
0x1e3: {  	v10 =	vld [tilespmem:$0x16890]  }
0x1e4: {  	v9 =	vld [tilespmem:$0x16810]  }
0x1e5: {  	v12 =	vld [tilespmem:$0x168A0]  }
0x1e6: {  	v57 =	vld [tilespmem:$0x168B0]  }
0x1e7: {  	v59 =	vld [tilespmem:$0x168C0];
	[tilespmem:$0x16980] =	vst v8  }
0x1e8: {  	v61 =	vld [tilespmem:$0x168D0];
	v7 =	vadd.s32 v2, v7;
	[tilespmem:$0x16990] =	vst v10  }
0x1e9: {  	v8 =	vadd.s32 v2, v9;
	[tilespmem:$0x16900] =	vst v7;
	v7 =	vld [tilespmem:$0x16830]  }
0x1ea: {  	[tilespmem:$0x16910] =	vst v8;
	v8 =	vld [tilespmem:$0x16840]  }
0x1eb: {  	v11 =	vld [tilespmem:$0x16820];
	[tilespmem:$0x169A0] =	vst v12  }
0x1ec: {  	v62 =	vld [tilespmem:$0x168E0];
	[tilespmem:$0x169B0] =	vst v57  }
0x1ed: {  	v63 =	vld [tilespmem:$0x168F0];
	[tilespmem:$0x169C0] =	vst v59  }
0x1ee: {  	v60 =	vld [tilespmem:$0x16850];
	[tilespmem:$0x169D0] =	vst v61;
	v7 =	vadd.s32 v2, v7  }
0x1ef: {  	v8 =	vadd.s32 v2, v8;
	[tilespmem:$0x16930] =	vst v7;
	v7 =	vld [tilespmem:$0x16860]  }
0x1f0: {  	[tilespmem:$0x16940] =	vst v8;
	v8 =	vld [tilespmem:$0x16870]  }
0x1f1: {  	[tilespmem:$0x169E0] =	vst v62  }
0x1f2: {  	v58 =	vadd.s32 v2, v11;
	[tilespmem:$0x169F0] =	vst v63  }
0x1f3: {  	v10 =	vadd.s32 v2, v60;
	[tilespmem:$0x16920] =	vst v58  }
0x1f4: {  	[tilespmem:$0x16950] =	vst v10;
	v7 =	vadd.s32 v2, v7  }
0x1f5: {  	s23 =	simm.s32 $0x16900;
	s8 =	simm.s32 $0x16A00;
	[tilespmem:$0x16960] =	vst v7;
	v7 =	vadd.s32 v2, v8  }
0x1f6: {  	p1 =	por p2, p2;
	s13 =	simm.s32 $0x16940;
	s16 =	simm.s32 $0x169C0;
	[tilespmem:$0x16970] =	vst v7  }
0x1f7: {  	[tilespmem:s8], [sflag:$0x1] =	stream.indirect.gather [hbm4b:s2+s14], $0x80, s23, s14, $0xb8;
	[tilespmem:$0x1F880] =	vst v63  }
.LBB2_19:
0x1f8: {  	[tilespmem:s15], [sflag:$0x2] =	stream.indirect.gather [hbm4b:s2+s14], $0x80, s13, s14, $0xb8;
	[tilespmem:$0x1F880] =	vst v63  }
0x1f9: {  	p2 =	seq.s32 s5, $0x4F0  }
0x1fa: {  	s4 =	simm.s32 @p2 $0x1  }
0x1fb: {  	_ =	swait.ge @p2 [sflag:s4], $0x2000  }
0x1fc: {  	s8 =	simm.s32 @p2 $0x16980;
	[sflag:s4] =	ssyncset.done @p2 $0x0  }
0x1fd: {  	s11 =	simm.s32 @p2 $0x16A00;
	[sflag:s4] =	ssyncadd.s32 @p2 $0xFFFFE000;
	s4 =	simm.s32 @p2 $0x40  }
0x1fe: {  	[spmem:s3] =	stream.indirect.scatter.add.f32 @p2 [tilespmem:s11], [sflag:$0x6], $0x80, s8, s4, $0xb8;
	[tilespmem:$0x1F880] =	vst v63  }
0x1ff: {  	s4 =	simm.s32 @p2 $0x6  }
0x200: {  	_ =	swait.ge @p2 [sflag:s4], $0x2000  }
0x201: {  	s8 =	simm.s32 @!p2 $0x0;
	[sflag:s4] =	ssyncset.done @p2 $0x0  }
0x202: {  	s11 =	simm.s32 @!p2 $0x16800;
	[sflag:s4] =	ssyncadd.s32 @p2 $0xFFFFE000;
	s4 =	sadd.s32 @!p2 s5, s20  }
0x203: {  	[tilespmem:s11], [sflag:$0x3] =	stream.linear.gather @!p2 [hbm4b:s4+s8], $0x80, $0x38;
	[tilespmem:$0x1F880] =	vst v63  }
0x204: {  	s4 =	sadd.s32 @!p2 s5, s19;
	s11 =	simm.s32 @!p2 $0x16880  }
0x205: {  	[tilespmem:s11], [sflag:$0x3] =	stream.linear.gather @!p2 [hbm4b:s4+s8], $0x80, $0x38;
	[tilespmem:$0x1F880] =	vst v63  }
0x206: {  	s4 =	simm.s32 @!p2 $0x1  }
0x207: {  	_ =	swait.ge @!p2 [sflag:s4], $0x2000  }
0x208: {  	s8 =	simm.s32 @!p2 $0x16980;
	[sflag:s4] =	ssyncset.done @!p2 $0x0  }
0x209: {  	s11 =	simm.s32 @!p2 $0x16A00;
	[sflag:s4] =	ssyncadd.s32 @!p2 $0xFFFFE000;
	s4 =	simm.s32 @!p2 $0x40  }
0x20a: {  	[spmem:s3] =	stream.indirect.scatter.add.f32 @!p2 [tilespmem:s11], [sflag:$0x6], $0x80, s8, s4, $0xb8;
	[tilespmem:$0x1F880] =	vst v63  }
0x20b: {  	s8 =	simm.s32 @!p2 $0x6  }
0x20c: {  	_ =	swait.ge @!p2 [sflag:s8], $0x2000  }
0x20d: {  	[sflag:s8] =	ssyncset.done @!p2 $0x0  }
0x20e: {  	[sflag:s8] =	ssyncadd.s32 @!p2 $0xFFFFE000;
	s8 =	simm.s32 @!p2 $0x3  }
0x20f: {  	_ =	swait.ge @!p2 [sflag:s8], $0x80  }
0x210: {  	[sflag:s8] =	ssyncset.done @!p2 $0x0  }
0x211: {  	[sflag:s8] =	ssyncadd.s32 @!p2 $0xFFFFFF80  }
0x212: {  	_ =	swait.ge @!p2 [sflag:s8], $0x80  }
0x213: {  	[sflag:s8] =	ssyncset.done @!p2 $0x0  }
0x214: {  	[sflag:s8] =	ssyncadd.s32 @!p2 $0xFFFFFF80  }
0x215: {  	v7 =	vld @!p2 [tilespmem:$0x16800]  }
0x216: {  	v8 =	vld @!p2 [tilespmem:$0x16880]  }
0x217: {  	v9 =	vld @!p2 [tilespmem:$0x16810];
	_ =	sdelay $0x1  }
0x218: {  	v10 =	vld @!p2 [tilespmem:$0x16890]  }
0x219: {  	v11 =	vld @!p2 [tilespmem:$0x16820]  }
0x21a: {  	v12 =	vld @!p2 [tilespmem:$0x168A0];
	v7 =	vadd.s32 @!p2 v2, v7;
	[tilespmem:$0x16980] =	vst @!p2 v8  }
0x21b: {  	v8 =	vadd.s32 @!p2 v2, v9;
	[tilespmem:$0x16900] =	vst @!p2 v7;
	v7 =	vld @!p2 [tilespmem:$0x16830]  }
0x21c: {  	[tilespmem:$0x16910] =	vst @!p2 v8;
	v8 =	vld @!p2 [tilespmem:$0x168B0];
	_ =	sdelay $0x1  }
0x21d: {  	[tilespmem:$0x16990] =	vst @!p2 v10  }
0x21e: {  	v9 =	vadd.s32 @!p2 v2, v11;
	[tilespmem:$0x169A0] =	vst @!p2 v12  }
0x21f: {  	[tilespmem:$0x16920] =	vst @!p2 v9  }
0x220: {  	v7 =	vadd.s32 @!p2 v2, v7;
	[tilespmem:$0x169B0] =	vst @!p2 v8  }
0x221: {  	s8 =	simm.s32 @!p2 $0x16900;
	[tilespmem:$0x16930] =	vst @!p2 v7  }
0x222: {  	[tilespmem:s11], [sflag:$0x1] =	stream.indirect.gather @!p2 [hbm4b:s2+s4], $0x80, s8, s4, $0xb8;
	[tilespmem:$0x1F880] =	vst v63  }
0x223: {  	_ =	swait.ge [sflag:s30], $0x2000  }
0x224: {  	[sflag:s30] =	ssyncset.done $0x0  }
.Ltmp14:
0x225: {  	[sflag:s30] =	ssyncadd.s32 $0xFFFFE000;
	(pc) =	sbr.rel @p2 .LBB2_21-.Ltmp14, $4  }
0x226: {  	[spmem:s3] =	stream.indirect.scatter.add.f32 [tilespmem:s15], [sflag:$0x6], $0x80, s16, s14, $0xb8;
	[tilespmem:$0x1F880] =	vst v63  }
0x227: {  	_ =	swait.ge [sflag:s22], $0x2000  }
0x228: {  	[sflag:s22] =	ssyncset.done $0x0  }
0x229: {  	[sflag:s22] =	ssyncadd.s32 $0xFFFFE000  }
0x22a: {  	v7 =	vld [tilespmem:$0x16840]  }
0x22b: {  	v8 =	vld [tilespmem:$0x168C0]  }
0x22c: {  	v9 =	vld [tilespmem:$0x16850];
	_ =	sdelay $0x1  }
0x22d: {  	v10 =	vld [tilespmem:$0x168D0]  }
0x22e: {  	v11 =	vld [tilespmem:$0x16860]  }
0x22f: {  	v12 =	vld [tilespmem:$0x168E0];
	v7 =	vadd.s32 v2, v7;
	[tilespmem:$0x169C0] =	vst v8  }
0x230: {  	v8 =	vadd.s32 v2, v9;
	[tilespmem:$0x16940] =	vst v7;
	v7 =	vld [tilespmem:$0x16870]  }
0x231: {  	[tilespmem:$0x16950] =	vst v8;
	v8 =	vld [tilespmem:$0x168F0];
	_ =	sdelay $0x1  }
.Ltmp15:
0x232: {  	[tilespmem:$0x169D0] =	vst v10;
	(pc) =	sbr.rel .LBB2_19-.Ltmp15, $4  }
0x233: {  	v63 =	vadd.s32 v2, v11;
	[tilespmem:$0x169E0] =	vst v12  }
0x234: {  	[tilespmem:$0x16960] =	vst v63  }
0x235: {  	v7 =	vadd.s32 v2, v7;
	[tilespmem:$0x169F0] =	vst v8  }
0x236: {  	s5 =	sadd.s32 $0x10, s5;
	[tilespmem:$0x16970] =	vst v7  }
.LBB2_21:
.Ltmp16:
0x237: {  	(pc) =	sbr.rel .LBB2_22-.Ltmp16, $3  }
0x238: {  	_ =	sdelay $0x1  }
0x239: {  	[bflag:$0x0] =	sbarrier.arrive $0xFFFF  }
0x23a: {  	s8 =	simm.s32 $0x0;
	s16 =	simm.s32 $0x0  }
.LBB2_25:
0x23b: {  	v19 =	vld [tilespmem:s5+$0x1BA60];
	[tilespmem:s13+$0x1AA70] =	vst v18  }
0x23c: {  	v18 =	vld [tilespmem:s5+$0x1BA70]  }
0x23d: {  	v20 =	vld [tilespmem:s5+$0x1AA70]  }
0x23e: {  	v21 =	vld [tilespmem:s5+$0x1AA60]  }
0x23f: {  	v17 =	vld.idx.msk [tilespmem:v17+s1+$0x0], $0xffff  }
0x240: {  	v22 =	vld [tilespmem:s5+$0x1AA20]  }
0x241: {  	v23 =	vld [tilespmem:s5+$0x1AA00]  }
0x242: {  	v24 =	vld [tilespmem:s5+$0x1AA10]  }
0x243: {  	v25 =	vld [tilespmem:s5+$0x1AA40]  }
0x244: {  	v26 =	vld [tilespmem:s5+$0x1AA30]  }
0x245: {  	v48 =	vld [tilespmem:s5+$0x1AA50];
	v27 =	vmul.f32 $5.000000000e-01, v17  }
0x246: {  	v19 =	vadd.f32 v19, v21;
	v18 =	vadd.f32 v18, v20  }
0x247: {  	v49 =	vld [tilespmem:s5+$0x1CA40];
	v11 =	vadd.f32 v11, v23;
	v15 =	vadd.f32 v15, v22;
	v17 =	vmul.f32 v27, v17  }
0x248: {  	v52 =	vld [tilespmem:s5+$0x1CA70];
	v12 =	vadd.f32 v12, v24;
	v16 =	vadd.f32 v16, v25  }
0x249: {  	v13 =	vadd.f32 v13, v26;
	v7 =	vmul.f32 v7, v27;
	v11 =	vmul.f32 v11, v17  }
0x24a: {  	v50 =	vld [tilespmem:s5+$0x1CA50];
	v53 =	vadd.f32 v14, v48;
	v9 =	vmul.f32 v9, v27;
	v12 =	vmul.f32 v12, v17  }
0x24b: {  	v51 =	vld [tilespmem:s5+$0x1CA60];
	v8 =	vmul.f32 v8, v27;
	v15 =	vmul.f32 v15, v17;
	v7 =	vadd.f32 v7, v11  }
0x24c: {  	v55 =	vmul.f32 v49, v27;
	v54 =	vmul.f32 v16, v17;
	v9 =	vadd.f32 v9, v12  }
0x24d: {  	v62 =	vmul.f32 v52, v27;
	v61 =	vmul.f32 v18, v17;
	v8 =	vadd.f32 v8, v15;
	[tilespmem:s5+$0x1AA00] =	vst v7  }
0x24e: {  	v10 =	vmul.f32 v10, v27;
	v13 =	vmul.f32 v13, v17;
	v58 =	vadd.f32 v55, v54;
	[tilespmem:s5+$0x1AA10] =	vst v9  }
0x24f: {  	v57 =	vmul.f32 v50, v27;
	v56 =	vmul.f32 v53, v17;
	v63 =	vadd.f32 v62, v61;
	[tilespmem:s5+$0x1AA20] =	vst v8  }
0x250: {  	v60 =	vmul.f32 v51, v27;
	v59 =	vmul.f32 v19, v17;
	v7 =	vadd.f32 v10, v13;
	[tilespmem:s5+$0x1AA40] =	vst v58  }
0x251: {  	v8 =	vadd.f32 v57, v56;
	[tilespmem:s5+$0x1AA70] =	vst v63  }
0x252: {  	[tilespmem:s5+$0x1AA30] =	vst v7;
	v7 =	vadd.f32 v60, v59  }
0x253: {  	[tilespmem:s5+$0x1AA50] =	vst v8  }
0x254: {  	s4 =	simm.s32 $0x1AA00;
	[tilespmem:s5+$0x1AA60] =	vst v7  }
0x255: {  	[hbm4b:s18+s6] =	stream.linear.scatter [tilespmem:s4], [sflag:$0x4], $0x1000, $0x38;
	[tilespmem:$0x1F880] =	vst v63  }
.LBB2_26:
0x256: {  	s16 =	sadd.s32 $0x1, s16  }
0x257: {  	p2 =	sne.s32 s16, $0x14  }
.Ltmp17:
0x258: {  	_ = 	snop;
	(pc) =	sbr.rel @!p2 .LBB2_27-.Ltmp17, $3  }
0x259: {  	_ =	sdelay $0x1  }
0x25a: {  	[spmem:s23] =	stream.linear.scatter [tilespmem:s21], [sflag:$0x5], $0x1000, $0x38;
	[tilespmem:$0x1F880] =	vst v63  }
0x25b: {  	s8 =	sadd.s32 $0x20, s8  }
.LBB2_22:
0x25c: {  	s4 =	sshll.u32 s16, $0x5  }
0x25d: {  	p2 =	seq.s32 s16, $0x0;
	s4 =	sadd.s32 s7, s4  }
0x25e: {  	p3 =	sgt.u32 @!p2 s4, $0x272F  }
0x25f: {  	p2 =	por p3, p2  }
0x260: {  	s11 =	sshll.u32 s4, $0x7;
	s5 =	simm.s32 @!p2 $0x4  }
0x261: {  	s11 =	sand.u32 $0x3FFFFF80, s11;
	_ =	swait.ge @!p2 [sflag:s5], $0x1000  }
0x262: {  	s13 =	sadd.s32 s10, s4;
	s23 =	sadd.s32 s11, s3;
	[sflag:s5] =	ssyncset.done @!p2 $0x0  }
0x263: {  	s11 =	simm.s32 $0x1AA00;
	[sflag:s5] =	ssyncadd.s32 @!p2 $0xFFFFF000;
	p2 =	sgt.u32 s4, $0x26F0  }
0x264: {  	[tilespmem:s11], [sflag:$0x1] =	stream.linear.gather [spmem:s23], $0x1000, $0x38;
	[tilespmem:$0x1F880] =	vst v63  }
0x265: {  	s13 =	sshll.u32 s13, $0x4;
	p3 =	sne.s32 @p2 s4, $0x2700  }
0x266: {  	s17 =	simm.s32 $0x1BA00;
	s18 =	sadd.s32 s2, s13;
	p4 =	por p3, !p2  }
0x267: {  	[tilespmem:s17], [sflag:$0x2] =	stream.linear.gather [hbm4b:s18+s6], $0x1000, $0x38;
	[tilespmem:$0x1F880] =	vst v63  }
0x268: {  	s5 =	simm.s32 @!p4 $0x80;
	s11 =	simm.s32 @!p4 $0x100;
	s13 =	simm.s32 @!p4 $0x1CA00  }
0x269: {  	[tilespmem:s13], [sflag:$0x3] =	stream.strided.gather @!p4 [hbm4b:s12+s5], $0x800, s11, s5, $0x38;
	[tilespmem:$0x1F880] =	vst v63  }
0x26a: {  	s5 =	sshll.u32 @!p2 s4, $0x8  }
0x26b: {  	s5 =	sor.u32 @!p2 s9, s5  }
0x26c: {  	s17 =	simm.s32 @!p2 $0x1CA00;
	s11 =	rddreg [dreg:$0x0];
	s5 =	sshrl.u32 @!p2 s5, $0x3  }
0x26d: {  	s13 =	simm.s32 @!p2 $0x100;
	s5 =	sadd.s32 @!p2 s11, s5;
	s11 =	simm.s32 @!p2 $0x80  }
0x26e: {  	[tilespmem:s17], [sflag:$0x3] =	stream.strided.gather @!p2 [hbm4b:s5+s11], $0x1000, s13, s11, $0x38;
	[tilespmem:$0x1F880] =	vst v63  }
0x26f: {  	_ =	swait.ge [sflag:s29], $0x1000  }
0x270: {  	[sflag:s29] =	ssyncset.done $0x0  }
0x271: {  	[sflag:s29] =	ssyncadd.s32 $0xFFFFF000  }
0x272: {  	_ =	swait.ge [sflag:s30], $0x1000  }
0x273: {  	[sflag:s30] =	ssyncset.done $0x0  }
0x274: {  	p5 =	por @p2 $0x0, $0x0;
	s5 =	simm.s32 @!p2 $0x3;
	[sflag:s30] =	ssyncadd.s32 $0xFFFFF000  }
0x275: {  	p3 =	por !p3, !p2;
	p4 =	por @!p4 $0x1, $0x1;
	_ =	swait.ge @!p2 [sflag:s5], $0x1000  }
0x276: {  	p4 =	por @!p3 p5, p5;
	p3 =	por @!p2 $0x0, $0x0;
	[sflag:s5] =	ssyncset.done @!p2 $0x0  }
0x277: {  	p4 =	por @!p2 p3, p3;
	[sflag:s5] =	ssyncadd.s32 @!p2 $0xFFFFF000;
	p2 =	sgt.u32 s4, $0x270F  }
.Ltmp18:
0x278: {  	_ = 	snop;
	(pc) =	sbr.rel @p2 .LBB2_26-.Ltmp18, $4  }
0x279: {  	s5 =	simm.s32 @p4 $0x3  }
0x27a: {  	_ =	swait.ge @p4 [sflag:s5], $0x800  }
0x27b: {  	[sflag:s5] =	ssyncset.done @p4 $0x0  }
0x27c: {  	[sflag:s5] =	ssyncadd.s32 @p4 $0xFFFFF800  }
0x27d: {  	s13 =	simm.s32 $0x0  }
0x27e: {  	v8 =	vld [tilespmem:s13+$0x1CA00]  }
0x27f: {  	v10 =	vld [tilespmem:s13+$0x1CA10]  }
0x280: {  	v11 =	vld [tilespmem:s13+$0x1CA20]  }
0x281: {  	v12 =	vld [tilespmem:s13+$0x1CA30]  }
0x282: {  	v9 =	vld [tilespmem:s13+$0x1BA00]  }
0x283: {  	v13 =	vld [tilespmem:s13+$0x1BA10]  }
0x284: {  	v14 =	vld [tilespmem:s13+$0x1BA20]  }
0x285: {  	v15 =	vld [tilespmem:s13+$0x1BA30]  }
0x286: {  	v16 =	vld [tilespmem:s13+$0x1BA40]  }
0x287: {  	v17 =	vld [tilespmem:s13+$0x1BA50]  }
0x288: {  	v7 =	vmov s8;
	v18 =	vld [tilespmem:s13+$0x1BA60]  }
0x289: {  	v19 =	vld [tilespmem:s13+$0x1BA70]  }
0x28a: {  	v20 =	vld [tilespmem:s13+$0x1AA70]  }
0x28b: {  	v21 =	vld [tilespmem:s13+$0x1AA60]  }
0x28c: {  	v23 =	vld [tilespmem:s13+$0x1AA40]  }
0x28d: {  	v22 =	vld.idx.msk [tilespmem:v7+s1+$0x0], $0xffff  }
0x28e: {  	v24 =	vld [tilespmem:s13+$0x1AA20]  }
0x28f: {  	v25 =	vld [tilespmem:s13+$0x1AA00]  }
0x290: {  	v26 =	vld [tilespmem:s13+$0x1AA10]  }
0x291: {  	v27 =	vld [tilespmem:s13+$0x1AA30]  }
0x292: {  	v28 =	vld [tilespmem:s13+$0x1AA50];
	v29 =	vmul.f32 $5.000000000e-01, v22  }
0x293: {  	v30 =	vld [tilespmem:s13+$0x1CA40]  }
0x294: {  	v58 =	vld [tilespmem:s13+$0x1CA50];
	v9 =	vadd.f32 v9, v25;
	v22 =	vmul.f32 v29, v22  }
0x295: {  	v31 =	vld [tilespmem:s13+$0x1CA60];
	v13 =	vadd.f32 v13, v26  }
0x296: {  	s5 =	simm.s32 $0x80;
	v32 =	vld [tilespmem:s13+$0x1CA70];
	v14 =	vadd.f32 v14, v24;
	v8 =	vmul.f32 v8, v29;
	v59 =	vmul.f32 v9, v22  }
0x297: {  	v7 =	vld [tilespmem:s5+$0x1CA00];
	v15 =	vadd.f32 v15, v27;
	v60 =	vmul.f32 v10, v29;
	v13 =	vmul.f32 v13, v22  }
0x298: {  	v10 =	vld [tilespmem:s5+$0x1CA30];
	v61 =	vmul.f32 v11, v29;
	v14 =	vmul.f32 v14, v22;
	v26 =	vadd.f32 v8, v59  }
0x299: {  	v16 =	vadd.f32 v16, v23;
	v9 =	vld [tilespmem:s5+$0x1CA10];
	v13 =	vadd.f32 v60, v13  }
0x29a: {  	v62 =	vmul.f32 v12, v29;
	v15 =	vmul.f32 v15, v22;
	v8 =	vld [tilespmem:s5+$0x1CA20];
	v14 =	vadd.f32 v61, v14;
	[tilespmem:s13+$0x1AA00] =	vst v26  }
0x29b: {  	v16 =	vmul.f32 v16, v22;
	v11 =	vld [tilespmem:s5+$0x1BA00];
	[tilespmem:s13+$0x1AA10] =	vst v13;
	v13 =	vadd.f32 v17, v28;
	v17 =	vmul.f32 v30, v29  }
0x29c: {  	v63 =	vmul.f32 v58, v29;
	v23 =	vadd.f32 v62, v15;
	v12 =	vld [tilespmem:s5+$0x1BA10];
	[tilespmem:s13+$0x1AA20] =	vst v14;
	v14 =	vadd.f32 v18, v21  }
0x29d: {  	v18 =	vmul.f32 v13, v22;
	v16 =	vadd.f32 v17, v16;
	v17 =	vadd.f32 v19, v20  }
0x29e: {  	v19 =	vmul.f32 v31, v29;
	v14 =	vmul.f32 v14, v22  }
0x29f: {  	v15 =	vld [tilespmem:s5+$0x1BA20];
	[tilespmem:s13+$0x1AA30] =	vst v23;
	v20 =	vmul.f32 v32, v29;
	v18 =	vadd.f32 v63, v18;
	v17 =	vmul.f32 v17, v22  }
0x2a0: {  	v13 =	vld [tilespmem:s5+$0x1BA30];
	[tilespmem:s13+$0x1AA40] =	vst v16;
	v19 =	vadd.f32 v19, v14  }
0x2a1: {  	s11 =	sadd.s32 $0x1, s8;
	v16 =	vld [tilespmem:s5+$0x1BA40];
	[tilespmem:s13+$0x1AA50] =	vst v18;
	v18 =	vadd.f32 v20, v17  }
0x2a2: {  	s4 =	simm.s32 $0x400;
	v17 =	vmov s11;
	v14 =	vld [tilespmem:s5+$0x1BA50];
	[tilespmem:s13+$0x1AA60] =	vst v19  }
.LBB2_24:
0x2a3: {  	p2 =	sne.s32 s4, $0x3E00;
	v19 =	vld [tilespmem:s5+$0x1BA60];
	[tilespmem:s13+$0x1AA70] =	vst v18;
	s13 =	smov.u32 s5  }
0x2a4: {  	v18 =	vld [tilespmem:s13+$0x1BA70]  }
0x2a5: {  	v20 =	vld [tilespmem:s13+$0x1AA70]  }
0x2a6: {  	v21 =	vld [tilespmem:s13+$0x1AA60]  }
0x2a7: {  	v17 =	vld.idx.msk [tilespmem:v17+s1+$0x0], $0xffff  }
0x2a8: {  	v22 =	vld [tilespmem:s13+$0x1AA40]  }
0x2a9: {  	v23 =	vld [tilespmem:s13+$0x1AA20]  }
0x2aa: {  	v24 =	vld [tilespmem:s13+$0x1AA00]  }
0x2ab: {  	v25 =	vld [tilespmem:s13+$0x1AA10]  }
0x2ac: {  	v26 =	vld [tilespmem:s13+$0x1AA30]  }
0x2ad: {  	s5 =	sshra.s32 s4, $0x2;
	v18 =	vadd.f32 v18, v20;
	v19 =	vadd.f32 v19, v21;
	v27 =	vmul.f32 $5.000000000e-01, v17;
	v28 =	vld [tilespmem:s13+$0x1AA50]  }
0x2ae: {  	v16 =	vadd.f32 v16, v22;
	v20 =	vld [tilespmem:s5+$0x1CA00];
	v15 =	vadd.f32 v15, v23  }
0x2af: {  	v17 =	vmul.f32 v27, v17;
	v21 =	vmul.f32 v9, v27;
	v11 =	vadd.f32 v11, v24;
	v22 =	vld [tilespmem:s13+$0x1CA40]  }
0x2b0: {  	v23 =	vmul.f32 v10, v27;
	v9 =	vadd.f32 v12, v25;
	v12 =	vmul.f32 v8, v27;
	v24 =	vld [tilespmem:s13+$0x1CA50]  }
0x2b1: {  	v29 =	vmul.f32 v7, v27;
	v8 =	vmul.f32 v11, v17;
	v10 =	vadd.f32 v13, v26;
	v13 =	vld [tilespmem:s13+$0x1CA60]  }
0x2b2: {  	v15 =	vmul.f32 v15, v17;
	v11 =	vmul.f32 v9, v17;
	v14 =	vadd.f32 v14, v28;
	v25 =	vld [tilespmem:s13+$0x1CA70]  }
0x2b3: {  	v16 =	vmul.f32 v16, v17;
	v9 =	vld [tilespmem:s5+$0x1CA10];
	v26 =	vadd.f32 v29, v8;
	v28 =	vmul.f32 v10, v17;
	v7 =	vmovc v20  }
0x2b4: {  	v15 =	vadd.f32 v12, v15;
	v8 =	vld [tilespmem:s5+$0x1CA20];
	v20 =	vadd.f32 v21, v11;
	v12 =	vmul.f32 v22, v27  }
0x2b5: {  	v14 =	vmul.f32 v14, v17;
	v10 =	vld [tilespmem:s5+$0x1CA30];
	[tilespmem:s13+$0x1AA00] =	vst v26;
	v21 =	vadd.f32 v23, v28;
	v22 =	vmul.f32 v24, v27  }
0x2b6: {  	v19 =	vmul.f32 v19, v17;
	v11 =	vld [tilespmem:s5+$0x1BA00];
	[tilespmem:s13+$0x1AA10] =	vst v20;
	v16 =	vadd.f32 v12, v16;
	v13 =	vmul.f32 v13, v27  }
.Ltmp19:
0x2b7: {  	v17 =	vmul.f32 v18, v17;
	v12 =	vld [tilespmem:s5+$0x1BA10];
	[tilespmem:s13+$0x1AA20] =	vst v15;
	v14 =	vadd.f32 v22, v14;
	v18 =	vmul.f32 v25, v27;
	(pc) =	sbr.rel @p2 .LBB2_24-.Ltmp19, $4  }
0x2b8: {  	v15 =	vld [tilespmem:s5+$0x1BA20];
	[tilespmem:s13+$0x1AA30] =	vst v21;
	v19 =	vadd.f32 v13, v19  }
0x2b9: {  	v13 =	vld [tilespmem:s5+$0x1BA30];
	[tilespmem:s13+$0x1AA40] =	vst v16;
	v18 =	vadd.f32 v18, v17  }
0x2ba: {  	s11 =	sadd.s32 $0x1, s11;
	v16 =	vld [tilespmem:s5+$0x1BA40];
	[tilespmem:s13+$0x1AA50] =	vst v14  }
0x2bb: {  	s4 =	sadd.s32 $0x200, s4;
	v17 =	vmov s11;
	v14 =	vld [tilespmem:s5+$0x1BA50];
	[tilespmem:s13+$0x1AA60] =	vst v19  }
.Ltmp20:
0x2bc: {  	_ = 	snop;
	(pc) =	sbr.rel .LBB2_25-.Ltmp20, $1  }
0x2bd: {  	_ =	sdelay $0x3  }
.LBB2_28:
0x2be: {  	s5 =	simm.s32 $0x0;
	s4 =	rddreg [dreg:$0xa]  }
0x2bf: {  	[tilespmem:s25], [sflag:$0x6] =	stream.linear.gather [hbm4b:s4+s5], $0x80, $0x38;
	[tilespmem:$0x1F880] =	vst v63  }
0x2c0: {  	_ =	swait.ge [sflag:s22], $0x80  }
0x2c1: {  	[sflag:s22] =	ssyncset.done $0x0  }
0x2c2: {  	s18 =	rddreg [dreg:$0x9];
	[sflag:s22] =	ssyncadd.s32 $0xFFFFFF80  }
0x2c3: {  	[tilespmem:s24], [sflag:$0x6] =	stream.linear.gather [hbm4b:s18+s5], $0x80, $0x38;
	[tilespmem:$0x1F880] =	vst v63  }
0x2c4: {  	_ =	swait.ge [sflag:s22], $0x80  }
0x2c5: {  	[sflag:s22] =	ssyncset.done $0x0  }
0x2c6: {  	[sflag:s22] =	ssyncadd.s32 $0xFFFFFF80  }
0x2c7: {  	v7 =	vld [tilespmem:$0x16800]  }
0x2c8: {  	v8 =	vld [tilespmem:$0x16880]  }
0x2c9: {  	v10 =	vld [tilespmem:$0x16890]  }
0x2ca: {  	v9 =	vld [tilespmem:$0x16810]  }
0x2cb: {  	v12 =	vld [tilespmem:$0x168A0]  }
0x2cc: {  	v57 =	vld [tilespmem:$0x168B0]  }
0x2cd: {  	v59 =	vld [tilespmem:$0x168C0];
	[tilespmem:$0x16980] =	vst v8  }
0x2ce: {  	v61 =	vld [tilespmem:$0x168D0];
	v7 =	vadd.s32 v2, v7;
	[tilespmem:$0x16990] =	vst v10  }
0x2cf: {  	v8 =	vadd.s32 v2, v9;
	[tilespmem:$0x16900] =	vst v7;
	v7 =	vld [tilespmem:$0x16830]  }
0x2d0: {  	[tilespmem:$0x16910] =	vst v8;
	v8 =	vld [tilespmem:$0x16840]  }
0x2d1: {  	v11 =	vld [tilespmem:$0x16820];
	[tilespmem:$0x169A0] =	vst v12  }
0x2d2: {  	v62 =	vld [tilespmem:$0x168E0];
	[tilespmem:$0x169B0] =	vst v57  }
0x2d3: {  	v63 =	vld [tilespmem:$0x168F0];
	[tilespmem:$0x169C0] =	vst v59  }
0x2d4: {  	v60 =	vld [tilespmem:$0x16850];
	[tilespmem:$0x169D0] =	vst v61;
	v7 =	vadd.s32 v2, v7  }
0x2d5: {  	v8 =	vadd.s32 v2, v8;
	[tilespmem:$0x16930] =	vst v7;
	v7 =	vld [tilespmem:$0x16860]  }
0x2d6: {  	[tilespmem:$0x16940] =	vst v8;
	v8 =	vld [tilespmem:$0x16870]  }
0x2d7: {  	[tilespmem:$0x169E0] =	vst v62  }
0x2d8: {  	v58 =	vadd.s32 v2, v11;
	[tilespmem:$0x169F0] =	vst v63  }
0x2d9: {  	v10 =	vadd.s32 v2, v60;
	[tilespmem:$0x16920] =	vst v58  }
0x2da: {  	[tilespmem:$0x16950] =	vst v10;
	v7 =	vadd.s32 v2, v7  }
0x2db: {  	s23 =	simm.s32 $0x16900;
	[tilespmem:$0x16960] =	vst v7;
	v7 =	vadd.s32 v2, v8  }
0x2dc: {  	s8 =	simm.s32 $0x16A00;
	s13 =	simm.s32 $0x16940;
	s16 =	simm.s32 $0x169C0;
	[tilespmem:$0x16970] =	vst v7  }
0x2dd: {  	[tilespmem:s8], [sflag:$0x1] =	stream.indirect.gather [hbm4b:s2+s14], $0x80, s23, s14, $0xb8;
	[tilespmem:$0x1F880] =	vst v63  }
.LBB2_29:
0x2de: {  	[tilespmem:s15], [sflag:$0x2] =	stream.indirect.gather [hbm4b:s2+s14], $0x80, s13, s14, $0xb8;
	[tilespmem:$0x1F880] =	vst v63  }
0x2df: {  	p1 =	seq.s32 s5, $0x4F0  }
0x2e0: {  	s4 =	simm.s32 @p1 $0x1  }
0x2e1: {  	_ =	swait.ge @p1 [sflag:s4], $0x2000  }
0x2e2: {  	s8 =	simm.s32 @p1 $0x16980;
	[sflag:s4] =	ssyncset.done @p1 $0x0  }
0x2e3: {  	s11 =	simm.s32 @p1 $0x16A00;
	[sflag:s4] =	ssyncadd.s32 @p1 $0xFFFFE000;
	s4 =	simm.s32 @p1 $0x40  }
0x2e4: {  	[spmem:s3] =	stream.indirect.scatter.add.f32 @p1 [tilespmem:s11], [sflag:$0x6], $0x80, s8, s4, $0xb8;
	[tilespmem:$0x1F880] =	vst v63  }
0x2e5: {  	s4 =	simm.s32 @p1 $0x6  }
0x2e6: {  	_ =	swait.ge @p1 [sflag:s4], $0x2000  }
0x2e7: {  	s8 =	simm.s32 @!p1 $0x0;
	[sflag:s4] =	ssyncset.done @p1 $0x0  }
0x2e8: {  	s11 =	simm.s32 @!p1 $0x16800;
	[sflag:s4] =	ssyncadd.s32 @p1 $0xFFFFE000;
	s4 =	sadd.s32 @!p1 s5, s20  }
0x2e9: {  	[tilespmem:s11], [sflag:$0x3] =	stream.linear.gather @!p1 [hbm4b:s4+s8], $0x80, $0x38;
	[tilespmem:$0x1F880] =	vst v63  }
0x2ea: {  	s4 =	sadd.s32 @!p1 s5, s19;
	s11 =	simm.s32 @!p1 $0x16880  }
0x2eb: {  	[tilespmem:s11], [sflag:$0x3] =	stream.linear.gather @!p1 [hbm4b:s4+s8], $0x80, $0x38;
	[tilespmem:$0x1F880] =	vst v63  }
0x2ec: {  	s4 =	simm.s32 @!p1 $0x1  }
0x2ed: {  	_ =	swait.ge @!p1 [sflag:s4], $0x2000  }
0x2ee: {  	s8 =	simm.s32 @!p1 $0x16980;
	[sflag:s4] =	ssyncset.done @!p1 $0x0  }
0x2ef: {  	s11 =	simm.s32 @!p1 $0x16A00;
	[sflag:s4] =	ssyncadd.s32 @!p1 $0xFFFFE000;
	s4 =	simm.s32 @!p1 $0x40  }
0x2f0: {  	[spmem:s3] =	stream.indirect.scatter.add.f32 @!p1 [tilespmem:s11], [sflag:$0x6], $0x80, s8, s4, $0xb8;
	[tilespmem:$0x1F880] =	vst v63  }
0x2f1: {  	s8 =	simm.s32 @!p1 $0x6  }
0x2f2: {  	_ =	swait.ge @!p1 [sflag:s8], $0x2000  }
0x2f3: {  	[sflag:s8] =	ssyncset.done @!p1 $0x0  }
0x2f4: {  	[sflag:s8] =	ssyncadd.s32 @!p1 $0xFFFFE000;
	s8 =	simm.s32 @!p1 $0x3  }
0x2f5: {  	_ =	swait.ge @!p1 [sflag:s8], $0x80  }
0x2f6: {  	[sflag:s8] =	ssyncset.done @!p1 $0x0  }
0x2f7: {  	[sflag:s8] =	ssyncadd.s32 @!p1 $0xFFFFFF80  }
0x2f8: {  	_ =	swait.ge @!p1 [sflag:s8], $0x80  }
0x2f9: {  	[sflag:s8] =	ssyncset.done @!p1 $0x0  }
0x2fa: {  	[sflag:s8] =	ssyncadd.s32 @!p1 $0xFFFFFF80  }
0x2fb: {  	v7 =	vld @!p1 [tilespmem:$0x16800]  }
0x2fc: {  	v8 =	vld @!p1 [tilespmem:$0x16880]  }
0x2fd: {  	v9 =	vld @!p1 [tilespmem:$0x16810];
	_ =	sdelay $0x1  }
0x2fe: {  	v10 =	vld @!p1 [tilespmem:$0x16890]  }
0x2ff: {  	v11 =	vld @!p1 [tilespmem:$0x16820]  }
0x300: {  	v12 =	vld @!p1 [tilespmem:$0x168A0];
	v7 =	vadd.s32 @!p1 v2, v7;
	[tilespmem:$0x16980] =	vst @!p1 v8  }
0x301: {  	v8 =	vadd.s32 @!p1 v2, v9;
	[tilespmem:$0x16900] =	vst @!p1 v7;
	v7 =	vld @!p1 [tilespmem:$0x16830]  }
0x302: {  	[tilespmem:$0x16910] =	vst @!p1 v8;
	v8 =	vld @!p1 [tilespmem:$0x168B0];
	_ =	sdelay $0x1  }
0x303: {  	[tilespmem:$0x16990] =	vst @!p1 v10  }
0x304: {  	v9 =	vadd.s32 @!p1 v2, v11;
	[tilespmem:$0x169A0] =	vst @!p1 v12  }
0x305: {  	[tilespmem:$0x16920] =	vst @!p1 v9  }
0x306: {  	v7 =	vadd.s32 @!p1 v2, v7;
	[tilespmem:$0x169B0] =	vst @!p1 v8  }
0x307: {  	s8 =	simm.s32 @!p1 $0x16900;
	[tilespmem:$0x16930] =	vst @!p1 v7  }
0x308: {  	[tilespmem:s11], [sflag:$0x1] =	stream.indirect.gather @!p1 [hbm4b:s2+s4], $0x80, s8, s4, $0xb8;
	[tilespmem:$0x1F880] =	vst v63  }
0x309: {  	_ =	swait.ge [sflag:s30], $0x2000  }
0x30a: {  	[sflag:s30] =	ssyncset.done $0x0  }
.Ltmp21:
0x30b: {  	[sflag:s30] =	ssyncadd.s32 $0xFFFFE000;
	(pc) =	sbr.rel @p1 .LBB2_31-.Ltmp21, $4  }
0x30c: {  	[spmem:s3] =	stream.indirect.scatter.add.f32 [tilespmem:s15], [sflag:$0x6], $0x80, s16, s14, $0xb8;
	[tilespmem:$0x1F880] =	vst v63  }
0x30d: {  	_ =	swait.ge [sflag:s22], $0x2000  }
0x30e: {  	[sflag:s22] =	ssyncset.done $0x0  }
0x30f: {  	[sflag:s22] =	ssyncadd.s32 $0xFFFFE000  }
0x310: {  	v7 =	vld [tilespmem:$0x16840]  }
0x311: {  	v8 =	vld [tilespmem:$0x168C0]  }
0x312: {  	v9 =	vld [tilespmem:$0x16850];
	_ =	sdelay $0x1  }
0x313: {  	v10 =	vld [tilespmem:$0x168D0]  }
0x314: {  	v11 =	vld [tilespmem:$0x16860]  }
0x315: {  	v12 =	vld [tilespmem:$0x168E0];
	v7 =	vadd.s32 v2, v7;
	[tilespmem:$0x169C0] =	vst v8  }
0x316: {  	v8 =	vadd.s32 v2, v9;
	[tilespmem:$0x16940] =	vst v7;
	v7 =	vld [tilespmem:$0x16870]  }
0x317: {  	[tilespmem:$0x16950] =	vst v8;
	v8 =	vld [tilespmem:$0x168F0];
	_ =	sdelay $0x1  }
.Ltmp22:
0x318: {  	[tilespmem:$0x169D0] =	vst v10;
	(pc) =	sbr.rel .LBB2_29-.Ltmp22, $4  }
0x319: {  	v63 =	vadd.s32 v2, v11;
	[tilespmem:$0x169E0] =	vst v12  }
0x31a: {  	[tilespmem:$0x16960] =	vst v63  }
0x31b: {  	v7 =	vadd.s32 v2, v7;
	[tilespmem:$0x169F0] =	vst v8  }
0x31c: {  	s5 =	sadd.s32 $0x10, s5;
	[tilespmem:$0x16970] =	vst v7  }
.LBB2_31:
.Ltmp23:
0x31d: {  	(pc) =	sbr.rel .LBB2_32-.Ltmp23, $3  }
0x31e: {  	_ =	sdelay $0x1  }
0x31f: {  	[bflag:$0x0] =	sbarrier.arrive $0xFFFF  }
0x320: {  	s8 =	simm.s32 $0x0;
	s16 =	simm.s32 $0x0  }
.LBB2_36:
0x321: {  	s16 =	sadd.s32 $0x1, s16  }
0x322: {  	p1 =	sne.s32 s16, $0x14  }
.Ltmp24:
0x323: {  	_ = 	snop;
	(pc) =	sbr.rel @!p1 .LBB2_37-.Ltmp24, $2  }
0x324: {  	_ =	sdelay $0x2  }
0x325: {  	s8 =	sadd.s32 $0x20, s8  }
.LBB2_32:
0x326: {  	s4 =	sshll.u32 s16, $0x5  }
0x327: {  	p1 =	seq.s32 s16, $0x0;
	s18 =	sadd.s32 s7, s4  }
0x328: {  	p2 =	sgt.u32 @!p1 s18, $0x272F  }
0x329: {  	p1 =	por p2, p1  }
0x32a: {  	s4 =	simm.s32 @!p1 $0x4  }
0x32b: {  	s13 =	simm.s32 $0x1AA00;
	s5 =	sshll.u32 s18, $0x7;
	_ =	swait.ge @!p1 [sflag:s4], $0x1000  }
0x32c: {  	s11 =	sadd.s32 s10, s18;
	s5 =	sand.u32 $0x3FFFFF80, s5;
	[sflag:s4] =	ssyncset.done @!p1 $0x0  }
0x32d: {  	s5 =	sadd.s32 s5, s3;
	[sflag:s4] =	ssyncadd.s32 @!p1 $0xFFFFF000;
	p1 =	sgt.u32 s18, $0x26F0  }
0x32e: {  	[tilespmem:s13], [sflag:$0x1] =	stream.linear.gather [spmem:s5], $0x1000, $0x38;
	[tilespmem:$0x1F880] =	vst v63  }
0x32f: {  	s17 =	sshll.u32 s11, $0x4;
	p2 =	sne.s32 @p1 s18, $0x2700  }
0x330: {  	s23 =	simm.s32 $0x1BA00;
	s4 =	sadd.s32 s2, s17;
	p3 =	por p2, !p1  }
0x331: {  	[tilespmem:s23], [sflag:$0x2] =	stream.linear.gather [hbm4b:s4+s6], $0x1000, $0x38;
	[tilespmem:$0x1F880] =	vst v63  }
0x332: {  	s4 =	simm.s32 @!p3 $0x80;
	s5 =	simm.s32 @!p3 $0x100;
	s11 =	simm.s32 @!p3 $0x1CA00  }
0x333: {  	[tilespmem:s11], [sflag:$0x3] =	stream.strided.gather @!p3 [hbm4b:s12+s4], $0x800, s5, s4, $0x38;
	[tilespmem:$0x1F880] =	vst v63  }
0x334: {  	s4 =	sshll.u32 @!p1 s18, $0x8  }
0x335: {  	s4 =	sor.u32 @!p1 s9, s4  }
0x336: {  	s13 =	simm.s32 @!p1 $0x1CA00;
	s5 =	rddreg [dreg:$0x0];
	s4 =	sshrl.u32 @!p1 s4, $0x3  }
0x337: {  	s11 =	simm.s32 @!p1 $0x100;
	s4 =	sadd.s32 @!p1 s5, s4;
	s5 =	simm.s32 @!p1 $0x80  }
0x338: {  	[tilespmem:s13], [sflag:$0x3] =	stream.strided.gather @!p1 [hbm4b:s4+s5], $0x1000, s11, s5, $0x38;
	[tilespmem:$0x1F880] =	vst v63  }
0x339: {  	_ =	swait.ge [sflag:s29], $0x1000  }
0x33a: {  	[sflag:s29] =	ssyncset.done $0x0  }
0x33b: {  	[sflag:s29] =	ssyncadd.s32 $0xFFFFF000  }
0x33c: {  	_ =	swait.ge [sflag:s30], $0x1000  }
0x33d: {  	[sflag:s30] =	ssyncset.done $0x0  }
0x33e: {  	p4 =	por @p1 $0x0, $0x0;
	s4 =	simm.s32 @!p1 $0x3;
	[sflag:s30] =	ssyncadd.s32 $0xFFFFF000  }
0x33f: {  	p2 =	por !p2, !p1;
	p3 =	por @!p3 $0x1, $0x1;
	_ =	swait.ge @!p1 [sflag:s4], $0x1000  }
0x340: {  	p3 =	por @!p2 p4, p4;
	p2 =	por @!p1 $0x0, $0x0;
	[sflag:s4] =	ssyncset.done @!p1 $0x0  }
0x341: {  	p3 =	por @!p1 p2, p2;
	[sflag:s4] =	ssyncadd.s32 @!p1 $0xFFFFF000;
	p1 =	sgt.u32 s18, $0x270F  }
.Ltmp25:
0x342: {  	_ = 	snop;
	(pc) =	sbr.rel @p1 .LBB2_36-.Ltmp25, $4  }
0x343: {  	s4 =	simm.s32 @p3 $0x3  }
0x344: {  	_ =	swait.ge @p3 [sflag:s4], $0x800  }
0x345: {  	[sflag:s4] =	ssyncset.done @p3 $0x0  }
0x346: {  	[sflag:s4] =	ssyncadd.s32 @p3 $0xFFFFF800  }
0x347: {  	s5 =	simm.s32 $0x0  }
0x348: {  	v8 =	vld [tilespmem:s5+$0x1CA00]  }
0x349: {  	v9 =	vld [tilespmem:s5+$0x1CA10]  }
0x34a: {  	v10 =	vld [tilespmem:s5+$0x1CA20]  }
0x34b: {  	v11 =	vld [tilespmem:s5+$0x1CA30]  }
0x34c: {  	v12 =	vld [tilespmem:s5+$0x1CA40]  }
0x34d: {  	v14 =	vld [tilespmem:s5+$0x1CA50]  }
0x34e: {  	v13 =	vld [tilespmem:s5+$0x1CA60]  }
0x34f: {  	v7 =	vld [tilespmem:s5+$0x1CA70]  }
0x350: {  	v16 =	vld [tilespmem:s5+$0x1BA00]  }
0x351: {  	v17 =	vld [tilespmem:s5+$0x1BA10]  }
0x352: {  	v19 =	vld [tilespmem:s5+$0x1BA20]  }
0x353: {  	v20 =	vld [tilespmem:s5+$0x1BA30]  }
0x354: {  	v18 =	vld [tilespmem:s5+$0x1BA40]  }
0x355: {  	v15 =	vld [tilespmem:s5+$0x1BA50]  }
0x356: {  	v21 =	vld [tilespmem:s5+$0x1BA60]  }
0x357: {  	v23 =	vmov s8;
	s13 =	simm.s32 $0x200;
	s23 =	smov.u32 s8;
	v22 =	vld [tilespmem:s5+$0x1BA70]  }
.LBB2_34:
0x358: {  	p1 =	sne.s32 s13, $0x3E00;
	v24 =	vld [tilespmem:s5+$0x1AA70]  }
0x359: {  	v25 =	vld [tilespmem:s5+$0x1AA60]  }
0x35a: {  	v26 =	vld [tilespmem:s5+$0x1AA30]  }
0x35b: {  	v27 =	vld [tilespmem:s5+$0x1AA10]  }
0x35c: {  	v23 =	vld.idx.msk [tilespmem:v23+s1+$0x0], $0xffff  }
0x35d: {  	v28 =	vld [tilespmem:s5+$0x1AA00]  }
0x35e: {  	v29 =	vmul.f32 $5.000000000e-01, v8;
	v30 =	vmul.f32 $5.000000000e-01, v9;
	v31 =	vld [tilespmem:s5+$0x1AA20]  }
0x35f: {  	v32 =	vmul.f32 $5.000000000e-01, v10;
	v33 =	vmul.f32 $5.000000000e-01, v11;
	v34 =	vld [tilespmem:s5+$0x1AA40]  }
0x360: {  	s4 =	sshra.s32 s13, $0x2;
	v35 =	vmul.f32 $5.000000000e-01, v12;
	v37 =	vmul.f32 $5.000000000e-01, v14;
	v36 =	vld [tilespmem:s5+$0x1AA50]  }
0x361: {  	v22 =	vadd.f32 v22, v24;
	v21 =	vadd.f32 v21, v25;
	v25 =	vmul.f32 $5.000000000e-01, v13;
	v8 =	vld [tilespmem:s4+$0x1CA00]  }
0x362: {  	v13 =	vadd.f32 v17, v27;
	v23 =	vmul.f32 $5.000000000e-01, v23;
	v9 =	vld [tilespmem:s4+$0x1CA10];
	v12 =	vadd.f32 v16, v28  }
0x363: {  	v24 =	vmul.f32 $5.000000000e-01, v7;
	v16 =	vadd.f32 v20, v26;
	v10 =	vld [tilespmem:s4+$0x1CA20];
	v14 =	vadd.f32 v19, v31  }
0x364: {  	v13 =	vmul.f32 v13, v23;
	v11 =	vld [tilespmem:s4+$0x1CA30];
	v7 =	vmul.f32 v12, v23;
	v17 =	vadd.f32 v18, v34  }
0x365: {  	v16 =	vmul.f32 v16, v23;
	v12 =	vld [tilespmem:s4+$0x1CA40];
	v18 =	vmul.f32 v14, v23;
	v15 =	vadd.f32 v15, v36  }
0x366: {  	v20 =	vadd.f32 v30, v13;
	v14 =	vld [tilespmem:s4+$0x1CA50];
	v19 =	vadd.f32 v29, v7;
	v17 =	vmul.f32 v17, v23  }
0x367: {  	v26 =	vadd.f32 v33, v16;
	v13 =	vld [tilespmem:s4+$0x1CA60];
	v18 =	vadd.f32 v32, v18;
	v15 =	vmul.f32 v15, v23  }
0x368: {  	v20 =	vmax.f32 v20, $0.0e+00;
	v7 =	vld [tilespmem:s4+$0x1CA70];
	v19 =	vmax.f32 v19, $0.0e+00;
	v27 =	vadd.f32 v35, v17  }
0x369: {  	v26 =	vmax.f32 v26, $0.0e+00;
	v16 =	vld [tilespmem:s4+$0x1BA00];
	[tilespmem:s5+$0x1AA00] =	vst v19;
	v18 =	vmax.f32 v18, $0.0e+00;
	v15 =	vadd.f32 v37, v15  }
0x36a: {  	v21 =	vmul.f32 v21, v23;
	v22 =	vmul.f32 v22, v23;
	v17 =	vld [tilespmem:s4+$0x1BA10];
	[tilespmem:s5+$0x1AA10] =	vst v20;
	v27 =	vmax.f32 v27, $0.0e+00  }
0x36b: {  	v19 =	vld [tilespmem:s4+$0x1BA20];
	[tilespmem:s5+$0x1AA20] =	vst v18;
	v23 =	vmax.f32 v15, $0.0e+00  }
.Ltmp26:
0x36c: {  	v21 =	vadd.f32 v25, v21;
	v22 =	vadd.f32 v24, v22;
	v20 =	vld [tilespmem:s4+$0x1BA30];
	[tilespmem:s5+$0x1AA30] =	vst v26;
	(pc) =	sbr.rel @p1 .LBB2_34-.Ltmp26, $4  }
0x36d: {  	v18 =	vld [tilespmem:s4+$0x1BA40];
	[tilespmem:s5+$0x1AA40] =	vst v27  }
0x36e: {  	v24 =	vmax.f32 v22, $0.0e+00;
	v15 =	vld [tilespmem:s4+$0x1BA50];
	[tilespmem:s5+$0x1AA50] =	vst v23;
	v23 =	vmax.f32 v21, $0.0e+00  }
0x36f: {  	s23 =	sadd.s32 $0x1, s23;
	v21 =	vld [tilespmem:s4+$0x1BA60];
	[tilespmem:s5+$0x1AA60] =	vst v23  }
0x370: {  	s13 =	sadd.s32 $0x200, s13;
	v23 =	vmov s23;
	v22 =	vld [tilespmem:s4+$0x1BA70];
	[tilespmem:s5+$0x1AA70] =	vst v24;
	s5 =	smov.u32 s4  }
0x371: {  	_ =	sdelay $0x1  }
0x372: {  	v24 =	vld [tilespmem:s5+$0x1AA70]  }
0x373: {  	v25 =	vld [tilespmem:s5+$0x1AA60]  }
0x374: {  	v23 =	vld.idx.msk [tilespmem:v23+s1+$0x0], $0xffff  }
0x375: {  	v26 =	vld [tilespmem:s5+$0x1AA00]  }
0x376: {  	v27 =	vld [tilespmem:s5+$0x1AA10]  }
0x377: {  	v8 =	vmul.f32 $5.000000000e-01, v8;
	v28 =	vld [tilespmem:s5+$0x1AA20]  }
0x378: {  	v29 =	vld [tilespmem:s5+$0x1AA30];
	v9 =	vmul.f32 $5.000000000e-01, v9;
	v10 =	vmul.f32 $5.000000000e-01, v10  }
0x379: {  	v11 =	vmul.f32 $5.000000000e-01, v11;
	v12 =	vmul.f32 $5.000000000e-01, v12;
	v31 =	vld [tilespmem:s5+$0x1AA50]  }
0x37a: {  	v30 =	vld [tilespmem:s5+$0x1AA40];
	v14 =	vmul.f32 $5.000000000e-01, v14;
	v23 =	vmul.f32 $5.000000000e-01, v23;
	v16 =	vadd.f32 v16, v26  }
0x37b: {  	v13 =	vmul.f32 $5.000000000e-01, v13;
	v7 =	vmul.f32 $5.000000000e-01, v7;
	v17 =	vadd.f32 v17, v27  }
0x37c: {  	v21 =	vadd.f32 v21, v25;
	v19 =	vadd.f32 v19, v28;
	v16 =	vmul.f32 v16, v23  }
0x37d: {  	v22 =	vadd.f32 v22, v24;
	v20 =	vadd.f32 v20, v29;
	v17 =	vmul.f32 v17, v23  }
0x37e: {  	v15 =	vadd.f32 v15, v31;
	v19 =	vmul.f32 v19, v23;
	v8 =	vadd.f32 v8, v16  }
0x37f: {  	v18 =	vadd.f32 v18, v30;
	v58 =	vmul.f32 v20, v23;
	v9 =	vadd.f32 v9, v17  }
0x380: {  	v15 =	vmul.f32 v15, v23;
	v10 =	vadd.f32 v10, v19;
	v8 =	vmax.f32 v8, $0.0e+00  }
0x381: {  	v62 =	vmul.f32 v22, v23;
	v11 =	vadd.f32 v11, v58;
	v9 =	vmax.f32 v9, $0.0e+00;
	[tilespmem:s5+$0x1AA00] =	vst v8  }
0x382: {  	v59 =	vmul.f32 v18, v23;
	v61 =	vadd.f32 v14, v15;
	v10 =	vmax.f32 v10, $0.0e+00;
	[tilespmem:s5+$0x1AA10] =	vst v9  }
0x383: {  	v60 =	vmul.f32 v21, v23;
	v7 =	vadd.f32 v7, v62;
	v11 =	vmax.f32 v11, $0.0e+00;
	[tilespmem:s5+$0x1AA20] =	vst v10  }
0x384: {  	v63 =	vmax.f32 v61, $0.0e+00;
	v8 =	vadd.f32 v12, v59;
	[tilespmem:s5+$0x1AA30] =	vst v11  }
.Ltmp27:
0x385: {  	s4 =	sshll.u32 s18, $0x8;
	v7 =	vmax.f32 v7, $0.0e+00;
	v9 =	vadd.f32 v13, v60;
	[tilespmem:s5+$0x1AA50] =	vst v63;
	(pc) =	sbr.rel .LBB2_36-.Ltmp27, $4  }
0x386: {  	s4 =	sor.u32 s9, s4;
	[tilespmem:s5+$0x1AA70] =	vst v7;
	v8 =	vmax.f32 v8, $0.0e+00  }
0x387: {  	s18 =	rddreg [dreg:$0x8];
	s4 =	sshrl.u32 s4, $0x3;
	[tilespmem:s5+$0x1AA40] =	vst v8;
	v8 =	vmax.f32 v9, $0.0e+00  }
0x388: {  	s23 =	simm.s32 $0x1AA00;
	s11 =	simm.s32 $0x100;
	s4 =	sadd.s32 s18, s4;
	[tilespmem:s5+$0x1AA60] =	vst v8  }
0x389: {  	[hbm4b:s4+s26] =	stream.strided.scatter [tilespmem:s23], [sflag:$0x4], $0x1000, s11, s26, $0x38;
	[tilespmem:$0x1F880] =	vst v63  }
.LBB2_38:
0x38a: {  	_ =	sfence.sel $0x180000  }
0x38b: {  	[bflag:$0x0] =	sbarrier.arrive $0xFFFF  }
0x38c: {  	_ =	strace $0x90000047  }
0x38d: {  	s0 =	stileid.u32;
	[bflag:$0x2] =	sbarrier.arrive $0xFFFF  }
0x38e: {  	p0 =	sne.s32 s0, $0x0;
	s0 =	rddreg [dreg:$0x7]  }
0x38f: {  	s0 =	sadd.s32 @!p0 $0x100000, s0  }
0x390: {  	[sflag:s0] =	ssyncadd.tile.s32 @!p0 $0x1;
	_ =	shalt  }
.Lfunc_end2:
_tile_overlayer_lowered:
.L_overlay_start_2:
0x391: {  	(tag) =	ssettag $0x2  }
0x392: {  	s0 =	rddreg [dreg:$0x0];
	s2 =	stileid.u32  }
0x393: {  	s1 =	rddreg [dreg:$0x1];
	p0 =	sne.s32 s2, $0x0  }
0x394: {  	s3 =	rddreg [dreg:$0x2];
	[bflag:$0x3] =	sbarrier.arrive $0xFFFF;
	s2 =	simm.s32 @!p0 $0x1C06  }
0x395: {  	[timem:s3], [sflag:s2] =	dma.local @!p0 [hbm:s0], s1  }
0x396: {  	s0 =	simm.s32 @!p0 $0x6  }
0x397: {  	_ =	swait.ge @!p0 [sflag:s0], s1  }
0x398: {  	s1 =	ssub.s32 @!p0 $0x0, s1;
	[sflag:s0] =	ssyncset.done @!p0 $0x0  }
0x399: {  	[sflag:s0] =	ssyncadd.s32 @!p0 s1  }
0x39a: {  	[bflag:$0x3] =	sbarrier.arrive $0xFFFF  }
0x39b: {  	_ =	shalt  }

</sc_bundles>
